<compile_context>
chip_gen: v7x
topology: tpu7x:2x2x1
jax: 0.10.2.dev20260603
libtpu: 0.0.44.dev20260713+nightly
codegen_flags: <defaults>
</compile_context>

<pallas_src>
import functools

import jax
import jax.numpy as jnp
from jax import lax
from jax.experimental import pallas as pl
from jax.experimental.pallas import tpu as pltpu
from jax.experimental.pallas import tpu_sc as plsc

N = 10000
E = 320000
F = 128
HID = 256

NC = 2
NS = 16
NW = NC * NS
EPT = E // NW
CH = 80
NCHUNK = EPT // CH

RSTEP = 624
RLEN = 640


def _mesh():
    return plsc.VectorSubcoreMesh(
        core_axis_name="c", subcore_axis_name="s", num_cores=NC, num_subcores=NS
    )


def _deg_body(dst_hbm, zeros16_hbm, hist_hbm, ones_v, didx_v, hist_sh, sem):
    c = lax.axis_index("c")
    s = lax.axis_index("s")
    t = c * NS + s
    for i in range(CH):
        ones_v[i] = jnp.ones((16,), jnp.float32)
    pltpu.sync_copy(
        zeros16_hbm.at[pl.ds(s * RSTEP, RLEN)], hist_sh.at[pl.ds(s * RSTEP, RLEN)]
    )
    plsc.subcore_barrier()

    pltpu.sync_copy(dst_hbm.at[t], didx_v)

    def step(g, carry):
        pltpu.sync_copy(ones_v, hist_sh.at[didx_v.at[g]], add=True)
        return carry

    lax.fori_loop(0, NCHUNK, step, 0)

    plsc.subcore_barrier()
    pltpu.sync_copy(
        hist_sh.at[pl.ds(s * RSTEP, RLEN)], hist_hbm.at[c, pl.ds(s * RSTEP, RLEN)]
    )


@functools.cache
def _deg_call():
    return pl.kernel(
        _deg_body,
        out_type=jax.ShapeDtypeStruct((NC, N, 16), jnp.float32),
        mesh=_mesh(),
        scratch_types=[
            pltpu.VMEM((CH, 16), jnp.float32),
            pltpu.VMEM((NCHUNK, CH), jnp.int32),
            pltpu.VMEM_SHARED((N, 16), jnp.float32),
            pltpu.SemaphoreType.DMA,
        ],
    )


def _agg_body(z_hbm, src_hbm, dst_hbm, zeros_hbm, out_hbm,
              sidx_v, didx_v, rows0, rows1, acc_sh, gsem0, gsem1):
    c = lax.axis_index("c")
    s = lax.axis_index("s")
    t = c * NS + s
    pltpu.sync_copy(
        zeros_hbm.at[pl.ds(s * RSTEP, RLEN)], acc_sh.at[pl.ds(s * RSTEP, RLEN)]
    )
    pltpu.sync_copy(src_hbm.at[pl.ds(t * EPT, EPT)], sidx_v)
    pltpu.sync_copy(dst_hbm.at[t], didx_v)
    plsc.subcore_barrier()

    def _gather(g, buf, sem):
        return pltpu.async_copy(
            z_hbm.at[sidx_v.at[pl.ds(g * CH, CH)]], buf, sem
        )

    def _scat(g, buf):
        pltpu.sync_copy(buf, acc_sh.at[didx_v.at[g]], add=True)

    def step(k, carry):
        g0 = k * 5
        d0 = _gather(g0, rows0, gsem0)
        d1 = _gather(g0 + 1, rows1, gsem1)
        d0.wait()
        _scat(g0, rows0)
        d2 = _gather(g0 + 2, rows0, gsem0)
        d1.wait()
        _scat(g0 + 1, rows1)
        d3 = _gather(g0 + 3, rows1, gsem1)
        d2.wait()
        _scat(g0 + 2, rows0)
        d4 = _gather(g0 + 4, rows0, gsem0)
        d3.wait()
        _scat(g0 + 3, rows1)
        d4.wait()
        _scat(g0 + 4, rows0)
        return carry

    lax.fori_loop(0, NCHUNK // 5, step, 0)

    plsc.subcore_barrier()
    pltpu.sync_copy(
        acc_sh.at[pl.ds(s * RSTEP, RLEN)], out_hbm.at[c, pl.ds(s * RSTEP, RLEN)]
    )


@functools.cache
def _agg_call():
    return pl.kernel(
        _agg_body,
        out_type=jax.ShapeDtypeStruct((NC, N, F), jnp.float32),
        mesh=_mesh(),
        scratch_types=[
            pltpu.VMEM((EPT,), jnp.int32),
            pltpu.VMEM((NCHUNK, CH), jnp.int32),
            pltpu.VMEM((CH, F), jnp.float32),
            pltpu.VMEM((CH, F), jnp.float32),
            pltpu.VMEM_SHARED((N, F), jnp.float32),
            pltpu.SemaphoreType.DMA,
            pltpu.SemaphoreType.DMA,
        ],
    )


BLK = 200


def _d_from_hist(hist_blk):
    deg = hist_blk[0, :, 0] + hist_blk[1, :, 0] + 1.0
    return lax.rsqrt(deg)


def _tc1_body(hist_ref, x_ref, z1_ref):
    d = _d_from_hist(hist_ref[...])
    z1_ref[...] = x_ref[...] * d[:, None]


def _tc2_body(hist_ref, p_ref, z1_ref, w1_ref, b1_ref, w2_ref, z2_ref):
    d = _d_from_hist(hist_ref[...])
    p = p_ref[...]
    agg = (p[0] + p[1] + z1_ref[...]) * d[:, None]
    h = jnp.dot(agg, w1_ref[...], preferred_element_type=jnp.float32)
    h = jnp.maximum(h + b1_ref[...], 0.0)
    g = jnp.dot(h, w2_ref[...], preferred_element_type=jnp.float32)
    z2_ref[...] = g * d[:, None]


def _tc3_body(hist_ref, q_ref, z2_ref, b2_ref, out_ref):
    d = _d_from_hist(hist_ref[...])
    q = q_ref[...]
    out_ref[...] = (q[0] + q[1] + z2_ref[...]) * d[:, None] + b2_ref[...]


_hist_spec = pl.BlockSpec((NC, BLK, 16), lambda i: (0, i, 0))
_row_spec = pl.BlockSpec((BLK, F), lambda i: (i, 0))
_pair_spec = pl.BlockSpec((NC, BLK, F), lambda i: (0, i, 0))


def _tc1(hist, x):
    return pl.pallas_call(
        _tc1_body,
        grid=(N // BLK,),
        in_specs=[_hist_spec, _row_spec],
        out_specs=_row_spec,
        out_shape=jax.ShapeDtypeStruct((N, F), jnp.float32),
    )(hist, x)


def _tc2(hist, p, z1, w1, b1, w2):
    return pl.pallas_call(
        _tc2_body,
        grid=(N // BLK,),
        in_specs=[
            _hist_spec,
            _pair_spec,
            _row_spec,
            pl.BlockSpec((F, HID), lambda i: (0, 0)),
            pl.BlockSpec((1, HID), lambda i: (0, 0)),
            pl.BlockSpec((HID, F), lambda i: (0, 0)),
        ],
        out_specs=_row_spec,
        out_shape=jax.ShapeDtypeStruct((N, F), jnp.float32),
    )(hist, p, z1, w1, b1, w2)


def _tc3(hist, q, z2, b2):
    return pl.pallas_call(
        _tc3_body,
        grid=(N // BLK,),
        in_specs=[
            _hist_spec,
            _pair_spec,
            _row_spec,
            pl.BlockSpec((1, F), lambda i: (0, 0)),
        ],
        out_specs=_row_spec,
        out_shape=jax.ShapeDtypeStruct((N, F), jnp.float32),
    )(hist, q, z2, b2)


def kernel(x, edge_index, W1, b1, W2, b2):
    x = x.astype(jnp.float32)
    src = edge_index[0].astype(jnp.int32)
    dst = edge_index[1].astype(jnp.int32).reshape(NW, NCHUNK, CH)
    zeros16 = jnp.zeros((N, 16), jnp.float32)
    zeros128 = jnp.zeros((N, F), jnp.float32)
    b1r = b1.reshape(1, HID).astype(jnp.float32)
    b2r = b2.reshape(1, F).astype(jnp.float32)

    hist = _deg_call()(dst, zeros16)
    z1 = _tc1(hist, x)
    p = _agg_call()(z1, src, dst, zeros128)
    z2 = _tc2(hist, p, z1, W1.astype(jnp.float32), b1r, W2.astype(jnp.float32))
    q = _agg_call()(z2, src, dst, zeros128)
    return _tc3(hist, q, z2, b2r)

# --- scband reference (transcript-rebuilt; emitter-appended) ---
"""Pipeline reference for scband-gcnencoder-7490422964886 (READ-ONLY COPY).

The authoritative reference and input builder live on the scoring server;
editing this copy changes nothing except your own understanding.
"""

import jax, jax.numpy as jnp
import numpy as np

N_NODES = 10000
N_EDGES = 320000
IN_CH = 128
OUT_CH = 128
HID = 2 * OUT_CH


def setup_inputs(seed: int = 0) -> dict:
    key = jax.random.key(seed)
    k1, k2, k3, k4, k5, k6 = jax.random.split(key, 6)
    x = jax.random.normal(k1, (N_NODES, IN_CH), dtype=jnp.float32)
    edge_index = jax.random.randint(k2, (2, N_EDGES), 0, N_NODES, dtype=jnp.int64)
    # Glorot-style init for GCNConv linear weights, zeros for bias (PyG default)
    s1 = (6.0 / (IN_CH + HID)) ** 0.5
    W1 = jax.random.uniform(k3, (IN_CH, HID), dtype=jnp.float32, minval=-s1, maxval=s1)
    b1 = jnp.zeros((HID,), dtype=jnp.float32)
    s2 = (6.0 / (HID + OUT_CH)) ** 0.5
    W2 = jax.random.uniform(k4, (HID, OUT_CH), dtype=jnp.float32, minval=-s2, maxval=s2)
    b2 = jnp.zeros((OUT_CH,), dtype=jnp.float32)
    return {"x": x, "edge_index": edge_index, "W1": W1, "b1": b1, "W2": W2, "b2": b2}


def _gcn_conv(x, edge_index, W, b, num_nodes):
    # PyG GCNConv: add self-loops, symmetric normalization D^-1/2 (A+I) D^-1/2, then X W + bias
    loop = jnp.arange(num_nodes, dtype=edge_index.dtype)
    src = jnp.concatenate([edge_index[0], loop])
    dst = jnp.concatenate([edge_index[1], loop])
    deg = jnp.zeros((num_nodes,), dtype=jnp.float32).at[dst].add(1.0)
    deg_inv_sqrt = jnp.where(deg > 0, deg ** -0.5, 0.0)
    norm = deg_inv_sqrt[src] * deg_inv_sqrt[dst]
    h = x @ W
    msg = h[src] * norm[:, None]
    out = jnp.zeros((num_nodes, W.shape[1]), dtype=h.dtype).at[dst].add(msg)
    return out + b


def reference(x, edge_index, W1, b1, W2, b2):
    x = x.astype(jnp.float32)
    h = _gcn_conv(x, edge_index, W1, b1, N_NODES)
    h = jax.nn.relu(h)
    out = _gcn_conv(h, edge_index, W2, b2, N_NODES)
    return out

if __name__ == "__main__":
    import jax
    _d = setup_inputs()
    print(jax.jit(kernel)(*tuple(_d.values())))

</pallas_src>

<mosaic_0001>
#map = affine_map<(d0, d1) -> (0, 0, 0)>
#map1 = affine_map<(d0, d1) -> (0, 0)>
module attributes {stable_mosaic.version = 14 : i64} {
  func.func @_deg_body(%arg0: i32, %arg1: i32, %arg2: memref<32x125x80xi32, #tpu.memory_space<hbm>>, %arg3: memref<10000x16xf32, #tpu.memory_space<hbm>>, %arg4: memref<2x10000x16xf32, #tpu.memory_space<hbm>>, %arg5: memref<80x16xf32, #tpu.memory_space<vmem>>, %arg6: memref<125x80xi32, #tpu.memory_space<vmem>>, %arg7: memref<10000x16xf32, #tpu.memory_space<vmem_shared>>, %arg8: memref<!tpu.dma_semaphore, #tpu.memory_space<semaphore_mem>>) attributes {dimension_semantics = [#tpu.dimension_semantics<core_parallel>, #tpu.dimension_semantics<subcore_parallel>], iteration_bounds = array<i64: 2, 16>, scalar_prefetch = 0 : i64, scratch_operands = 4 : i64, tpu.core_type = #tpu.core_type<sc_vector_subcore>, window_params = [{transform_indices = #map}, {transform_indices = #map1}, {transform_indices = #map}]} {
    %mul3A = arith.constant 16 : i32
    %mul3A_0 = arith.muli %arg0, %mul3A : i32
    %add3A = arith.addi %mul3A_0, %arg1 : i32
    %broadcast_in_dim3A = arith.constant 1.000000e+00 : f32
    %broadcast_in_dim3A_1 = vector.broadcast %broadcast_in_dim3A : f32 to vector<16xf32>
    %swap3A = arith.constant 0 : i32
    %swap3A_2 = arith.index_cast %swap3A : i32 to index
    %swap3A_3 = arith.constant 0 : index
    %swap3A_4 = tpu.vector_load %arg5[%swap3A_2, %swap3A_3] {strides = array<i32>} : memref<80x16xf32, #tpu.memory_space<vmem>>, vector<1x16xf32>,
    %swap3A_5 = vector.shape_cast %swap3A_4 : vector<1x16xf32> to vector<16xf32>
    %swap3A_6 = vector.shape_cast %broadcast_in_dim3A_1 : vector<16xf32> to vector<1x16xf32>
    tpu.vector_store %arg5[%swap3A_2, %swap3A_3], %swap3A_6 {strides = array<i32>} : memref<80x16xf32, #tpu.memory_space<vmem>>, vector<1x16xf32>,
    %broadcast_in_dim3A_7 = arith.constant 1.000000e+00 : f32
    %broadcast_in_dim3A_8 = vector.broadcast %broadcast_in_dim3A_7 : f32 to vector<16xf32>
    %swap3A_9 = arith.constant 1 : i32
    %swap3A_10 = arith.index_cast %swap3A_9 : i32 to index
    %swap3A_11 = arith.constant 0 : index
    %swap3A_12 = tpu.vector_load %arg5[%swap3A_10, %swap3A_11] {strides = array<i32>} : memref<80x16xf32, #tpu.memory_space<vmem>>, vector<1x16xf32>,
    %swap3A_13 = vector.shape_cast %swap3A_12 : vector<1x16xf32> to vector<16xf32>
    %swap3A_14 = vector.shape_cast %broadcast_in_dim3A_8 : vector<16xf32> to vector<1x16xf32>
    tpu.vector_store %arg5[%swap3A_10, %swap3A_11], %swap3A_14 {strides = array<i32>} : memref<80x16xf32, #tpu.memory_space<vmem>>, vector<1x16xf32>,
    %broadcast_in_dim3A_15 = arith.constant 1.000000e+00 : f32
    %broadcast_in_dim3A_16 = vector.broadcast %broadcast_in_dim3A_15 : f32 to vector<16xf32>
    %swap3A_17 = arith.constant 2 : i32
    %swap3A_18 = arith.index_cast %swap3A_17 : i32 to index
    %swap3A_19 = arith.constant 0 : index
    %swap3A_20 = tpu.vector_load %arg5[%swap3A_18, %swap3A_19] {strides = array<i32>} : memref<80x16xf32, #tpu.memory_space<vmem>>, vector<1x16xf32>,
    %swap3A_21 = vector.shape_cast %swap3A_20 : vector<1x16xf32> to vector<16xf32>
    %swap3A_22 = vector.shape_cast %broadcast_in_dim3A_16 : vector<16xf32> to vector<1x16xf32>
    tpu.vector_store %arg5[%swap3A_18, %swap3A_19], %swap3A_22 {strides = array<i32>} : memref<80x16xf32, #tpu.memory_space<vmem>>, vector<1x16xf32>,
    %broadcast_in_dim3A_23 = arith.constant 1.000000e+00 : f32
    %broadcast_in_dim3A_24 = vector.broadcast %broadcast_in_dim3A_23 : f32 to vector<16xf32>
    %swap3A_25 = arith.constant 3 : i32
    %swap3A_26 = arith.index_cast %swap3A_25 : i32 to index
    %swap3A_27 = arith.constant 0 : index
    %swap3A_28 = tpu.vector_load %arg5[%swap3A_26, %swap3A_27] {strides = array<i32>} : memref<80x16xf32, #tpu.memory_space<vmem>>, vector<1x16xf32>,
    %swap3A_29 = vector.shape_cast %swap3A_28 : vector<1x16xf32> to vector<16xf32>
    %swap3A_30 = vector.shape_cast %broadcast_in_dim3A_24 : vector<16xf32> to vector<1x16xf32>
    tpu.vector_store %arg5[%swap3A_26, %swap3A_27], %swap3A_30 {strides = array<i32>} : memref<80x16xf32, #tpu.memory_space<vmem>>, vector<1x16xf32>,
    %broadcast_in_dim3A_31 = arith.constant 1.000000e+00 : f32
    %broadcast_in_dim3A_32 = vector.broadcast %broadcast_in_dim3A_31 : f32 to vector<16xf32>
    %swap3A_33 = arith.constant 4 : i32
    %swap3A_34 = arith.index_cast %swap3A_33 : i32 to index
    %swap3A_35 = arith.constant 0 : index
    %swap3A_36 = tpu.vector_load %arg5[%swap3A_34, %swap3A_35] {strides = array<i32>} : memref<80x16xf32, #tpu.memory_space<vmem>>, vector<1x16xf32>,
    %swap3A_37 = vector.shape_cast %swap3A_36 : vector<1x16xf32> to vector<16xf32>
    %swap3A_38 = vector.shape_cast %broadcast_in_dim3A_32 : vector<16xf32> to vector<1x16xf32>
    tpu.vector_store %arg5[%swap3A_34, %swap3A_35], %swap3A_38 {strides = array<i32>} : memref<80x16xf32, #tpu.memory_space<vmem>>, vector<1x16xf32>,
    %broadcast_in_dim3A_39 = arith.constant 1.000000e+00 : f32
    %broadcast_in_dim3A_40 = vector.broadcast %broadcast_in_dim3A_39 : f32 to vector<16xf32>
    %swap3A_41 = arith.constant 5 : i32
    %swap3A_42 = arith.index_cast %swap3A_41 : i32 to index
    %swap3A_43 = arith.constant 0 : index
    %swap3A_44 = tpu.vector_load %arg5[%swap3A_42, %swap3A_43] {strides = array<i32>} : memref<80x16xf32, #tpu.memory_space<vmem>>, vector<1x16xf32>,
    %swap3A_45 = vector.shape_cast %swap3A_44 : vector<1x16xf32> to vector<16xf32>
    %swap3A_46 = vector.shape_cast %broadcast_in_dim3A_40 : vector<16xf32> to vector<1x16xf32>
    tpu.vector_store %arg5[%swap3A_42, %swap3A_43], %swap3A_46 {strides = array<i32>} : memref<80x16xf32, #tpu.memory_space<vmem>>, vector<1x16xf32>,
    %broadcast_in_dim3A_47 = arith.constant 1.000000e+00 : f32
    %broadcast_in_dim3A_48 = vector.broadcast %broadcast_in_dim3A_47 : f32 to vector<16xf32>
    %swap3A_49 = arith.constant 6 : i32
    %swap3A_50 = arith.index_cast %swap3A_49 : i32 to index
    %swap3A_51 = arith.constant 0 : index
    %swap3A_52 = tpu.vector_load %arg5[%swap3A_50, %swap3A_51] {strides = array<i32>} : memref<80x16xf32, #tpu.memory_space<vmem>>, vector<1x16xf32>,
    %swap3A_53 = vector.shape_cast %swap3A_52 : vector<1x16xf32> to vector<16xf32>
    %swap3A_54 = vector.shape_cast %broadcast_in_dim3A_48 : vector<16xf32> to vector<1x16xf32>
    tpu.vector_store %arg5[%swap3A_50, %swap3A_51], %swap3A_54 {strides = array<i32>} : memref<80x16xf32, #tpu.memory_space<vmem>>, vector<1x16xf32>,
    %broadcast_in_dim3A_55 = arith.constant 1.000000e+00 : f32
    %broadcast_in_dim3A_56 = vector.broadcast %broadcast_in_dim3A_55 : f32 to vector<16xf32>
    %swap3A_57 = arith.constant 7 : i32
    %swap3A_58 = arith.index_cast %swap3A_57 : i32 to index
    %swap3A_59 = arith.constant 0 : index
    %swap3A_60 = tpu.vector_load %arg5[%swap3A_58, %swap3A_59] {strides = array<i32>} : memref<80x16xf32, #tpu.memory_space<vmem>>, vector<1x16xf32>,
    %swap3A_61 = vector.shape_cast %swap3A_60 : vector<1x16xf32> to vector<16xf32>
    %swap3A_62 = vector.shape_cast %broadcast_in_dim3A_56 : vector<16xf32> to vector<1x16xf32>
    tpu.vector_store %arg5[%swap3A_58, %swap3A_59], %swap3A_62 {strides = array<i32>} : memref<80x16xf32, #tpu.memory_space<vmem>>, vector<1x16xf32>,
    %broadcast_in_dim3A_63 = arith.constant 1.000000e+00 : f32
    %broadcast_in_dim3A_64 = vector.broadcast %broadcast_in_dim3A_63 : f32 to vector<16xf32>
    %swap3A_65 = arith.constant 8 : i32
    %swap3A_66 = arith.index_cast %swap3A_65 : i32 to index
    %swap3A_67 = arith.constant 0 : index
    %swap3A_68 = tpu.vector_load %arg5[%swap3A_66, %swap3A_67] {strides = array<i32>} : memref<80x16xf32, #tpu.memory_space<vmem>>, vector<1x16xf32>,
    %swap3A_69 = vector.shape_cast %swap3A_68 : vector<1x16xf32> to vector<16xf32>
    %swap3A_70 = vector.shape_cast %broadcast_in_dim3A_64 : vector<16xf32> to vector<1x16xf32>
    tpu.vector_store %arg5[%swap3A_66, %swap3A_67], %swap3A_70 {strides = array<i32>} : memref<80x16xf32, #tpu.memory_space<vmem>>, vector<1x16xf32>,
    %broadcast_in_dim3A_71 = arith.constant 1.000000e+00 : f32
    %broadcast_in_dim3A_72 = vector.broadcast %broadcast_in_dim3A_71 : f32 to vector<16xf32>
    %swap3A_73 = arith.constant 9 : i32
    %swap3A_74 = arith.index_cast %swap3A_73 : i32 to index
    %swap3A_75 = arith.constant 0 : index
    %swap3A_76 = tpu.vector_load %arg5[%swap3A_74, %swap3A_75] {strides = array<i32>} : memref<80x16xf32, #tpu.memory_space<vmem>>, vector<1x16xf32>,
    %swap3A_77 = vector.shape_cast %swap3A_76 : vector<1x16xf32> to vector<16xf32>
    %swap3A_78 = vector.shape_cast %broadcast_in_dim3A_72 : vector<16xf32> to vector<1x16xf32>
    tpu.vector_store %arg5[%swap3A_74, %swap3A_75], %swap3A_78 {strides = array<i32>} : memref<80x16xf32, #tpu.memory_space<vmem>>, vector<1x16xf32>,
    %broadcast_in_dim3A_79 = arith.constant 1.000000e+00 : f32
    %broadcast_in_dim3A_80 = vector.broadcast %broadcast_in_dim3A_79 : f32 to vector<16xf32>
    %swap3A_81 = arith.constant 10 : i32
    %swap3A_82 = arith.index_cast %swap3A_81 : i32 to index
    %swap3A_83 = arith.constant 0 : index
    %swap3A_84 = tpu.vector_load %arg5[%swap3A_82, %swap3A_83] {strides = array<i32>} : memref<80x16xf32, #tpu.memory_space<vmem>>, vector<1x16xf32>,
    %swap3A_85 = vector.shape_cast %swap3A_84 : vector<1x16xf32> to vector<16xf32>
    %swap3A_86 = vector.shape_cast %broadcast_in_dim3A_80 : vector<16xf32> to vector<1x16xf32>
    tpu.vector_store %arg5[%swap3A_82, %swap3A_83], %swap3A_86 {strides = array<i32>} : memref<80x16xf32, #tpu.memory_space<vmem>>, vector<1x16xf32>,
    %broadcast_in_dim3A_87 = arith.constant 1.000000e+00 : f32
    %broadcast_in_dim3A_88 = vector.broadcast %broadcast_in_dim3A_87 : f32 to vector<16xf32>
    %swap3A_89 = arith.constant 11 : i32
    %swap3A_90 = arith.index_cast %swap3A_89 : i32 to index
    %swap3A_91 = arith.constant 0 : index
    %swap3A_92 = tpu.vector_load %arg5[%swap3A_90, %swap3A_91] {strides = array<i32>} : memref<80x16xf32, #tpu.memory_space<vmem>>, vector<1x16xf32>,
    %swap3A_93 = vector.shape_cast %swap3A_92 : vector<1x16xf32> to vector<16xf32>
    %swap3A_94 = vector.shape_cast %broadcast_in_dim3A_88 : vector<16xf32> to vector<1x16xf32>
    tpu.vector_store %arg5[%swap3A_90, %swap3A_91], %swap3A_94 {strides = array<i32>} : memref<80x16xf32, #tpu.memory_space<vmem>>, vector<1x16xf32>,
    %broadcast_in_dim3A_95 = arith.constant 1.000000e+00 : f32
    %broadcast_in_dim3A_96 = vector.broadcast %broadcast_in_dim3A_95 : f32 to vector<16xf32>
    %swap3A_97 = arith.constant 12 : i32
    %swap3A_98 = arith.index_cast %swap3A_97 : i32 to index
    %swap3A_99 = arith.constant 0 : index
    %swap3A_100 = tpu.vector_load %arg5[%swap3A_98, %swap3A_99] {strides = array<i32>} : memref<80x16xf32, #tpu.memory_space<vmem>>, vector<1x16xf32>,
    %swap3A_101 = vector.shape_cast %swap3A_100 : vector<1x16xf32> to vector<16xf32>
    %swap3A_102 = vector.shape_cast %broadcast_in_dim3A_96 : vector<16xf32> to vector<1x16xf32>
    tpu.vector_store %arg5[%swap3A_98, %swap3A_99], %swap3A_102 {strides = array<i32>} : memref<80x16xf32, #tpu.memory_space<vmem>>, vector<1x16xf32>,
    %broadcast_in_dim3A_103 = arith.constant 1.000000e+00 : f32
    %broadcast_in_dim3A_104 = vector.broadcast %broadcast_in_dim3A_103 : f32 to vector<16xf32>
    %swap3A_105 = arith.constant 13 : i32
    %swap3A_106 = arith.index_cast %swap3A_105 : i32 to index
    %swap3A_107 = arith.constant 0 : index
    %swap3A_108 = tpu.vector_load %arg5[%swap3A_106, %swap3A_107] {strides = array<i32>} : memref<80x16xf32, #tpu.memory_space<vmem>>, vector<1x16xf32>,
    %swap3A_109 = vector.shape_cast %swap3A_108 : vector<1x16xf32> to vector<16xf32>
    %swap3A_110 = vector.shape_cast %broadcast_in_dim3A_104 : vector<16xf32> to vector<1x16xf32>
    tpu.vector_store %arg5[%swap3A_106, %swap3A_107], %swap3A_110 {strides = array<i32>} : memref<80x16xf32, #tpu.memory_space<vmem>>, vector<1x16xf32>,
    %broadcast_in_dim3A_111 = arith.constant 1.000000e+00 : f32
    %broadcast_in_dim3A_112 = vector.broadcast %broadcast_in_dim3A_111 : f32 to vector<16xf32>
    %swap3A_113 = arith.constant 14 : i32
    %swap3A_114 = arith.index_cast %swap3A_113 : i32 to index
    %swap3A_115 = arith.constant 0 : index
    %swap3A_116 = tpu.vector_load %arg5[%swap3A_114, %swap3A_115] {strides = array<i32>} : memref<80x16xf32, #tpu.memory_space<vmem>>, vector<1x16xf32>,
    %swap3A_117 = vector.shape_cast %swap3A_116 : vector<1x16xf32> to vector<16xf32>
    %swap3A_118 = vector.shape_cast %broadcast_in_dim3A_112 : vector<16xf32> to vector<1x16xf32>
    tpu.vector_store %arg5[%swap3A_114, %swap3A_115], %swap3A_118 {strides = array<i32>} : memref<80x16xf32, #tpu.memory_space<vmem>>, vector<1x16xf32>,
    %broadcast_in_dim3A_119 = arith.constant 1.000000e+00 : f32
    %broadcast_in_dim3A_120 = vector.broadcast %broadcast_in_dim3A_119 : f32 to vector<16xf32>
    %swap3A_121 = arith.constant 15 : i32
    %swap3A_122 = arith.index_cast %swap3A_121 : i32 to index
    %swap3A_123 = arith.constant 0 : index
    %swap3A_124 = tpu.vector_load %arg5[%swap3A_122, %swap3A_123] {strides = array<i32>} : memref<80x16xf32, #tpu.memory_space<vmem>>, vector<1x16xf32>,
    %swap3A_125 = vector.shape_cast %swap3A_124 : vector<1x16xf32> to vector<16xf32>
    %swap3A_126 = vector.shape_cast %broadcast_in_dim3A_120 : vector<16xf32> to vector<1x16xf32>
    tpu.vector_store %arg5[%swap3A_122, %swap3A_123], %swap3A_126 {strides = array<i32>} : memref<80x16xf32, #tpu.memory_space<vmem>>, vector<1x16xf32>,
    %broadcast_in_dim3A_127 = arith.constant 1.000000e+00 : f32
    %broadcast_in_dim3A_128 = vector.broadcast %broadcast_in_dim3A_127 : f32 to vector<16xf32>
    %swap3A_129 = arith.constant 16 : i32
    %swap3A_130 = arith.index_cast %swap3A_129 : i32 to index
    %swap3A_131 = arith.constant 0 : index
    %swap3A_132 = tpu.vector_load %arg5[%swap3A_130, %swap3A_131] {strides = array<i32>} : memref<80x16xf32, #tpu.memory_space<vmem>>, vector<1x16xf32>,
    %swap3A_133 = vector.shape_cast %swap3A_132 : vector<1x16xf32> to vector<16xf32>
    %swap3A_134 = vector.shape_cast %broadcast_in_dim3A_128 : vector<16xf32> to vector<1x16xf32>
    tpu.vector_store %arg5[%swap3A_130, %swap3A_131], %swap3A_134 {strides = array<i32>} : memref<80x16xf32, #tpu.memory_space<vmem>>, vector<1x16xf32>,
    %broadcast_in_dim3A_135 = arith.constant 1.000000e+00 : f32
    %broadcast_in_dim3A_136 = vector.broadcast %broadcast_in_dim3A_135 : f32 to vector<16xf32>
    %swap3A_137 = arith.constant 17 : i32
    %swap3A_138 = arith.index_cast %swap3A_137 : i32 to index
    %swap3A_139 = arith.constant 0 : index
    %swap3A_140 = tpu.vector_load %arg5[%swap3A_138, %swap3A_139] {strides = array<i32>} : memref<80x16xf32, #tpu.memory_space<vmem>>, vector<1x16xf32>,
    %swap3A_141 = vector.shape_cast %swap3A_140 : vector<1x16xf32> to vector<16xf32>
    %swap3A_142 = vector.shape_cast %broadcast_in_dim3A_136 : vector<16xf32> to vector<1x16xf32>
    tpu.vector_store %arg5[%swap3A_138, %swap3A_139], %swap3A_142 {strides = array<i32>} : memref<80x16xf32, #tpu.memory_space<vmem>>, vector<1x16xf32>,
    %broadcast_in_dim3A_143 = arith.constant 1.000000e+00 : f32
    %broadcast_in_dim3A_144 = vector.broadcast %broadcast_in_dim3A_143 : f32 to vector<16xf32>
    %swap3A_145 = arith.constant 18 : i32
    %swap3A_146 = arith.index_cast %swap3A_145 : i32 to index
    %swap3A_147 = arith.constant 0 : index
    %swap3A_148 = tpu.vector_load %arg5[%swap3A_146, %swap3A_147] {strides = array<i32>} : memref<80x16xf32, #tpu.memory_space<vmem>>, vector<1x16xf32>,
    %swap3A_149 = vector.shape_cast %swap3A_148 : vector<1x16xf32> to vector<16xf32>
    %swap3A_150 = vector.shape_cast %broadcast_in_dim3A_144 : vector<16xf32> to vector<1x16xf32>
    tpu.vector_store %arg5[%swap3A_146, %swap3A_147], %swap3A_150 {strides = array<i32>} : memref<80x16xf32, #tpu.memory_space<vmem>>, vector<1x16xf32>,
    %broadcast_in_dim3A_151 = arith.constant 1.000000e+00 : f32
    %broadcast_in_dim3A_152 = vector.broadcast %broadcast_in_dim3A_151 : f32 to vector<16xf32>
    %swap3A_153 = arith.constant 19 : i32
    %swap3A_154 = arith.index_cast %swap3A_153 : i32 to index
    %swap3A_155 = arith.constant 0 : index
    %swap3A_156 = tpu.vector_load %arg5[%swap3A_154, %swap3A_155] {strides = array<i32>} : memref<80x16xf32, #tpu.memory_space<vmem>>, vector<1x16xf32>,
    %swap3A_157 = vector.shape_cast %swap3A_156 : vector<1x16xf32> to vector<16xf32>
    %swap3A_158 = vector.shape_cast %broadcast_in_dim3A_152 : vector<16xf32> to vector<1x16xf32>
    tpu.vector_store %arg5[%swap3A_154, %swap3A_155], %swap3A_158 {strides = array<i32>} : memref<80x16xf32, #tpu.memory_space<vmem>>, vector<1x16xf32>,
    %broadcast_in_dim3A_159 = arith.constant 1.000000e+00 : f32
    %broadcast_in_dim3A_160 = vector.broadcast %broadcast_in_dim3A_159 : f32 to vector<16xf32>
    %swap3A_161 = arith.constant 20 : i32
    %swap3A_162 = arith.index_cast %swap3A_161 : i32 to index
    %swap3A_163 = arith.constant 0 : index
    %swap3A_164 = tpu.vector_load %arg5[%swap3A_162, %swap3A_163] {strides = array<i32>} : memref<80x16xf32, #tpu.memory_space<vmem>>, vector<1x16xf32>,
    %swap3A_165 = vector.shape_cast %swap3A_164 : vector<1x16xf32> to vector<16xf32>
    %swap3A_166 = vector.shape_cast %broadcast_in_dim3A_160 : vector<16xf32> to vector<1x16xf32>
    tpu.vector_store %arg5[%swap3A_162, %swap3A_163], %swap3A_166 {strides = array<i32>} : memref<80x16xf32, #tpu.memory_space<vmem>>, vector<1x16xf32>,
    %broadcast_in_dim3A_167 = arith.constant 1.000000e+00 : f32
    %broadcast_in_dim3A_168 = vector.broadcast %broadcast_in_dim3A_167 : f32 to vector<16xf32>
    %swap3A_169 = arith.constant 21 : i32
    %swap3A_170 = arith.index_cast %swap3A_169 : i32 to index
    %swap3A_171 = arith.constant 0 : index
    %swap3A_172 = tpu.vector_load %arg5[%swap3A_170, %swap3A_171] {strides = array<i32>} : memref<80x16xf32, #tpu.memory_space<vmem>>, vector<1x16xf32>,
    %swap3A_173 = vector.shape_cast %swap3A_172 : vector<1x16xf32> to vector<16xf32>
    %swap3A_174 = vector.shape_cast %broadcast_in_dim3A_168 : vector<16xf32> to vector<1x16xf32>
    tpu.vector_store %arg5[%swap3A_170, %swap3A_171], %swap3A_174 {strides = array<i32>} : memref<80x16xf32, #tpu.memory_space<vmem>>, vector<1x16xf32>,
    %broadcast_in_dim3A_175 = arith.constant 1.000000e+00 : f32
    %broadcast_in_dim3A_176 = vector.broadcast %broadcast_in_dim3A_175 : f32 to vector<16xf32>
    %swap3A_177 = arith.constant 22 : i32
    %swap3A_178 = arith.index_cast %swap3A_177 : i32 to index
    %swap3A_179 = arith.constant 0 : index
    %swap3A_180 = tpu.vector_load %arg5[%swap3A_178, %swap3A_179] {strides = array<i32>} : memref<80x16xf32, #tpu.memory_space<vmem>>, vector<1x16xf32>,
    %swap3A_181 = vector.shape_cast %swap3A_180 : vector<1x16xf32> to vector<16xf32>
    %swap3A_182 = vector.shape_cast %broadcast_in_dim3A_176 : vector<16xf32> to vector<1x16xf32>
    tpu.vector_store %arg5[%swap3A_178, %swap3A_179], %swap3A_182 {strides = array<i32>} : memref<80x16xf32, #tpu.memory_space<vmem>>, vector<1x16xf32>,
    %broadcast_in_dim3A_183 = arith.constant 1.000000e+00 : f32
    %broadcast_in_dim3A_184 = vector.broadcast %broadcast_in_dim3A_183 : f32 to vector<16xf32>
    %swap3A_185 = arith.constant 23 : i32
    %swap3A_186 = arith.index_cast %swap3A_185 : i32 to index
    %swap3A_187 = arith.constant 0 : index
    %swap3A_188 = tpu.vector_load %arg5[%swap3A_186, %swap3A_187] {strides = array<i32>} : memref<80x16xf32, #tpu.memory_space<vmem>>, vector<1x16xf32>,
    %swap3A_189 = vector.shape_cast %swap3A_188 : vector<1x16xf32> to vector<16xf32>
    %swap3A_190 = vector.shape_cast %broadcast_in_dim3A_184 : vector<16xf32> to vector<1x16xf32>
    tpu.vector_store %arg5[%swap3A_186, %swap3A_187], %swap3A_190 {strides = array<i32>} : memref<80x16xf32, #tpu.memory_space<vmem>>, vector<1x16xf32>,
    %broadcast_in_dim3A_191 = arith.constant 1.000000e+00 : f32
    %broadcast_in_dim3A_192 = vector.broadcast %broadcast_in_dim3A_191 : f32 to vector<16xf32>
    %swap3A_193 = arith.constant 24 : i32
    %swap3A_194 = arith.index_cast %swap3A_193 : i32 to index
    %swap3A_195 = arith.constant 0 : index
    %swap3A_196 = tpu.vector_load %arg5[%swap3A_194, %swap3A_195] {strides = array<i32>} : memref<80x16xf32, #tpu.memory_space<vmem>>, vector<1x16xf32>,
    %swap3A_197 = vector.shape_cast %swap3A_196 : vector<1x16xf32> to vector<16xf32>
    %swap3A_198 = vector.shape_cast %broadcast_in_dim3A_192 : vector<16xf32> to vector<1x16xf32>
    tpu.vector_store %arg5[%swap3A_194, %swap3A_195], %swap3A_198 {strides = array<i32>} : memref<80x16xf32, #tpu.memory_space<vmem>>, vector<1x16xf32>,
    %broadcast_in_dim3A_199 = arith.constant 1.000000e+00 : f32
    %broadcast_in_dim3A_200 = vector.broadcast %broadcast_in_dim3A_199 : f32 to vector<16xf32>
    %swap3A_201 = arith.constant 25 : i32
    %swap3A_202 = arith.index_cast %swap3A_201 : i32 to index
    %swap3A_203 = arith.constant 0 : index
    %swap3A_204 = tpu.vector_load %arg5[%swap3A_202, %swap3A_203] {strides = array<i32>} : memref<80x16xf32, #tpu.memory_space<vmem>>, vector<1x16xf32>,
    %swap3A_205 = vector.shape_cast %swap3A_204 : vector<1x16xf32> to vector<16xf32>
    %swap3A_206 = vector.shape_cast %broadcast_in_dim3A_200 : vector<16xf32> to vector<1x16xf32>
    tpu.vector_store %arg5[%swap3A_202, %swap3A_203], %swap3A_206 {strides = array<i32>} : memref<80x16xf32, #tpu.memory_space<vmem>>, vector<1x16xf32>,
    %broadcast_in_dim3A_207 = arith.constant 1.000000e+00 : f32
    %broadcast_in_dim3A_208 = vector.broadcast %broadcast_in_dim3A_207 : f32 to vector<16xf32>
    %swap3A_209 = arith.constant 26 : i32
    %swap3A_210 = arith.index_cast %swap3A_209 : i32 to index
    %swap3A_211 = arith.constant 0 : index
    %swap3A_212 = tpu.vector_load %arg5[%swap3A_210, %swap3A_211] {strides = array<i32>} : memref<80x16xf32, #tpu.memory_space<vmem>>, vector<1x16xf32>,
    %swap3A_213 = vector.shape_cast %swap3A_212 : vector<1x16xf32> to vector<16xf32>
    %swap3A_214 = vector.shape_cast %broadcast_in_dim3A_208 : vector<16xf32> to vector<1x16xf32>
    tpu.vector_store %arg5[%swap3A_210, %swap3A_211], %swap3A_214 {strides = array<i32>} : memref<80x16xf32, #tpu.memory_space<vmem>>, vector<1x16xf32>,
    %broadcast_in_dim3A_215 = arith.constant 1.000000e+00 : f32
    %broadcast_in_dim3A_216 = vector.broadcast %broadcast_in_dim3A_215 : f32 to vector<16xf32>
    %swap3A_217 = arith.constant 27 : i32
    %swap3A_218 = arith.index_cast %swap3A_217 : i32 to index
    %swap3A_219 = arith.constant 0 : index
    %swap3A_220 = tpu.vector_load %arg5[%swap3A_218, %swap3A_219] {strides = array<i32>} : memref<80x16xf32, #tpu.memory_space<vmem>>, vector<1x16xf32>,
    %swap3A_221 = vector.shape_cast %swap3A_220 : vector<1x16xf32> to vector<16xf32>
    %swap3A_222 = vector.shape_cast %broadcast_in_dim3A_216 : vector<16xf32> to vector<1x16xf32>
    tpu.vector_store %arg5[%swap3A_218, %swap3A_219], %swap3A_222 {strides = array<i32>} : memref<80x16xf32, #tpu.memory_space<vmem>>, vector<1x16xf32>,
    %broadcast_in_dim3A_223 = arith.constant 1.000000e+00 : f32
    %broadcast_in_dim3A_224 = vector.broadcast %broadcast_in_dim3A_223 : f32 to vector<16xf32>
    %swap3A_225 = arith.constant 28 : i32
    %swap3A_226 = arith.index_cast %swap3A_225 : i32 to index
    %swap3A_227 = arith.constant 0 : index
    %swap3A_228 = tpu.vector_load %arg5[%swap3A_226, %swap3A_227] {strides = array<i32>} : memref<80x16xf32, #tpu.memory_space<vmem>>, vector<1x16xf32>,
    %swap3A_229 = vector.shape_cast %swap3A_228 : vector<1x16xf32> to vector<16xf32>
    %swap3A_230 = vector.shape_cast %broadcast_in_dim3A_224 : vector<16xf32> to vector<1x16xf32>
    tpu.vector_store %arg5[%swap3A_226, %swap3A_227], %swap3A_230 {strides = array<i32>} : memref<80x16xf32, #tpu.memory_space<vmem>>, vector<1x16xf32>,
    %broadcast_in_dim3A_231 = arith.constant 1.000000e+00 : f32
    %broadcast_in_dim3A_232 = vector.broadcast %broadcast_in_dim3A_231 : f32 to vector<16xf32>
    %swap3A_233 = arith.constant 29 : i32
    %swap3A_234 = arith.index_cast %swap3A_233 : i32 to index
    %swap3A_235 = arith.constant 0 : index
    %swap3A_236 = tpu.vector_load %arg5[%swap3A_234, %swap3A_235] {strides = array<i32>} : memref<80x16xf32, #tpu.memory_space<vmem>>, vector<1x16xf32>,
    %swap3A_237 = vector.shape_cast %swap3A_236 : vector<1x16xf32> to vector<16xf32>
    %swap3A_238 = vector.shape_cast %broadcast_in_dim3A_232 : vector<16xf32> to vector<1x16xf32>
    tpu.vector_store %arg5[%swap3A_234, %swap3A_235], %swap3A_238 {strides = array<i32>} : memref<80x16xf32, #tpu.memory_space<vmem>>, vector<1x16xf32>,
    %broadcast_in_dim3A_239 = arith.constant 1.000000e+00 : f32
    %broadcast_in_dim3A_240 = vector.broadcast %broadcast_in_dim3A_239 : f32 to vector<16xf32>
    %swap3A_241 = arith.constant 30 : i32
    %swap3A_242 = arith.index_cast %swap3A_241 : i32 to index
    %swap3A_243 = arith.constant 0 : index
    %swap3A_244 = tpu.vector_load %arg5[%swap3A_242, %swap3A_243] {strides = array<i32>} : memref<80x16xf32, #tpu.memory_space<vmem>>, vector<1x16xf32>,
    %swap3A_245 = vector.shape_cast %swap3A_244 : vector<1x16xf32> to vector<16xf32>
    %swap3A_246 = vector.shape_cast %broadcast_in_dim3A_240 : vector<16xf32> to vector<1x16xf32>
    tpu.vector_store %arg5[%swap3A_242, %swap3A_243], %swap3A_246 {strides = array<i32>} : memref<80x16xf32, #tpu.memory_space<vmem>>, vector<1x16xf32>,
    %broadcast_in_dim3A_247 = arith.constant 1.000000e+00 : f32
    %broadcast_in_dim3A_248 = vector.broadcast %broadcast_in_dim3A_247 : f32 to vector<16xf32>
    %swap3A_249 = arith.constant 31 : i32
    %swap3A_250 = arith.index_cast %swap3A_249 : i32 to index
    %swap3A_251 = arith.constant 0 : index
    %swap3A_252 = tpu.vector_load %arg5[%swap3A_250, %swap3A_251] {strides = array<i32>} : memref<80x16xf32, #tpu.memory_space<vmem>>, vector<1x16xf32>,
    %swap3A_253 = vector.shape_cast %swap3A_252 : vector<1x16xf32> to vector<16xf32>
    %swap3A_254 = vector.shape_cast %broadcast_in_dim3A_248 : vector<16xf32> to vector<1x16xf32>
    tpu.vector_store %arg5[%swap3A_250, %swap3A_251], %swap3A_254 {strides = array<i32>} : memref<80x16xf32, #tpu.memory_space<vmem>>, vector<1x16xf32>,
    %broadcast_in_dim3A_255 = arith.constant 1.000000e+00 : f32
    %broadcast_in_dim3A_256 = vector.broadcast %broadcast_in_dim3A_255 : f32 to vector<16xf32>
    %swap3A_257 = arith.constant 32 : i32
    %swap3A_258 = arith.index_cast %swap3A_257 : i32 to index
    %swap3A_259 = arith.constant 0 : index
    %swap3A_260 = tpu.vector_load %arg5[%swap3A_258, %swap3A_259] {strides = array<i32>} : memref<80x16xf32, #tpu.memory_space<vmem>>, vector<1x16xf32>,
    %swap3A_261 = vector.shape_cast %swap3A_260 : vector<1x16xf32> to vector<16xf32>
    %swap3A_262 = vector.shape_cast %broadcast_in_dim3A_256 : vector<16xf32> to vector<1x16xf32>
    tpu.vector_store %arg5[%swap3A_258, %swap3A_259], %swap3A_262 {strides = array<i32>} : memref<80x16xf32, #tpu.memory_space<vmem>>, vector<1x16xf32>,
    %broadcast_in_dim3A_263 = arith.constant 1.000000e+00 : f32
    %broadcast_in_dim3A_264 = vector.broadcast %broadcast_in_dim3A_263 : f32 to vector<16xf32>
    %swap3A_265 = arith.constant 33 : i32
    %swap3A_266 = arith.index_cast %swap3A_265 : i32 to index
    %swap3A_267 = arith.constant 0 : index
    %swap3A_268 = tpu.vector_load %arg5[%swap3A_266, %swap3A_267] {strides = array<i32>} : memref<80x16xf32, #tpu.memory_space<vmem>>, vector<1x16xf32>,
    %swap3A_269 = vector.shape_cast %swap3A_268 : vector<1x16xf32> to vector<16xf32>
    %swap3A_270 = vector.shape_cast %broadcast_in_dim3A_264 : vector<16xf32> to vector<1x16xf32>
    tpu.vector_store %arg5[%swap3A_266, %swap3A_267], %swap3A_270 {strides = array<i32>} : memref<80x16xf32, #tpu.memory_space<vmem>>, vector<1x16xf32>,
    %broadcast_in_dim3A_271 = arith.constant 1.000000e+00 : f32
    %broadcast_in_dim3A_272 = vector.broadcast %broadcast_in_dim3A_271 : f32 to vector<16xf32>
    %swap3A_273 = arith.constant 34 : i32
    %swap3A_274 = arith.index_cast %swap3A_273 : i32 to index
    %swap3A_275 = arith.constant 0 : index
    %swap3A_276 = tpu.vector_load %arg5[%swap3A_274, %swap3A_275] {strides = array<i32>} : memref<80x16xf32, #tpu.memory_space<vmem>>, vector<1x16xf32>,
    %swap3A_277 = vector.shape_cast %swap3A_276 : vector<1x16xf32> to vector<16xf32>
    %swap3A_278 = vector.shape_cast %broadcast_in_dim3A_272 : vector<16xf32> to vector<1x16xf32>
    tpu.vector_store %arg5[%swap3A_274, %swap3A_275], %swap3A_278 {strides = array<i32>} : memref<80x16xf32, #tpu.memory_space<vmem>>, vector<1x16xf32>,
    %broadcast_in_dim3A_279 = arith.constant 1.000000e+00 : f32
    %broadcast_in_dim3A_280 = vector.broadcast %broadcast_in_dim3A_279 : f32 to vector<16xf32>
    %swap3A_281 = arith.constant 35 : i32
    %swap3A_282 = arith.index_cast %swap3A_281 : i32 to index
    %swap3A_283 = arith.constant 0 : index
    %swap3A_284 = tpu.vector_load %arg5[%swap3A_282, %swap3A_283] {strides = array<i32>} : memref<80x16xf32, #tpu.memory_space<vmem>>, vector<1x16xf32>,
    %swap3A_285 = vector.shape_cast %swap3A_284 : vector<1x16xf32> to vector<16xf32>
    %swap3A_286 = vector.shape_cast %broadcast_in_dim3A_280 : vector<16xf32> to vector<1x16xf32>
    tpu.vector_store %arg5[%swap3A_282, %swap3A_283], %swap3A_286 {strides = array<i32>} : memref<80x16xf32, #tpu.memory_space<vmem>>, vector<1x16xf32>,
    %broadcast_in_dim3A_287 = arith.constant 1.000000e+00 : f32
    %broadcast_in_dim3A_288 = vector.broadcast %broadcast_in_dim3A_287 : f32 to vector<16xf32>
    %swap3A_289 = arith.constant 36 : i32
    %swap3A_290 = arith.index_cast %swap3A_289 : i32 to index
    %swap3A_291 = arith.constant 0 : index
    %swap3A_292 = tpu.vector_load %arg5[%swap3A_290, %swap3A_291] {strides = array<i32>} : memref<80x16xf32, #tpu.memory_space<vmem>>, vector<1x16xf32>,
    %swap3A_293 = vector.shape_cast %swap3A_292 : vector<1x16xf32> to vector<16xf32>
    %swap3A_294 = vector.shape_cast %broadcast_in_dim3A_288 : vector<16xf32> to vector<1x16xf32>
    tpu.vector_store %arg5[%swap3A_290, %swap3A_291], %swap3A_294 {strides = array<i32>} : memref<80x16xf32, #tpu.memory_space<vmem>>, vector<1x16xf32>,
    %broadcast_in_dim3A_295 = arith.constant 1.000000e+00 : f32
    %broadcast_in_dim3A_296 = vector.broadcast %broadcast_in_dim3A_295 : f32 to vector<16xf32>
    %swap3A_297 = arith.constant 37 : i32
    %swap3A_298 = arith.index_cast %swap3A_297 : i32 to index
    %swap3A_299 = arith.constant 0 : index
    %swap3A_300 = tpu.vector_load %arg5[%swap3A_298, %swap3A_299] {strides = array<i32>} : memref<80x16xf32, #tpu.memory_space<vmem>>, vector<1x16xf32>,
    %swap3A_301 = vector.shape_cast %swap3A_300 : vector<1x16xf32> to vector<16xf32>
    %swap3A_302 = vector.shape_cast %broadcast_in_dim3A_296 : vector<16xf32> to vector<1x16xf32>
    tpu.vector_store %arg5[%swap3A_298, %swap3A_299], %swap3A_302 {strides = array<i32>} : memref<80x16xf32, #tpu.memory_space<vmem>>, vector<1x16xf32>,
    %broadcast_in_dim3A_303 = arith.constant 1.000000e+00 : f32
    %broadcast_in_dim3A_304 = vector.broadcast %broadcast_in_dim3A_303 : f32 to vector<16xf32>
    %swap3A_305 = arith.constant 38 : i32
    %swap3A_306 = arith.index_cast %swap3A_305 : i32 to index
    %swap3A_307 = arith.constant 0 : index
    %swap3A_308 = tpu.vector_load %arg5[%swap3A_306, %swap3A_307] {strides = array<i32>} : memref<80x16xf32, #tpu.memory_space<vmem>>, vector<1x16xf32>,
    %swap3A_309 = vector.shape_cast %swap3A_308 : vector<1x16xf32> to vector<16xf32>
    %swap3A_310 = vector.shape_cast %broadcast_in_dim3A_304 : vector<16xf32> to vector<1x16xf32>
    tpu.vector_store %arg5[%swap3A_306, %swap3A_307], %swap3A_310 {strides = array<i32>} : memref<80x16xf32, #tpu.memory_space<vmem>>, vector<1x16xf32>,
    %broadcast_in_dim3A_311 = arith.constant 1.000000e+00 : f32
    %broadcast_in_dim3A_312 = vector.broadcast %broadcast_in_dim3A_311 : f32 to vector<16xf32>
    %swap3A_313 = arith.constant 39 : i32
    %swap3A_314 = arith.index_cast %swap3A_313 : i32 to index
    %swap3A_315 = arith.constant 0 : index
    %swap3A_316 = tpu.vector_load %arg5[%swap3A_314, %swap3A_315] {strides = array<i32>} : memref<80x16xf32, #tpu.memory_space<vmem>>, vector<1x16xf32>,
    %swap3A_317 = vector.shape_cast %swap3A_316 : vector<1x16xf32> to vector<16xf32>
    %swap3A_318 = vector.shape_cast %broadcast_in_dim3A_312 : vector<16xf32> to vector<1x16xf32>
    tpu.vector_store %arg5[%swap3A_314, %swap3A_315], %swap3A_318 {strides = array<i32>} : memref<80x16xf32, #tpu.memory_space<vmem>>, vector<1x16xf32>,
    %broadcast_in_dim3A_319 = arith.constant 1.000000e+00 : f32
    %broadcast_in_dim3A_320 = vector.broadcast %broadcast_in_dim3A_319 : f32 to vector<16xf32>
    %swap3A_321 = arith.constant 40 : i32
    %swap3A_322 = arith.index_cast %swap3A_321 : i32 to index
    %swap3A_323 = arith.constant 0 : index
    %swap3A_324 = tpu.vector_load %arg5[%swap3A_322, %swap3A_323] {strides = array<i32>} : memref<80x16xf32, #tpu.memory_space<vmem>>, vector<1x16xf32>,
    %swap3A_325 = vector.shape_cast %swap3A_324 : vector<1x16xf32> to vector<16xf32>
    %swap3A_326 = vector.shape_cast %broadcast_in_dim3A_320 : vector<16xf32> to vector<1x16xf32>
    tpu.vector_store %arg5[%swap3A_322, %swap3A_323], %swap3A_326 {strides = array<i32>} : memref<80x16xf32, #tpu.memory_space<vmem>>, vector<1x16xf32>,
    %broadcast_in_dim3A_327 = arith.constant 1.000000e+00 : f32
    %broadcast_in_dim3A_328 = vector.broadcast %broadcast_in_dim3A_327 : f32 to vector<16xf32>
    %swap3A_329 = arith.constant 41 : i32
    %swap3A_330 = arith.index_cast %swap3A_329 : i32 to index
    %swap3A_331 = arith.constant 0 : index
    %swap3A_332 = tpu.vector_load %arg5[%swap3A_330, %swap3A_331] {strides = array<i32>} : memref<80x16xf32, #tpu.memory_space<vmem>>, vector<1x16xf32>,
    %swap3A_333 = vector.shape_cast %swap3A_332 : vector<1x16xf32> to vector<16xf32>
    %swap3A_334 = vector.shape_cast %broadcast_in_dim3A_328 : vector<16xf32> to vector<1x16xf32>
    tpu.vector_store %arg5[%swap3A_330, %swap3A_331], %swap3A_334 {strides = array<i32>} : memref<80x16xf32, #tpu.memory_space<vmem>>, vector<1x16xf32>,
    %broadcast_in_dim3A_335 = arith.constant 1.000000e+00 : f32
    %broadcast_in_dim3A_336 = vector.broadcast %broadcast_in_dim3A_335 : f32 to vector<16xf32>
    %swap3A_337 = arith.constant 42 : i32
    %swap3A_338 = arith.index_cast %swap3A_337 : i32 to index
    %swap3A_339 = arith.constant 0 : index
    %swap3A_340 = tpu.vector_load %arg5[%swap3A_338, %swap3A_339] {strides = array<i32>} : memref<80x16xf32, #tpu.memory_space<vmem>>, vector<1x16xf32>,
    %swap3A_341 = vector.shape_cast %swap3A_340 : vector<1x16xf32> to vector<16xf32>
    %swap3A_342 = vector.shape_cast %broadcast_in_dim3A_336 : vector<16xf32> to vector<1x16xf32>
    tpu.vector_store %arg5[%swap3A_338, %swap3A_339], %swap3A_342 {strides = array<i32>} : memref<80x16xf32, #tpu.memory_space<vmem>>, vector<1x16xf32>,
    %broadcast_in_dim3A_343 = arith.constant 1.000000e+00 : f32
    %broadcast_in_dim3A_344 = vector.broadcast %broadcast_in_dim3A_343 : f32 to vector<16xf32>
    %swap3A_345 = arith.constant 43 : i32
    %swap3A_346 = arith.index_cast %swap3A_345 : i32 to index
    %swap3A_347 = arith.constant 0 : index
    %swap3A_348 = tpu.vector_load %arg5[%swap3A_346, %swap3A_347] {strides = array<i32>} : memref<80x16xf32, #tpu.memory_space<vmem>>, vector<1x16xf32>,
    %swap3A_349 = vector.shape_cast %swap3A_348 : vector<1x16xf32> to vector<16xf32>
    %swap3A_350 = vector.shape_cast %broadcast_in_dim3A_344 : vector<16xf32> to vector<1x16xf32>
    tpu.vector_store %arg5[%swap3A_346, %swap3A_347], %swap3A_350 {strides = array<i32>} : memref<80x16xf32, #tpu.memory_space<vmem>>, vector<1x16xf32>,
    %broadcast_in_dim3A_351 = arith.constant 1.000000e+00 : f32
    %broadcast_in_dim3A_352 = vector.broadcast %broadcast_in_dim3A_351 : f32 to vector<16xf32>
    %swap3A_353 = arith.constant 44 : i32
    %swap3A_354 = arith.index_cast %swap3A_353 : i32 to index
    %swap3A_355 = arith.constant 0 : index
    %swap3A_356 = tpu.vector_load %arg5[%swap3A_354, %swap3A_355] {strides = array<i32>} : memref<80x16xf32, #tpu.memory_space<vmem>>, vector<1x16xf32>,
    %swap3A_357 = vector.shape_cast %swap3A_356 : vector<1x16xf32> to vector<16xf32>
    %swap3A_358 = vector.shape_cast %broadcast_in_dim3A_352 : vector<16xf32> to vector<1x16xf32>
    tpu.vector_store %arg5[%swap3A_354, %swap3A_355], %swap3A_358 {strides = array<i32>} : memref<80x16xf32, #tpu.memory_space<vmem>>, vector<1x16xf32>,
    %broadcast_in_dim3A_359 = arith.constant 1.000000e+00 : f32
    %broadcast_in_dim3A_360 = vector.broadcast %broadcast_in_dim3A_359 : f32 to vector<16xf32>
    %swap3A_361 = arith.constant 45 : i32
    %swap3A_362 = arith.index_cast %swap3A_361 : i32 to index
    %swap3A_363 = arith.constant 0 : index
    %swap3A_364 = tpu.vector_load %arg5[%swap3A_362, %swap3A_363] {strides = array<i32>} : memref<80x16xf32, #tpu.memory_space<vmem>>, vector<1x16xf32>,
    %swap3A_365 = vector.shape_cast %swap3A_364 : vector<1x16xf32> to vector<16xf32>
    %swap3A_366 = vector.shape_cast %broadcast_in_dim3A_360 : vector<16xf32> to vector<1x16xf32>
    tpu.vector_store %arg5[%swap3A_362, %swap3A_363], %swap3A_366 {strides = array<i32>} : memref<80x16xf32, #tpu.memory_space<vmem>>, vector<1x16xf32>,
    %broadcast_in_dim3A_367 = arith.constant 1.000000e+00 : f32
    %broadcast_in_dim3A_368 = vector.broadcast %broadcast_in_dim3A_367 : f32 to vector<16xf32>
    %swap3A_369 = arith.constant 46 : i32
    %swap3A_370 = arith.index_cast %swap3A_369 : i32 to index
    %swap3A_371 = arith.constant 0 : index
    %swap3A_372 = tpu.vector_load %arg5[%swap3A_370, %swap3A_371] {strides = array<i32>} : memref<80x16xf32, #tpu.memory_space<vmem>>, vector<1x16xf32>,
    %swap3A_373 = vector.shape_cast %swap3A_372 : vector<1x16xf32> to vector<16xf32>
    %swap3A_374 = vector.shape_cast %broadcast_in_dim3A_368 : vector<16xf32> to vector<1x16xf32>
    tpu.vector_store %arg5[%swap3A_370, %swap3A_371], %swap3A_374 {strides = array<i32>} : memref<80x16xf32, #tpu.memory_space<vmem>>, vector<1x16xf32>,
    %broadcast_in_dim3A_375 = arith.constant 1.000000e+00 : f32
    %broadcast_in_dim3A_376 = vector.broadcast %broadcast_in_dim3A_375 : f32 to vector<16xf32>
    %swap3A_377 = arith.constant 47 : i32
    %swap3A_378 = arith.index_cast %swap3A_377 : i32 to index
    %swap3A_379 = arith.constant 0 : index
    %swap3A_380 = tpu.vector_load %arg5[%swap3A_378, %swap3A_379] {strides = array<i32>} : memref<80x16xf32, #tpu.memory_space<vmem>>, vector<1x16xf32>,
    %swap3A_381 = vector.shape_cast %swap3A_380 : vector<1x16xf32> to vector<16xf32>
    %swap3A_382 = vector.shape_cast %broadcast_in_dim3A_376 : vector<16xf32> to vector<1x16xf32>
    tpu.vector_store %arg5[%swap3A_378, %swap3A_379], %swap3A_382 {strides = array<i32>} : memref<80x16xf32, #tpu.memory_space<vmem>>, vector<1x16xf32>,
    %broadcast_in_dim3A_383 = arith.constant 1.000000e+00 : f32
    %broadcast_in_dim3A_384 = vector.broadcast %broadcast_in_dim3A_383 : f32 to vector<16xf32>
    %swap3A_385 = arith.constant 48 : i32
    %swap3A_386 = arith.index_cast %swap3A_385 : i32 to index
    %swap3A_387 = arith.constant 0 : index
    %swap3A_388 = tpu.vector_load %arg5[%swap3A_386, %swap3A_387] {strides = array<i32>} : memref<80x16xf32, #tpu.memory_space<vmem>>, vector<1x16xf32>,
    %swap3A_389 = vector.shape_cast %swap3A_388 : vector<1x16xf32> to vector<16xf32>
    %swap3A_390 = vector.shape_cast %broadcast_in_dim3A_384 : vector<16xf32> to vector<1x16xf32>
    tpu.vector_store %arg5[%swap3A_386, %swap3A_387], %swap3A_390 {strides = array<i32>} : memref<80x16xf32, #tpu.memory_space<vmem>>, vector<1x16xf32>,
    %broadcast_in_dim3A_391 = arith.constant 1.000000e+00 : f32
    %broadcast_in_dim3A_392 = vector.broadcast %broadcast_in_dim3A_391 : f32 to vector<16xf32>
    %swap3A_393 = arith.constant 49 : i32
    %swap3A_394 = arith.index_cast %swap3A_393 : i32 to index
    %swap3A_395 = arith.constant 0 : index
    %swap3A_396 = tpu.vector_load %arg5[%swap3A_394, %swap3A_395] {strides = array<i32>} : memref<80x16xf32, #tpu.memory_space<vmem>>, vector<1x16xf32>,
    %swap3A_397 = vector.shape_cast %swap3A_396 : vector<1x16xf32> to vector<16xf32>
    %swap3A_398 = vector.shape_cast %broadcast_in_dim3A_392 : vector<16xf32> to vector<1x16xf32>
    tpu.vector_store %arg5[%swap3A_394, %swap3A_395], %swap3A_398 {strides = array<i32>} : memref<80x16xf32, #tpu.memory_space<vmem>>, vector<1x16xf32>,
    %broadcast_in_dim3A_399 = arith.constant 1.000000e+00 : f32
    %broadcast_in_dim3A_400 = vector.broadcast %broadcast_in_dim3A_399 : f32 to vector<16xf32>
    %swap3A_401 = arith.constant 50 : i32
    %swap3A_402 = arith.index_cast %swap3A_401 : i32 to index
    %swap3A_403 = arith.constant 0 : index
    %swap3A_404 = tpu.vector_load %arg5[%swap3A_402, %swap3A_403] {strides = array<i32>} : memref<80x16xf32, #tpu.memory_space<vmem>>, vector<1x16xf32>,
    %swap3A_405 = vector.shape_cast %swap3A_404 : vector<1x16xf32> to vector<16xf32>
    %swap3A_406 = vector.shape_cast %broadcast_in_dim3A_400 : vector<16xf32> to vector<1x16xf32>
    tpu.vector_store %arg5[%swap3A_402, %swap3A_403], %swap3A_406 {strides = array<i32>} : memref<80x16xf32, #tpu.memory_space<vmem>>, vector<1x16xf32>,
    %broadcast_in_dim3A_407 = arith.constant 1.000000e+00 : f32
    %broadcast_in_dim3A_408 = vector.broadcast %broadcast_in_dim3A_407 : f32 to vector<16xf32>
    %swap3A_409 = arith.constant 51 : i32
    %swap3A_410 = arith.index_cast %swap3A_409 : i32 to index
    %swap3A_411 = arith.constant 0 : index
    %swap3A_412 = tpu.vector_load %arg5[%swap3A_410, %swap3A_411] {strides = array<i32>} : memref<80x16xf32, #tpu.memory_space<vmem>>, vector<1x16xf32>,
    %swap3A_413 = vector.shape_cast %swap3A_412 : vector<1x16xf32> to vector<16xf32>
    %swap3A_414 = vector.shape_cast %broadcast_in_dim3A_408 : vector<16xf32> to vector<1x16xf32>
    tpu.vector_store %arg5[%swap3A_410, %swap3A_411], %swap3A_414 {strides = array<i32>} : memref<80x16xf32, #tpu.memory_space<vmem>>, vector<1x16xf32>,
    %broadcast_in_dim3A_415 = arith.constant 1.000000e+00 : f32
    %broadcast_in_dim3A_416 = vector.broadcast %broadcast_in_dim3A_415 : f32 to vector<16xf32>
    %swap3A_417 = arith.constant 52 : i32
    %swap3A_418 = arith.index_cast %swap3A_417 : i32 to index
    %swap3A_419 = arith.constant 0 : index
    %swap3A_420 = tpu.vector_load %arg5[%swap3A_418, %swap3A_419] {strides = array<i32>} : memref<80x16xf32, #tpu.memory_space<vmem>>, vector<1x16xf32>,
    %swap3A_421 = vector.shape_cast %swap3A_420 : vector<1x16xf32> to vector<16xf32>
    %swap3A_422 = vector.shape_cast %broadcast_in_dim3A_416 : vector<16xf32> to vector<1x16xf32>
    tpu.vector_store %arg5[%swap3A_418, %swap3A_419], %swap3A_422 {strides = array<i32>} : memref<80x16xf32, #tpu.memory_space<vmem>>, vector<1x16xf32>,
    %broadcast_in_dim3A_423 = arith.constant 1.000000e+00 : f32
    %broadcast_in_dim3A_424 = vector.broadcast %broadcast_in_dim3A_423 : f32 to vector<16xf32>
    %swap3A_425 = arith.constant 53 : i32
    %swap3A_426 = arith.index_cast %swap3A_425 : i32 to index
    %swap3A_427 = arith.constant 0 : index
    %swap3A_428 = tpu.vector_load %arg5[%swap3A_426, %swap3A_427] {strides = array<i32>} : memref<80x16xf32, #tpu.memory_space<vmem>>, vector<1x16xf32>,
    %swap3A_429 = vector.shape_cast %swap3A_428 : vector<1x16xf32> to vector<16xf32>
    %swap3A_430 = vector.shape_cast %broadcast_in_dim3A_424 : vector<16xf32> to vector<1x16xf32>
    tpu.vector_store %arg5[%swap3A_426, %swap3A_427], %swap3A_430 {strides = array<i32>} : memref<80x16xf32, #tpu.memory_space<vmem>>, vector<1x16xf32>,
    %broadcast_in_dim3A_431 = arith.constant 1.000000e+00 : f32
    %broadcast_in_dim3A_432 = vector.broadcast %broadcast_in_dim3A_431 : f32 to vector<16xf32>
    %swap3A_433 = arith.constant 54 : i32
    %swap3A_434 = arith.index_cast %swap3A_433 : i32 to index
    %swap3A_435 = arith.constant 0 : index
    %swap3A_436 = tpu.vector_load %arg5[%swap3A_434, %swap3A_435] {strides = array<i32>} : memref<80x16xf32, #tpu.memory_space<vmem>>, vector<1x16xf32>,
    %swap3A_437 = vector.shape_cast %swap3A_436 : vector<1x16xf32> to vector<16xf32>
    %swap3A_438 = vector.shape_cast %broadcast_in_dim3A_432 : vector<16xf32> to vector<1x16xf32>
    tpu.vector_store %arg5[%swap3A_434, %swap3A_435], %swap3A_438 {strides = array<i32>} : memref<80x16xf32, #tpu.memory_space<vmem>>, vector<1x16xf32>,
    %broadcast_in_dim3A_439 = arith.constant 1.000000e+00 : f32
    %broadcast_in_dim3A_440 = vector.broadcast %broadcast_in_dim3A_439 : f32 to vector<16xf32>
    %swap3A_441 = arith.constant 55 : i32
    %swap3A_442 = arith.index_cast %swap3A_441 : i32 to index
    %swap3A_443 = arith.constant 0 : index
    %swap3A_444 = tpu.vector_load %arg5[%swap3A_442, %swap3A_443] {strides = array<i32>} : memref<80x16xf32, #tpu.memory_space<vmem>>, vector<1x16xf32>,
    %swap3A_445 = vector.shape_cast %swap3A_444 : vector<1x16xf32> to vector<16xf32>
    %swap3A_446 = vector.shape_cast %broadcast_in_dim3A_440 : vector<16xf32> to vector<1x16xf32>
    tpu.vector_store %arg5[%swap3A_442, %swap3A_443], %swap3A_446 {strides = array<i32>} : memref<80x16xf32, #tpu.memory_space<vmem>>, vector<1x16xf32>,
    %broadcast_in_dim3A_447 = arith.constant 1.000000e+00 : f32
    %broadcast_in_dim3A_448 = vector.broadcast %broadcast_in_dim3A_447 : f32 to vector<16xf32>
    %swap3A_449 = arith.constant 56 : i32
    %swap3A_450 = arith.index_cast %swap3A_449 : i32 to index
    %swap3A_451 = arith.constant 0 : index
    %swap3A_452 = tpu.vector_load %arg5[%swap3A_450, %swap3A_451] {strides = array<i32>} : memref<80x16xf32, #tpu.memory_space<vmem>>, vector<1x16xf32>,
    %swap3A_453 = vector.shape_cast %swap3A_452 : vector<1x16xf32> to vector<16xf32>
    %swap3A_454 = vector.shape_cast %broadcast_in_dim3A_448 : vector<16xf32> to vector<1x16xf32>
    tpu.vector_store %arg5[%swap3A_450, %swap3A_451], %swap3A_454 {strides = array<i32>} : memref<80x16xf32, #tpu.memory_space<vmem>>, vector<1x16xf32>,
    %broadcast_in_dim3A_455 = arith.constant 1.000000e+00 : f32
    %broadcast_in_dim3A_456 = vector.broadcast %broadcast_in_dim3A_455 : f32 to vector<16xf32>
    %swap3A_457 = arith.constant 57 : i32
    %swap3A_458 = arith.index_cast %swap3A_457 : i32 to index
    %swap3A_459 = arith.constant 0 : index
    %swap3A_460 = tpu.vector_load %arg5[%swap3A_458, %swap3A_459] {strides = array<i32>} : memref<80x16xf32, #tpu.memory_space<vmem>>, vector<1x16xf32>,
    %swap3A_461 = vector.shape_cast %swap3A_460 : vector<1x16xf32> to vector<16xf32>
    %swap3A_462 = vector.shape_cast %broadcast_in_dim3A_456 : vector<16xf32> to vector<1x16xf32>
    tpu.vector_store %arg5[%swap3A_458, %swap3A_459], %swap3A_462 {strides = array<i32>} : memref<80x16xf32, #tpu.memory_space<vmem>>, vector<1x16xf32>,
    %broadcast_in_dim3A_463 = arith.constant 1.000000e+00 : f32
    %broadcast_in_dim3A_464 = vector.broadcast %broadcast_in_dim3A_463 : f32 to vector<16xf32>
    %swap3A_465 = arith.constant 58 : i32
    %swap3A_466 = arith.index_cast %swap3A_465 : i32 to index
    %swap3A_467 = arith.constant 0 : index
    %swap3A_468 = tpu.vector_load %arg5[%swap3A_466, %swap3A_467] {strides = array<i32>} : memref<80x16xf32, #tpu.memory_space<vmem>>, vector<1x16xf32>,
    %swap3A_469 = vector.shape_cast %swap3A_468 : vector<1x16xf32> to vector<16xf32>
    %swap3A_470 = vector.shape_cast %broadcast_in_dim3A_464 : vector<16xf32> to vector<1x16xf32>
    tpu.vector_store %arg5[%swap3A_466, %swap3A_467], %swap3A_470 {strides = array<i32>} : memref<80x16xf32, #tpu.memory_space<vmem>>, vector<1x16xf32>,
    %broadcast_in_dim3A_471 = arith.constant 1.000000e+00 : f32
    %broadcast_in_dim3A_472 = vector.broadcast %broadcast_in_dim3A_471 : f32 to vector<16xf32>
    %swap3A_473 = arith.constant 59 : i32
    %swap3A_474 = arith.index_cast %swap3A_473 : i32 to index
    %swap3A_475 = arith.constant 0 : index
    %swap3A_476 = tpu.vector_load %arg5[%swap3A_474, %swap3A_475] {strides = array<i32>} : memref<80x16xf32, #tpu.memory_space<vmem>>, vector<1x16xf32>,
    %swap3A_477 = vector.shape_cast %swap3A_476 : vector<1x16xf32> to vector<16xf32>
    %swap3A_478 = vector.shape_cast %broadcast_in_dim3A_472 : vector<16xf32> to vector<1x16xf32>
    tpu.vector_store %arg5[%swap3A_474, %swap3A_475], %swap3A_478 {strides = array<i32>} : memref<80x16xf32, #tpu.memory_space<vmem>>, vector<1x16xf32>,
    %broadcast_in_dim3A_479 = arith.constant 1.000000e+00 : f32
    %broadcast_in_dim3A_480 = vector.broadcast %broadcast_in_dim3A_479 : f32 to vector<16xf32>
    %swap3A_481 = arith.constant 60 : i32
    %swap3A_482 = arith.index_cast %swap3A_481 : i32 to index
    %swap3A_483 = arith.constant 0 : index
    %swap3A_484 = tpu.vector_load %arg5[%swap3A_482, %swap3A_483] {strides = array<i32>} : memref<80x16xf32, #tpu.memory_space<vmem>>, vector<1x16xf32>,
    %swap3A_485 = vector.shape_cast %swap3A_484 : vector<1x16xf32> to vector<16xf32>
    %swap3A_486 = vector.shape_cast %broadcast_in_dim3A_480 : vector<16xf32> to vector<1x16xf32>
    tpu.vector_store %arg5[%swap3A_482, %swap3A_483], %swap3A_486 {strides = array<i32>} : memref<80x16xf32, #tpu.memory_space<vmem>>, vector<1x16xf32>,
    %broadcast_in_dim3A_487 = arith.constant 1.000000e+00 : f32
    %broadcast_in_dim3A_488 = vector.broadcast %broadcast_in_dim3A_487 : f32 to vector<16xf32>
    %swap3A_489 = arith.constant 61 : i32
    %swap3A_490 = arith.index_cast %swap3A_489 : i32 to index
    %swap3A_491 = arith.constant 0 : index
    %swap3A_492 = tpu.vector_load %arg5[%swap3A_490, %swap3A_491] {strides = array<i32>} : memref<80x16xf32, #tpu.memory_space<vmem>>, vector<1x16xf32>,
    %swap3A_493 = vector.shape_cast %swap3A_492 : vector<1x16xf32> to vector<16xf32>
    %swap3A_494 = vector.shape_cast %broadcast_in_dim3A_488 : vector<16xf32> to vector<1x16xf32>
    tpu.vector_store %arg5[%swap3A_490, %swap3A_491], %swap3A_494 {strides = array<i32>} : memref<80x16xf32, #tpu.memory_space<vmem>>, vector<1x16xf32>,
    %broadcast_in_dim3A_495 = arith.constant 1.000000e+00 : f32
    %broadcast_in_dim3A_496 = vector.broadcast %broadcast_in_dim3A_495 : f32 to vector<16xf32>
    %swap3A_497 = arith.constant 62 : i32
    %swap3A_498 = arith.index_cast %swap3A_497 : i32 to index
    %swap3A_499 = arith.constant 0 : index
    %swap3A_500 = tpu.vector_load %arg5[%swap3A_498, %swap3A_499] {strides = array<i32>} : memref<80x16xf32, #tpu.memory_space<vmem>>, vector<1x16xf32>,
    %swap3A_501 = vector.shape_cast %swap3A_500 : vector<1x16xf32> to vector<16xf32>
    %swap3A_502 = vector.shape_cast %broadcast_in_dim3A_496 : vector<16xf32> to vector<1x16xf32>
    tpu.vector_store %arg5[%swap3A_498, %swap3A_499], %swap3A_502 {strides = array<i32>} : memref<80x16xf32, #tpu.memory_space<vmem>>, vector<1x16xf32>,
    %broadcast_in_dim3A_503 = arith.constant 1.000000e+00 : f32
    %broadcast_in_dim3A_504 = vector.broadcast %broadcast_in_dim3A_503 : f32 to vector<16xf32>
    %swap3A_505 = arith.constant 63 : i32
    %swap3A_506 = arith.index_cast %swap3A_505 : i32 to index
    %swap3A_507 = arith.constant 0 : index
    %swap3A_508 = tpu.vector_load %arg5[%swap3A_506, %swap3A_507] {strides = array<i32>} : memref<80x16xf32, #tpu.memory_space<vmem>>, vector<1x16xf32>,
    %swap3A_509 = vector.shape_cast %swap3A_508 : vector<1x16xf32> to vector<16xf32>
    %swap3A_510 = vector.shape_cast %broadcast_in_dim3A_504 : vector<16xf32> to vector<1x16xf32>
    tpu.vector_store %arg5[%swap3A_506, %swap3A_507], %swap3A_510 {strides = array<i32>} : memref<80x16xf32, #tpu.memory_space<vmem>>, vector<1x16xf32>,
    %broadcast_in_dim3A_511 = arith.constant 1.000000e+00 : f32
    %broadcast_in_dim3A_512 = vector.broadcast %broadcast_in_dim3A_511 : f32 to vector<16xf32>
    %swap3A_513 = arith.constant 64 : i32
    %swap3A_514 = arith.index_cast %swap3A_513 : i32 to index
    %swap3A_515 = arith.constant 0 : index
    %swap3A_516 = tpu.vector_load %arg5[%swap3A_514, %swap3A_515] {strides = array<i32>} : memref<80x16xf32, #tpu.memory_space<vmem>>, vector<1x16xf32>,
    %swap3A_517 = vector.shape_cast %swap3A_516 : vector<1x16xf32> to vector<16xf32>
    %swap3A_518 = vector.shape_cast %broadcast_in_dim3A_512 : vector<16xf32> to vector<1x16xf32>
    tpu.vector_store %arg5[%swap3A_514, %swap3A_515], %swap3A_518 {strides = array<i32>} : memref<80x16xf32, #tpu.memory_space<vmem>>, vector<1x16xf32>,
    %broadcast_in_dim3A_519 = arith.constant 1.000000e+00 : f32
    %broadcast_in_dim3A_520 = vector.broadcast %broadcast_in_dim3A_519 : f32 to vector<16xf32>
    %swap3A_521 = arith.constant 65 : i32
    %swap3A_522 = arith.index_cast %swap3A_521 : i32 to index
    %swap3A_523 = arith.constant 0 : index
    %swap3A_524 = tpu.vector_load %arg5[%swap3A_522, %swap3A_523] {strides = array<i32>} : memref<80x16xf32, #tpu.memory_space<vmem>>, vector<1x16xf32>,
    %swap3A_525 = vector.shape_cast %swap3A_524 : vector<1x16xf32> to vector<16xf32>
    %swap3A_526 = vector.shape_cast %broadcast_in_dim3A_520 : vector<16xf32> to vector<1x16xf32>
    tpu.vector_store %arg5[%swap3A_522, %swap3A_523], %swap3A_526 {strides = array<i32>} : memref<80x16xf32, #tpu.memory_space<vmem>>, vector<1x16xf32>,
    %broadcast_in_dim3A_527 = arith.constant 1.000000e+00 : f32
    %broadcast_in_dim3A_528 = vector.broadcast %broadcast_in_dim3A_527 : f32 to vector<16xf32>
    %swap3A_529 = arith.constant 66 : i32
    %swap3A_530 = arith.index_cast %swap3A_529 : i32 to index
    %swap3A_531 = arith.constant 0 : index
    %swap3A_532 = tpu.vector_load %arg5[%swap3A_530, %swap3A_531] {strides = array<i32>} : memref<80x16xf32, #tpu.memory_space<vmem>>, vector<1x16xf32>,
    %swap3A_533 = vector.shape_cast %swap3A_532 : vector<1x16xf32> to vector<16xf32>
    %swap3A_534 = vector.shape_cast %broadcast_in_dim3A_528 : vector<16xf32> to vector<1x16xf32>
    tpu.vector_store %arg5[%swap3A_530, %swap3A_531], %swap3A_534 {strides = array<i32>} : memref<80x16xf32, #tpu.memory_space<vmem>>, vector<1x16xf32>,
    %broadcast_in_dim3A_535 = arith.constant 1.000000e+00 : f32
    %broadcast_in_dim3A_536 = vector.broadcast %broadcast_in_dim3A_535 : f32 to vector<16xf32>
    %swap3A_537 = arith.constant 67 : i32
    %swap3A_538 = arith.index_cast %swap3A_537 : i32 to index
    %swap3A_539 = arith.constant 0 : index
    %swap3A_540 = tpu.vector_load %arg5[%swap3A_538, %swap3A_539] {strides = array<i32>} : memref<80x16xf32, #tpu.memory_space<vmem>>, vector<1x16xf32>,
    %swap3A_541 = vector.shape_cast %swap3A_540 : vector<1x16xf32> to vector<16xf32>
    %swap3A_542 = vector.shape_cast %broadcast_in_dim3A_536 : vector<16xf32> to vector<1x16xf32>
    tpu.vector_store %arg5[%swap3A_538, %swap3A_539], %swap3A_542 {strides = array<i32>} : memref<80x16xf32, #tpu.memory_space<vmem>>, vector<1x16xf32>,
    %broadcast_in_dim3A_543 = arith.constant 1.000000e+00 : f32
    %broadcast_in_dim3A_544 = vector.broadcast %broadcast_in_dim3A_543 : f32 to vector<16xf32>
    %swap3A_545 = arith.constant 68 : i32
    %swap3A_546 = arith.index_cast %swap3A_545 : i32 to index
    %swap3A_547 = arith.constant 0 : index
    %swap3A_548 = tpu.vector_load %arg5[%swap3A_546, %swap3A_547] {strides = array<i32>} : memref<80x16xf32, #tpu.memory_space<vmem>>, vector<1x16xf32>,
    %swap3A_549 = vector.shape_cast %swap3A_548 : vector<1x16xf32> to vector<16xf32>
    %swap3A_550 = vector.shape_cast %broadcast_in_dim3A_544 : vector<16xf32> to vector<1x16xf32>
    tpu.vector_store %arg5[%swap3A_546, %swap3A_547], %swap3A_550 {strides = array<i32>} : memref<80x16xf32, #tpu.memory_space<vmem>>, vector<1x16xf32>,
    %broadcast_in_dim3A_551 = arith.constant 1.000000e+00 : f32
    %broadcast_in_dim3A_552 = vector.broadcast %broadcast_in_dim3A_551 : f32 to vector<16xf32>
    %swap3A_553 = arith.constant 69 : i32
    %swap3A_554 = arith.index_cast %swap3A_553 : i32 to index
    %swap3A_555 = arith.constant 0 : index
    %swap3A_556 = tpu.vector_load %arg5[%swap3A_554, %swap3A_555] {strides = array<i32>} : memref<80x16xf32, #tpu.memory_space<vmem>>, vector<1x16xf32>,
    %swap3A_557 = vector.shape_cast %swap3A_556 : vector<1x16xf32> to vector<16xf32>
    %swap3A_558 = vector.shape_cast %broadcast_in_dim3A_552 : vector<16xf32> to vector<1x16xf32>
    tpu.vector_store %arg5[%swap3A_554, %swap3A_555], %swap3A_558 {strides = array<i32>} : memref<80x16xf32, #tpu.memory_space<vmem>>, vector<1x16xf32>,
    %broadcast_in_dim3A_559 = arith.constant 1.000000e+00 : f32
    %broadcast_in_dim3A_560 = vector.broadcast %broadcast_in_dim3A_559 : f32 to vector<16xf32>
    %swap3A_561 = arith.constant 70 : i32
    %swap3A_562 = arith.index_cast %swap3A_561 : i32 to index
    %swap3A_563 = arith.constant 0 : index
    %swap3A_564 = tpu.vector_load %arg5[%swap3A_562, %swap3A_563] {strides = array<i32>} : memref<80x16xf32, #tpu.memory_space<vmem>>, vector<1x16xf32>,
    %swap3A_565 = vector.shape_cast %swap3A_564 : vector<1x16xf32> to vector<16xf32>
    %swap3A_566 = vector.shape_cast %broadcast_in_dim3A_560 : vector<16xf32> to vector<1x16xf32>
    tpu.vector_store %arg5[%swap3A_562, %swap3A_563], %swap3A_566 {strides = array<i32>} : memref<80x16xf32, #tpu.memory_space<vmem>>, vector<1x16xf32>,
    %broadcast_in_dim3A_567 = arith.constant 1.000000e+00 : f32
    %broadcast_in_dim3A_568 = vector.broadcast %broadcast_in_dim3A_567 : f32 to vector<16xf32>
    %swap3A_569 = arith.constant 71 : i32
    %swap3A_570 = arith.index_cast %swap3A_569 : i32 to index
    %swap3A_571 = arith.constant 0 : index
    %swap3A_572 = tpu.vector_load %arg5[%swap3A_570, %swap3A_571] {strides = array<i32>} : memref<80x16xf32, #tpu.memory_space<vmem>>, vector<1x16xf32>,
    %swap3A_573 = vector.shape_cast %swap3A_572 : vector<1x16xf32> to vector<16xf32>
    %swap3A_574 = vector.shape_cast %broadcast_in_dim3A_568 : vector<16xf32> to vector<1x16xf32>
    tpu.vector_store %arg5[%swap3A_570, %swap3A_571], %swap3A_574 {strides = array<i32>} : memref<80x16xf32, #tpu.memory_space<vmem>>, vector<1x16xf32>,
    %broadcast_in_dim3A_575 = arith.constant 1.000000e+00 : f32
    %broadcast_in_dim3A_576 = vector.broadcast %broadcast_in_dim3A_575 : f32 to vector<16xf32>
    %swap3A_577 = arith.constant 72 : i32
    %swap3A_578 = arith.index_cast %swap3A_577 : i32 to index
    %swap3A_579 = arith.constant 0 : index
    %swap3A_580 = tpu.vector_load %arg5[%swap3A_578, %swap3A_579] {strides = array<i32>} : memref<80x16xf32, #tpu.memory_space<vmem>>, vector<1x16xf32>,
    %swap3A_581 = vector.shape_cast %swap3A_580 : vector<1x16xf32> to vector<16xf32>
    %swap3A_582 = vector.shape_cast %broadcast_in_dim3A_576 : vector<16xf32> to vector<1x16xf32>
    tpu.vector_store %arg5[%swap3A_578, %swap3A_579], %swap3A_582 {strides = array<i32>} : memref<80x16xf32, #tpu.memory_space<vmem>>, vector<1x16xf32>,
    %broadcast_in_dim3A_583 = arith.constant 1.000000e+00 : f32
    %broadcast_in_dim3A_584 = vector.broadcast %broadcast_in_dim3A_583 : f32 to vector<16xf32>
    %swap3A_585 = arith.constant 73 : i32
    %swap3A_586 = arith.index_cast %swap3A_585 : i32 to index
    %swap3A_587 = arith.constant 0 : index
    %swap3A_588 = tpu.vector_load %arg5[%swap3A_586, %swap3A_587] {strides = array<i32>} : memref<80x16xf32, #tpu.memory_space<vmem>>, vector<1x16xf32>,
    %swap3A_589 = vector.shape_cast %swap3A_588 : vector<1x16xf32> to vector<16xf32>
    %swap3A_590 = vector.shape_cast %broadcast_in_dim3A_584 : vector<16xf32> to vector<1x16xf32>
    tpu.vector_store %arg5[%swap3A_586, %swap3A_587], %swap3A_590 {strides = array<i32>} : memref<80x16xf32, #tpu.memory_space<vmem>>, vector<1x16xf32>,
    %broadcast_in_dim3A_591 = arith.constant 1.000000e+00 : f32
    %broadcast_in_dim3A_592 = vector.broadcast %broadcast_in_dim3A_591 : f32 to vector<16xf32>
    %swap3A_593 = arith.constant 74 : i32
    %swap3A_594 = arith.index_cast %swap3A_593 : i32 to index
    %swap3A_595 = arith.constant 0 : index
    %swap3A_596 = tpu.vector_load %arg5[%swap3A_594, %swap3A_595] {strides = array<i32>} : memref<80x16xf32, #tpu.memory_space<vmem>>, vector<1x16xf32>,
    %swap3A_597 = vector.shape_cast %swap3A_596 : vector<1x16xf32> to vector<16xf32>
    %swap3A_598 = vector.shape_cast %broadcast_in_dim3A_592 : vector<16xf32> to vector<1x16xf32>
    tpu.vector_store %arg5[%swap3A_594, %swap3A_595], %swap3A_598 {strides = array<i32>} : memref<80x16xf32, #tpu.memory_space<vmem>>, vector<1x16xf32>,
    %broadcast_in_dim3A_599 = arith.constant 1.000000e+00 : f32
    %broadcast_in_dim3A_600 = vector.broadcast %broadcast_in_dim3A_599 : f32 to vector<16xf32>
    %swap3A_601 = arith.constant 75 : i32
    %swap3A_602 = arith.index_cast %swap3A_601 : i32 to index
    %swap3A_603 = arith.constant 0 : index
    %swap3A_604 = tpu.vector_load %arg5[%swap3A_602, %swap3A_603] {strides = array<i32>} : memref<80x16xf32, #tpu.memory_space<vmem>>, vector<1x16xf32>,
    %swap3A_605 = vector.shape_cast %swap3A_604 : vector<1x16xf32> to vector<16xf32>
    %swap3A_606 = vector.shape_cast %broadcast_in_dim3A_600 : vector<16xf32> to vector<1x16xf32>
    tpu.vector_store %arg5[%swap3A_602, %swap3A_603], %swap3A_606 {strides = array<i32>} : memref<80x16xf32, #tpu.memory_space<vmem>>, vector<1x16xf32>,
    %broadcast_in_dim3A_607 = arith.constant 1.000000e+00 : f32
    %broadcast_in_dim3A_608 = vector.broadcast %broadcast_in_dim3A_607 : f32 to vector<16xf32>
    %swap3A_609 = arith.constant 76 : i32
    %swap3A_610 = arith.index_cast %swap3A_609 : i32 to index
    %swap3A_611 = arith.constant 0 : index
    %swap3A_612 = tpu.vector_load %arg5[%swap3A_610, %swap3A_611] {strides = array<i32>} : memref<80x16xf32, #tpu.memory_space<vmem>>, vector<1x16xf32>,
    %swap3A_613 = vector.shape_cast %swap3A_612 : vector<1x16xf32> to vector<16xf32>
    %swap3A_614 = vector.shape_cast %broadcast_in_dim3A_608 : vector<16xf32> to vector<1x16xf32>
    tpu.vector_store %arg5[%swap3A_610, %swap3A_611], %swap3A_614 {strides = array<i32>} : memref<80x16xf32, #tpu.memory_space<vmem>>, vector<1x16xf32>,
    %broadcast_in_dim3A_615 = arith.constant 1.000000e+00 : f32
    %broadcast_in_dim3A_616 = vector.broadcast %broadcast_in_dim3A_615 : f32 to vector<16xf32>
    %swap3A_617 = arith.constant 77 : i32
    %swap3A_618 = arith.index_cast %swap3A_617 : i32 to index
    %swap3A_619 = arith.constant 0 : index
    %swap3A_620 = tpu.vector_load %arg5[%swap3A_618, %swap3A_619] {strides = array<i32>} : memref<80x16xf32, #tpu.memory_space<vmem>>, vector<1x16xf32>,
    %swap3A_621 = vector.shape_cast %swap3A_620 : vector<1x16xf32> to vector<16xf32>
    %swap3A_622 = vector.shape_cast %broadcast_in_dim3A_616 : vector<16xf32> to vector<1x16xf32>
    tpu.vector_store %arg5[%swap3A_618, %swap3A_619], %swap3A_622 {strides = array<i32>} : memref<80x16xf32, #tpu.memory_space<vmem>>, vector<1x16xf32>,
    %broadcast_in_dim3A_623 = arith.constant 1.000000e+00 : f32
    %broadcast_in_dim3A_624 = vector.broadcast %broadcast_in_dim3A_623 : f32 to vector<16xf32>
    %swap3A_625 = arith.constant 78 : i32
    %swap3A_626 = arith.index_cast %swap3A_625 : i32 to index
    %swap3A_627 = arith.constant 0 : index
    %swap3A_628 = tpu.vector_load %arg5[%swap3A_626, %swap3A_627] {strides = array<i32>} : memref<80x16xf32, #tpu.memory_space<vmem>>, vector<1x16xf32>,
    %swap3A_629 = vector.shape_cast %swap3A_628 : vector<1x16xf32> to vector<16xf32>
    %swap3A_630 = vector.shape_cast %broadcast_in_dim3A_624 : vector<16xf32> to vector<1x16xf32>
    tpu.vector_store %arg5[%swap3A_626, %swap3A_627], %swap3A_630 {strides = array<i32>} : memref<80x16xf32, #tpu.memory_space<vmem>>, vector<1x16xf32>,
    %broadcast_in_dim3A_631 = arith.constant 1.000000e+00 : f32
    %broadcast_in_dim3A_632 = vector.broadcast %broadcast_in_dim3A_631 : f32 to vector<16xf32>
    %swap3A_633 = arith.constant 79 : i32
    %swap3A_634 = arith.index_cast %swap3A_633 : i32 to index
    %swap3A_635 = arith.constant 0 : index
    %swap3A_636 = tpu.vector_load %arg5[%swap3A_634, %swap3A_635] {strides = array<i32>} : memref<80x16xf32, #tpu.memory_space<vmem>>, vector<1x16xf32>,
    %swap3A_637 = vector.shape_cast %swap3A_636 : vector<1x16xf32> to vector<16xf32>
    %swap3A_638 = vector.shape_cast %broadcast_in_dim3A_632 : vector<16xf32> to vector<1x16xf32>
    tpu.vector_store %arg5[%swap3A_634, %swap3A_635], %swap3A_638 {strides = array<i32>} : memref<80x16xf32, #tpu.memory_space<vmem>>, vector<1x16xf32>,
    %mul3A_639 = arith.constant 624 : i32
    %mul3A_640 = arith.muli %arg1, %mul3A_639 : i32
    %mul3A_641 = arith.constant 624 : i32
    %mul3A_642 = arith.muli %arg1, %mul3A_641 : i32
    "tpu.region"() ({
      %run_scoped3A = tpu.sem_alloc : memref<!tpu.dma_semaphore, #tpu.memory_space<semaphore_mem>>
      %dma_start3A = arith.constant 0 : i32
      %dma_start3A_653 = tpu.memref_slice %arg7[%mul3A_642, %dma_start3A] : memref<10000x16xf32, #tpu.memory_space<vmem_shared>> -> memref<640x16xf32, #tpu.memory_space<vmem_shared>>
      %dma_start3A_654 = arith.constant 0 : i32
      %dma_start3A_655 = tpu.memref_slice %arg3[%mul3A_640, %dma_start3A_654] : memref<10000x16xf32, #tpu.memory_space<hbm>> -> memref<640x16xf32, #tpu.memory_space<hbm>>
      tpu.enqueue_dma source(%dma_start3A_655 : memref<640x16xf32, #tpu.memory_space<hbm>>) target(%dma_start3A_653 : memref<640x16xf32, #tpu.memory_space<vmem_shared>>) target_semaphore(%run_scoped3A : memref<!tpu.dma_semaphore, #tpu.memory_space<semaphore_mem>>)
      %dma_wait3A = arith.constant 0 : i32
      %dma_wait3A_656 = tpu.memref_slice %arg7[%mul3A_642, %dma_wait3A] : memref<10000x16xf32, #tpu.memory_space<vmem_shared>> -> memref<640x16xf32, #tpu.memory_space<vmem_shared>>
      %dma_wait3A_657 = arith.constant 0 : i32
      %dma_wait3A_658 = tpu.memref_slice %arg3[%mul3A_640, %dma_wait3A_657] : memref<10000x16xf32, #tpu.memory_space<hbm>> -> memref<640x16xf32, #tpu.memory_space<hbm>>
      tpu.wait_dma2 semaphore(%run_scoped3A : memref<!tpu.dma_semaphore, #tpu.memory_space<semaphore_mem>>) src(%dma_wait3A_658 : memref<640x16xf32, #tpu.memory_space<hbm>>) dst(%dma_wait3A_656 : memref<640x16xf32, #tpu.memory_space<vmem_shared>>)
      tpu.yield
    }) : () -> ()
    %barrier3A = arith.constant 0 : index
    tpu.barrier barrier_id(%barrier3A)
    "tpu.region"() ({
      %run_scoped3A = tpu.sem_alloc : memref<!tpu.dma_semaphore, #tpu.memory_space<semaphore_mem>>
      %dma_start3A = arith.constant 0 : i32
      %dma_start3A_653 = arith.constant 0 : i32
      %dma_start3A_654 = tpu.memref_slice %arg2[%add3A, %dma_start3A, %dma_start3A_653] : memref<32x125x80xi32, #tpu.memory_space<hbm>> -> memref<1x125x80xi32, #tpu.memory_space<hbm>>
      %dma_start3A_655 = tpu.memref_squeeze %dma_start3A_654 : memref<1x125x80xi32, #tpu.memory_space<hbm>> -> memref<125x80xi32, #tpu.memory_space<hbm>>
      %dma_start3A_656 = arith.constant 0 : i32
      %dma_start3A_657 = arith.constant 0 : i32
      %dma_start3A_658 = tpu.memref_slice %arg2[%add3A, %dma_start3A_656, %dma_start3A_657] : memref<32x125x80xi32, #tpu.memory_space<hbm>> -> memref<1x125x80xi32, #tpu.memory_space<hbm>>
      %dma_start3A_659 = tpu.memref_squeeze %dma_start3A_658 : memref<1x125x80xi32, #tpu.memory_space<hbm>> -> memref<125x80xi32, #tpu.memory_space<hbm>>
      tpu.enqueue_dma source(%dma_start3A_659 : memref<125x80xi32, #tpu.memory_space<hbm>>) target(%arg6 : memref<125x80xi32, #tpu.memory_space<vmem>>) target_semaphore(%run_scoped3A : memref<!tpu.dma_semaphore, #tpu.memory_space<semaphore_mem>>)
      %dma_wait3A = arith.constant 0 : i32
      %dma_wait3A_660 = arith.constant 0 : i32
      %dma_wait3A_661 = tpu.memref_slice %arg2[%add3A, %dma_wait3A, %dma_wait3A_660] : memref<32x125x80xi32, #tpu.memory_space<hbm>> -> memref<1x125x80xi32, #tpu.memory_space<hbm>>
      %dma_wait3A_662 = tpu.memref_squeeze %dma_wait3A_661 : memref<1x125x80xi32, #tpu.memory_space<hbm>> -> memref<125x80xi32, #tpu.memory_space<hbm>>
      %dma_wait3A_663 = arith.constant 0 : i32
      %dma_wait3A_664 = arith.constant 0 : i32
      %dma_wait3A_665 = tpu.memref_slice %arg2[%add3A, %dma_wait3A_663, %dma_wait3A_664] : memref<32x125x80xi32, #tpu.memory_space<hbm>> -> memref<1x125x80xi32, #tpu.memory_space<hbm>>
      %dma_wait3A_666 = tpu.memref_squeeze %dma_wait3A_665 : memref<1x125x80xi32, #tpu.memory_space<hbm>> -> memref<125x80xi32, #tpu.memory_space<hbm>>
      tpu.wait_dma2 semaphore(%run_scoped3A : memref<!tpu.dma_semaphore, #tpu.memory_space<semaphore_mem>>) src(%dma_wait3A_666 : memref<125x80xi32, #tpu.memory_space<hbm>>) dst(%arg6 : memref<125x80xi32, #tpu.memory_space<vmem>>)
      tpu.yield
    }) : () -> ()
    %scan3A = arith.constant 0 : i32
    %scan3A_643 = arith.constant 0 : i32
    %scan3A_644 = arith.constant 125 : i32
    %scan3A_645 = arith.addi %scan3A_643, %scan3A_644 : i32
    %scan3A_646 = arith.constant 1 : i32
    scf.for %scan3A_653 = %scan3A_643 to %scan3A_645 step %scan3A_646  : i32 {
      "tpu.region"() ({
        %run_scoped3A = tpu.sem_alloc : memref<!tpu.dma_semaphore, #tpu.memory_space<semaphore_mem>>
        %dma_start3A = arith.constant 0 : i32
        %dma_start3A_654 = tpu.memref_slice %arg6[%scan3A_653, %dma_start3A] : memref<125x80xi32, #tpu.memory_space<vmem>> -> memref<1x80xi32, #tpu.memory_space<vmem>>
        %dma_start3A_655 = tpu.memref_squeeze %dma_start3A_654 : memref<1x80xi32, #tpu.memory_space<vmem>> -> memref<80xi32, #tpu.memory_space<vmem>>
        %dma_start3A_656 = arith.constant 0 : i32
        %dma_start3A_657 = arith.constant 0 : i32
        %dma_start3A_658 = tpu.memref_slice %arg7[%dma_start3A_656, %dma_start3A_657] : memref<10000x16xf32, #tpu.memory_space<vmem_shared>> -> memref<10000x16xf32, #tpu.memory_space<vmem_shared>>
        tpu.enqueue_indirect_dma source(%arg5 : memref<80x16xf32, #tpu.memory_space<vmem>>) target(%dma_start3A_658 : memref<10000x16xf32, #tpu.memory_space<vmem_shared>>) offsets(%dma_start3A_655 : memref<80xi32, #tpu.memory_space<vmem>>) semaphore(%run_scoped3A : memref<!tpu.dma_semaphore, #tpu.memory_space<semaphore_mem>>) {add = true}
        %dma_wait3A = arith.constant 0 : i32
        %dma_wait3A_659 = tpu.memref_slice %arg6[%scan3A_653, %dma_wait3A] : memref<125x80xi32, #tpu.memory_space<vmem>> -> memref<1x80xi32, #tpu.memory_space<vmem>>
        %dma_wait3A_660 = tpu.memref_squeeze %dma_wait3A_659 : memref<1x80xi32, #tpu.memory_space<vmem>> -> memref<80xi32, #tpu.memory_space<vmem>>
        %dma_wait3A_661 = arith.constant 0 : i32
        %dma_wait3A_662 = arith.constant 0 : i32
        %dma_wait3A_663 = tpu.memref_slice %arg7[%dma_wait3A_661, %dma_wait3A_662] : memref<10000x16xf32, #tpu.memory_space<vmem_shared>> -> memref<10000x16xf32, #tpu.memory_space<vmem_shared>>
        tpu.wait_indirect_dma semaphore(%run_scoped3A : memref<!tpu.dma_semaphore, #tpu.memory_space<semaphore_mem>>) src(%arg5 : memref<80x16xf32, #tpu.memory_space<vmem>>) dst(%dma_wait3A_663 : memref<10000x16xf32, #tpu.memory_space<vmem_shared>>)
        tpu.yield
      }) : () -> ()
    }
    %scan3A_647 = arith.constant 125 : i32
    %barrier3A_648 = arith.constant 0 : index
    tpu.barrier barrier_id(%barrier3A_648)
    %mul3A_649 = arith.constant 624 : i32
    %mul3A_650 = arith.muli %arg1, %mul3A_649 : i32
    %mul3A_651 = arith.constant 624 : i32
    %mul3A_652 = arith.muli %arg1, %mul3A_651 : i32
    "tpu.region"() ({
      %run_scoped3A = tpu.sem_alloc : memref<!tpu.dma_semaphore, #tpu.memory_space<semaphore_mem>>
      %dma_start3A = arith.constant 0 : i32
      %dma_start3A_653 = tpu.memref_slice %arg4[%arg0, %mul3A_652, %dma_start3A] : memref<2x10000x16xf32, #tpu.memory_space<hbm>> -> memref<1x640x16xf32, #tpu.memory_space<hbm>>
      %dma_start3A_654 = tpu.memref_squeeze %dma_start3A_653 : memref<1x640x16xf32, #tpu.memory_space<hbm>> -> memref<640x16xf32, #tpu.memory_space<hbm>>
      %dma_start3A_655 = arith.constant 0 : i32
      %dma_start3A_656 = tpu.memref_slice %arg7[%mul3A_650, %dma_start3A_655] : memref<10000x16xf32, #tpu.memory_space<vmem_shared>> -> memref<640x16xf32, #tpu.memory_space<vmem_shared>>
      tpu.enqueue_dma source(%dma_start3A_656 : memref<640x16xf32, #tpu.memory_space<vmem_shared>>) target(%dma_start3A_654 : memref<640x16xf32, #tpu.memory_space<hbm>>) target_semaphore(%run_scoped3A : memref<!tpu.dma_semaphore, #tpu.memory_space<semaphore_mem>>)
      %dma_wait3A = arith.constant 0 : i32
      %dma_wait3A_657 = tpu.memref_slice %arg4[%arg0, %mul3A_652, %dma_wait3A] : memref<2x10000x16xf32, #tpu.memory_space<hbm>> -> memref<1x640x16xf32, #tpu.memory_space<hbm>>
      %dma_wait3A_658 = tpu.memref_squeeze %dma_wait3A_657 : memref<1x640x16xf32, #tpu.memory_space<hbm>> -> memref<640x16xf32, #tpu.memory_space<hbm>>
      %dma_wait3A_659 = arith.constant 0 : i32
      %dma_wait3A_660 = tpu.memref_slice %arg7[%mul3A_650, %dma_wait3A_659] : memref<10000x16xf32, #tpu.memory_space<vmem_shared>> -> memref<640x16xf32, #tpu.memory_space<vmem_shared>>
      tpu.wait_dma2 semaphore(%run_scoped3A : memref<!tpu.dma_semaphore, #tpu.memory_space<semaphore_mem>>) src(%dma_wait3A_660 : memref<640x16xf32, #tpu.memory_space<vmem_shared>>) dst(%dma_wait3A_658 : memref<640x16xf32, #tpu.memory_space<hbm>>)
      tpu.yield
    }) : () -> ()
    return
  }
}

#map = affine_map<(d0, d1) -> (0, 0)>
#map1 = affine_map<(d0, d1) -> (0)>
#map2 = affine_map<(d0, d1) -> (0, 0, 0)>
module attributes {stable_mosaic.version = 14 : i64} {
  func.func @_agg_body(%arg0: i32, %arg1: i32, %arg2: memref<10000x128xf32, #tpu.memory_space<hbm>>, %arg3: memref<320000xi32, #tpu.memory_space<hbm>>, %arg4: memref<32x125x80xi32, #tpu.memory_space<hbm>>, %arg5: memref<10000x128xf32, #tpu.memory_space<hbm>>, %arg6: memref<2x10000x128xf32, #tpu.memory_space<hbm>>, %arg7: memref<10000xi32, #tpu.memory_space<vmem>>, %arg8: memref<125x80xi32, #tpu.memory_space<vmem>>, %arg9: memref<80x128xf32, #tpu.memory_space<vmem>>, %arg10: memref<80x128xf32, #tpu.memory_space<vmem>>, %arg11: memref<10000x128xf32, #tpu.memory_space<vmem_shared>>, %arg12: memref<!tpu.dma_semaphore, #tpu.memory_space<semaphore_mem>>, %arg13: memref<!tpu.dma_semaphore, #tpu.memory_space<semaphore_mem>>) attributes {dimension_semantics = [#tpu.dimension_semantics<core_parallel>, #tpu.dimension_semantics<subcore_parallel>], iteration_bounds = array<i64: 2, 16>, scalar_prefetch = 0 : i64, scratch_operands = 7 : i64, tpu.core_type = #tpu.core_type<sc_vector_subcore>, window_params = [{transform_indices = #map}, {transform_indices = #map1}, {transform_indices = #map2}, {transform_indices = #map}, {transform_indices = #map2}]} {
    %mul3A = arith.constant 16 : i32
    %mul3A_0 = arith.muli %arg0, %mul3A : i32
    %add3A = arith.addi %mul3A_0, %arg1 : i32
    %mul3A_1 = arith.constant 624 : i32
    %mul3A_2 = arith.muli %arg1, %mul3A_1 : i32
    %mul3A_3 = arith.constant 624 : i32
    %mul3A_4 = arith.muli %arg1, %mul3A_3 : i32
    "tpu.region"() ({
      %run_scoped3A = tpu.sem_alloc : memref<!tpu.dma_semaphore, #tpu.memory_space<semaphore_mem>>
      %dma_start3A = arith.constant 0 : i32
      %dma_start3A_17 = tpu.memref_slice %arg11[%mul3A_4, %dma_start3A] : memref<10000x128xf32, #tpu.memory_space<vmem_shared>> -> memref<640x128xf32, #tpu.memory_space<vmem_shared>>
      %dma_start3A_18 = arith.constant 0 : i32
      %dma_start3A_19 = tpu.memref_slice %arg5[%mul3A_2, %dma_start3A_18] : memref<10000x128xf32, #tpu.memory_space<hbm>> -> memref<640x128xf32, #tpu.memory_space<hbm>>
      tpu.enqueue_dma source(%dma_start3A_19 : memref<640x128xf32, #tpu.memory_space<hbm>>) target(%dma_start3A_17 : memref<640x128xf32, #tpu.memory_space<vmem_shared>>) target_semaphore(%run_scoped3A : memref<!tpu.dma_semaphore, #tpu.memory_space<semaphore_mem>>)
      %dma_wait3A = arith.constant 0 : i32
      %dma_wait3A_20 = tpu.memref_slice %arg11[%mul3A_4, %dma_wait3A] : memref<10000x128xf32, #tpu.memory_space<vmem_shared>> -> memref<640x128xf32, #tpu.memory_space<vmem_shared>>
      %dma_wait3A_21 = arith.constant 0 : i32
      %dma_wait3A_22 = tpu.memref_slice %arg5[%mul3A_2, %dma_wait3A_21] : memref<10000x128xf32, #tpu.memory_space<hbm>> -> memref<640x128xf32, #tpu.memory_space<hbm>>
      tpu.wait_dma2 semaphore(%run_scoped3A : memref<!tpu.dma_semaphore, #tpu.memory_space<semaphore_mem>>) src(%dma_wait3A_22 : memref<640x128xf32, #tpu.memory_space<hbm>>) dst(%dma_wait3A_20 : memref<640x128xf32, #tpu.memory_space<vmem_shared>>)
      tpu.yield
    }) : () -> ()
    %mul3A_5 = arith.constant 10000 : i32
    %mul3A_6 = arith.muli %add3A, %mul3A_5 : i32
    "tpu.region"() ({
      %run_scoped3A = tpu.sem_alloc : memref<!tpu.dma_semaphore, #tpu.memory_space<semaphore_mem>>
      %dma_start3A = tpu.memref_slice %arg3[%mul3A_6] : memref<320000xi32, #tpu.memory_space<hbm>> -> memref<10000xi32, #tpu.memory_space<hbm>>
      %dma_start3A_17 = tpu.memref_slice %arg3[%mul3A_6] : memref<320000xi32, #tpu.memory_space<hbm>> -> memref<10000xi32, #tpu.memory_space<hbm>>
      tpu.enqueue_dma source(%dma_start3A_17 : memref<10000xi32, #tpu.memory_space<hbm>>) target(%arg7 : memref<10000xi32, #tpu.memory_space<vmem>>) target_semaphore(%run_scoped3A : memref<!tpu.dma_semaphore, #tpu.memory_space<semaphore_mem>>)
      %dma_wait3A = tpu.memref_slice %arg3[%mul3A_6] : memref<320000xi32, #tpu.memory_space<hbm>> -> memref<10000xi32, #tpu.memory_space<hbm>>
      %dma_wait3A_18 = tpu.memref_slice %arg3[%mul3A_6] : memref<320000xi32, #tpu.memory_space<hbm>> -> memref<10000xi32, #tpu.memory_space<hbm>>
      tpu.wait_dma2 semaphore(%run_scoped3A : memref<!tpu.dma_semaphore, #tpu.memory_space<semaphore_mem>>) src(%dma_wait3A_18 : memref<10000xi32, #tpu.memory_space<hbm>>) dst(%arg7 : memref<10000xi32, #tpu.memory_space<vmem>>)
      tpu.yield
    }) : () -> ()
    "tpu.region"() ({
      %run_scoped3A = tpu.sem_alloc : memref<!tpu.dma_semaphore, #tpu.memory_space<semaphore_mem>>
      %dma_start3A = arith.constant 0 : i32
      %dma_start3A_17 = arith.constant 0 : i32
      %dma_start3A_18 = tpu.memref_slice %arg4[%add3A, %dma_start3A, %dma_start3A_17] : memref<32x125x80xi32, #tpu.memory_space<hbm>> -> memref<1x125x80xi32, #tpu.memory_space<hbm>>
      %dma_start3A_19 = tpu.memref_squeeze %dma_start3A_18 : memref<1x125x80xi32, #tpu.memory_space<hbm>> -> memref<125x80xi32, #tpu.memory_space<hbm>>
      %dma_start3A_20 = arith.constant 0 : i32
      %dma_start3A_21 = arith.constant 0 : i32
      %dma_start3A_22 = tpu.memref_slice %arg4[%add3A, %dma_start3A_20, %dma_start3A_21] : memref<32x125x80xi32, #tpu.memory_space<hbm>> -> memref<1x125x80xi32, #tpu.memory_space<hbm>>
      %dma_start3A_23 = tpu.memref_squeeze %dma_start3A_22 : memref<1x125x80xi32, #tpu.memory_space<hbm>> -> memref<125x80xi32, #tpu.memory_space<hbm>>
      tpu.enqueue_dma source(%dma_start3A_23 : memref<125x80xi32, #tpu.memory_space<hbm>>) target(%arg8 : memref<125x80xi32, #tpu.memory_space<vmem>>) target_semaphore(%run_scoped3A : memref<!tpu.dma_semaphore, #tpu.memory_space<semaphore_mem>>)
      %dma_wait3A = arith.constant 0 : i32
      %dma_wait3A_24 = arith.constant 0 : i32
      %dma_wait3A_25 = tpu.memref_slice %arg4[%add3A, %dma_wait3A, %dma_wait3A_24] : memref<32x125x80xi32, #tpu.memory_space<hbm>> -> memref<1x125x80xi32, #tpu.memory_space<hbm>>
      %dma_wait3A_26 = tpu.memref_squeeze %dma_wait3A_25 : memref<1x125x80xi32, #tpu.memory_space<hbm>> -> memref<125x80xi32, #tpu.memory_space<hbm>>
      %dma_wait3A_27 = arith.constant 0 : i32
      %dma_wait3A_28 = arith.constant 0 : i32
      %dma_wait3A_29 = tpu.memref_slice %arg4[%add3A, %dma_wait3A_27, %dma_wait3A_28] : memref<32x125x80xi32, #tpu.memory_space<hbm>> -> memref<1x125x80xi32, #tpu.memory_space<hbm>>
      %dma_wait3A_30 = tpu.memref_squeeze %dma_wait3A_29 : memref<1x125x80xi32, #tpu.memory_space<hbm>> -> memref<125x80xi32, #tpu.memory_space<hbm>>
      tpu.wait_dma2 semaphore(%run_scoped3A : memref<!tpu.dma_semaphore, #tpu.memory_space<semaphore_mem>>) src(%dma_wait3A_30 : memref<125x80xi32, #tpu.memory_space<hbm>>) dst(%arg8 : memref<125x80xi32, #tpu.memory_space<vmem>>)
      tpu.yield
    }) : () -> ()
    %barrier3A = arith.constant 0 : index
    tpu.barrier barrier_id(%barrier3A)
    %scan3A = arith.constant 0 : i32
    %scan3A_7 = arith.constant 0 : i32
    %scan3A_8 = arith.constant 25 : i32
    %scan3A_9 = arith.addi %scan3A_7, %scan3A_8 : i32
    %scan3A_10 = arith.constant 1 : i32
    scf.for %scan3A_17 = %scan3A_7 to %scan3A_9 step %scan3A_10  : i32 {
      %mul3A_18 = arith.constant 5 : i32
      %mul3A_19 = arith.muli %scan3A_17, %mul3A_18 : i32
      %mul3A_20 = arith.constant 80 : i32
      %mul3A_21 = arith.muli %mul3A_19, %mul3A_20 : i32
      %dma_start3A = tpu.memref_slice %arg7[%mul3A_21] : memref<10000xi32, #tpu.memory_space<vmem>> -> memref<80xi32, #tpu.memory_space<vmem>>
      %dma_start3A_22 = arith.constant 0 : i32
      %dma_start3A_23 = arith.constant 0 : i32
      %dma_start3A_24 = tpu.memref_slice %arg2[%dma_start3A_22, %dma_start3A_23] : memref<10000x128xf32, #tpu.memory_space<hbm>> -> memref<10000x128xf32, #tpu.memory_space<hbm>>
      tpu.enqueue_indirect_dma source(%dma_start3A_24 : memref<10000x128xf32, #tpu.memory_space<hbm>>) target(%arg9 : memref<80x128xf32, #tpu.memory_space<vmem>>) offsets(%dma_start3A : memref<80xi32, #tpu.memory_space<vmem>>) semaphore(%arg12 : memref<!tpu.dma_semaphore, #tpu.memory_space<semaphore_mem>>)
      %add3A_25 = arith.constant 1 : i32
      %add3A_26 = arith.addi %mul3A_19, %add3A_25 : i32
      %mul3A_27 = arith.constant 80 : i32
      %mul3A_28 = arith.muli %add3A_26, %mul3A_27 : i32
      %dma_start3A_29 = tpu.memref_slice %arg7[%mul3A_28] : memref<10000xi32, #tpu.memory_space<vmem>> -> memref<80xi32, #tpu.memory_space<vmem>>
      %dma_start3A_30 = arith.constant 0 : i32
      %dma_start3A_31 = arith.constant 0 : i32
      %dma_start3A_32 = tpu.memref_slice %arg2[%dma_start3A_30, %dma_start3A_31] : memref<10000x128xf32, #tpu.memory_space<hbm>> -> memref<10000x128xf32, #tpu.memory_space<hbm>>
      tpu.enqueue_indirect_dma source(%dma_start3A_32 : memref<10000x128xf32, #tpu.memory_space<hbm>>) target(%arg10 : memref<80x128xf32, #tpu.memory_space<vmem>>) offsets(%dma_start3A_29 : memref<80xi32, #tpu.memory_space<vmem>>) semaphore(%arg13 : memref<!tpu.dma_semaphore, #tpu.memory_space<semaphore_mem>>)
      %dma_wait3A = tpu.memref_slice %arg7[%mul3A_21] : memref<10000xi32, #tpu.memory_space<vmem>> -> memref<80xi32, #tpu.memory_space<vmem>>
      %dma_wait3A_33 = arith.constant 0 : i32
      %dma_wait3A_34 = arith.constant 0 : i32
      %dma_wait3A_35 = tpu.memref_slice %arg2[%dma_wait3A_33, %dma_wait3A_34] : memref<10000x128xf32, #tpu.memory_space<hbm>> -> memref<10000x128xf32, #tpu.memory_space<hbm>>
      tpu.wait_indirect_dma semaphore(%arg12 : memref<!tpu.dma_semaphore, #tpu.memory_space<semaphore_mem>>) src(%dma_wait3A_35 : memref<10000x128xf32, #tpu.memory_space<hbm>>) dst(%arg9 : memref<80x128xf32, #tpu.memory_space<vmem>>)
      "tpu.region"() ({
        %run_scoped3A = tpu.sem_alloc : memref<!tpu.dma_semaphore, #tpu.memory_space<semaphore_mem>>
        %dma_start3A_84 = arith.constant 0 : i32
        %dma_start3A_85 = tpu.memref_slice %arg8[%mul3A_19, %dma_start3A_84] : memref<125x80xi32, #tpu.memory_space<vmem>> -> memref<1x80xi32, #tpu.memory_space<vmem>>
        %dma_start3A_86 = tpu.memref_squeeze %dma_start3A_85 : memref<1x80xi32, #tpu.memory_space<vmem>> -> memref<80xi32, #tpu.memory_space<vmem>>
        %dma_start3A_87 = arith.constant 0 : i32
        %dma_start3A_88 = arith.constant 0 : i32
        %dma_start3A_89 = tpu.memref_slice %arg11[%dma_start3A_87, %dma_start3A_88] : memref<10000x128xf32, #tpu.memory_space<vmem_shared>> -> memref<10000x128xf32, #tpu.memory_space<vmem_shared>>
        tpu.enqueue_indirect_dma source(%arg9 : memref<80x128xf32, #tpu.memory_space<vmem>>) target(%dma_start3A_89 : memref<10000x128xf32, #tpu.memory_space<vmem_shared>>) offsets(%dma_start3A_86 : memref<80xi32, #tpu.memory_space<vmem>>) semaphore(%run_scoped3A : memref<!tpu.dma_semaphore, #tpu.memory_space<semaphore_mem>>) {add = true}
        %dma_wait3A_90 = arith.constant 0 : i32
        %dma_wait3A_91 = tpu.memref_slice %arg8[%mul3A_19, %dma_wait3A_90] : memref<125x80xi32, #tpu.memory_space<vmem>> -> memref<1x80xi32, #tpu.memory_space<vmem>>
        %dma_wait3A_92 = tpu.memref_squeeze %dma_wait3A_91 : memref<1x80xi32, #tpu.memory_space<vmem>> -> memref<80xi32, #tpu.memory_space<vmem>>
        %dma_wait3A_93 = arith.constant 0 : i32
        %dma_wait3A_94 = arith.constant 0 : i32
        %dma_wait3A_95 = tpu.memref_slice %arg11[%dma_wait3A_93, %dma_wait3A_94] : memref<10000x128xf32, #tpu.memory_space<vmem_shared>> -> memref<10000x128xf32, #tpu.memory_space<vmem_shared>>
        tpu.wait_indirect_dma semaphore(%run_scoped3A : memref<!tpu.dma_semaphore, #tpu.memory_space<semaphore_mem>>) src(%arg9 : memref<80x128xf32, #tpu.memory_space<vmem>>) dst(%dma_wait3A_95 : memref<10000x128xf32, #tpu.memory_space<vmem_shared>>)
        tpu.yield
      }) : () -> ()
      %add3A_36 = arith.constant 2 : i32
      %add3A_37 = arith.addi %mul3A_19, %add3A_36 : i32
      %mul3A_38 = arith.constant 80 : i32
      %mul3A_39 = arith.muli %add3A_37, %mul3A_38 : i32
      %dma_start3A_40 = tpu.memref_slice %arg7[%mul3A_39] : memref<10000xi32, #tpu.memory_space<vmem>> -> memref<80xi32, #tpu.memory_space<vmem>>
      %dma_start3A_41 = arith.constant 0 : i32
      %dma_start3A_42 = arith.constant 0 : i32
      %dma_start3A_43 = tpu.memref_slice %arg2[%dma_start3A_41, %dma_start3A_42] : memref<10000x128xf32, #tpu.memory_space<hbm>> -> memref<10000x128xf32, #tpu.memory_space<hbm>>
      tpu.enqueue_indirect_dma source(%dma_start3A_43 : memref<10000x128xf32, #tpu.memory_space<hbm>>) target(%arg9 : memref<80x128xf32, #tpu.memory_space<vmem>>) offsets(%dma_start3A_40 : memref<80xi32, #tpu.memory_space<vmem>>) semaphore(%arg12 : memref<!tpu.dma_semaphore, #tpu.memory_space<semaphore_mem>>)
      %dma_wait3A_44 = tpu.memref_slice %arg7[%mul3A_28] : memref<10000xi32, #tpu.memory_space<vmem>> -> memref<80xi32, #tpu.memory_space<vmem>>
      %dma_wait3A_45 = arith.constant 0 : i32
      %dma_wait3A_46 = arith.constant 0 : i32
      %dma_wait3A_47 = tpu.memref_slice %arg2[%dma_wait3A_45, %dma_wait3A_46] : memref<10000x128xf32, #tpu.memory_space<hbm>> -> memref<10000x128xf32, #tpu.memory_space<hbm>>
      tpu.wait_indirect_dma semaphore(%arg13 : memref<!tpu.dma_semaphore, #tpu.memory_space<semaphore_mem>>) src(%dma_wait3A_47 : memref<10000x128xf32, #tpu.memory_space<hbm>>) dst(%arg10 : memref<80x128xf32, #tpu.memory_space<vmem>>)
      %add3A_48 = arith.constant 1 : i32
      %add3A_49 = arith.addi %mul3A_19, %add3A_48 : i32
      "tpu.region"() ({
        %run_scoped3A = tpu.sem_alloc : memref<!tpu.dma_semaphore, #tpu.memory_space<semaphore_mem>>
        %dma_start3A_84 = arith.constant 0 : i32
        %dma_start3A_85 = tpu.memref_slice %arg8[%add3A_49, %dma_start3A_84] : memref<125x80xi32, #tpu.memory_space<vmem>> -> memref<1x80xi32, #tpu.memory_space<vmem>>
        %dma_start3A_86 = tpu.memref_squeeze %dma_start3A_85 : memref<1x80xi32, #tpu.memory_space<vmem>> -> memref<80xi32, #tpu.memory_space<vmem>>
        %dma_start3A_87 = arith.constant 0 : i32
        %dma_start3A_88 = arith.constant 0 : i32
        %dma_start3A_89 = tpu.memref_slice %arg11[%dma_start3A_87, %dma_start3A_88] : memref<10000x128xf32, #tpu.memory_space<vmem_shared>> -> memref<10000x128xf32, #tpu.memory_space<vmem_shared>>
        tpu.enqueue_indirect_dma source(%arg10 : memref<80x128xf32, #tpu.memory_space<vmem>>) target(%dma_start3A_89 : memref<10000x128xf32, #tpu.memory_space<vmem_shared>>) offsets(%dma_start3A_86 : memref<80xi32, #tpu.memory_space<vmem>>) semaphore(%run_scoped3A : memref<!tpu.dma_semaphore, #tpu.memory_space<semaphore_mem>>) {add = true}
        %dma_wait3A_90 = arith.constant 0 : i32
        %dma_wait3A_91 = tpu.memref_slice %arg8[%add3A_49, %dma_wait3A_90] : memref<125x80xi32, #tpu.memory_space<vmem>> -> memref<1x80xi32, #tpu.memory_space<vmem>>
        %dma_wait3A_92 = tpu.memref_squeeze %dma_wait3A_91 : memref<1x80xi32, #tpu.memory_space<vmem>> -> memref<80xi32, #tpu.memory_space<vmem>>
        %dma_wait3A_93 = arith.constant 0 : i32
        %dma_wait3A_94 = arith.constant 0 : i32
        %dma_wait3A_95 = tpu.memref_slice %arg11[%dma_wait3A_93, %dma_wait3A_94] : memref<10000x128xf32, #tpu.memory_space<vmem_shared>> -> memref<10000x128xf32, #tpu.memory_space<vmem_shared>>
        tpu.wait_indirect_dma semaphore(%run_scoped3A : memref<!tpu.dma_semaphore, #tpu.memory_space<semaphore_mem>>) src(%arg10 : memref<80x128xf32, #tpu.memory_space<vmem>>) dst(%dma_wait3A_95 : memref<10000x128xf32, #tpu.memory_space<vmem_shared>>)
        tpu.yield
      }) : () -> ()
      %add3A_50 = arith.constant 3 : i32
      %add3A_51 = arith.addi %mul3A_19, %add3A_50 : i32
      %mul3A_52 = arith.constant 80 : i32
      %mul3A_53 = arith.muli %add3A_51, %mul3A_52 : i32
      %dma_start3A_54 = tpu.memref_slice %arg7[%mul3A_53] : memref<10000xi32, #tpu.memory_space<vmem>> -> memref<80xi32, #tpu.memory_space<vmem>>
      %dma_start3A_55 = arith.constant 0 : i32
      %dma_start3A_56 = arith.constant 0 : i32
      %dma_start3A_57 = tpu.memref_slice %arg2[%dma_start3A_55, %dma_start3A_56] : memref<10000x128xf32, #tpu.memory_space<hbm>> -> memref<10000x128xf32, #tpu.memory_space<hbm>>
      tpu.enqueue_indirect_dma source(%dma_start3A_57 : memref<10000x128xf32, #tpu.memory_space<hbm>>) target(%arg10 : memref<80x128xf32, #tpu.memory_space<vmem>>) offsets(%dma_start3A_54 : memref<80xi32, #tpu.memory_space<vmem>>) semaphore(%arg13 : memref<!tpu.dma_semaphore, #tpu.memory_space<semaphore_mem>>)
      %dma_wait3A_58 = tpu.memref_slice %arg7[%mul3A_39] : memref<10000xi32, #tpu.memory_space<vmem>> -> memref<80xi32, #tpu.memory_space<vmem>>
      %dma_wait3A_59 = arith.constant 0 : i32
      %dma_wait3A_60 = arith.constant 0 : i32
      %dma_wait3A_61 = tpu.memref_slice %arg2[%dma_wait3A_59, %dma_wait3A_60] : memref<10000x128xf32, #tpu.memory_space<hbm>> -> memref<10000x128xf32, #tpu.memory_space<hbm>>
      tpu.wait_indirect_dma semaphore(%arg12 : memref<!tpu.dma_semaphore, #tpu.memory_space<semaphore_mem>>) src(%dma_wait3A_61 : memref<10000x128xf32, #tpu.memory_space<hbm>>) dst(%arg9 : memref<80x128xf32, #tpu.memory_space<vmem>>)
      %add3A_62 = arith.constant 2 : i32
      %add3A_63 = arith.addi %mul3A_19, %add3A_62 : i32
      "tpu.region"() ({
        %run_scoped3A = tpu.sem_alloc : memref<!tpu.dma_semaphore, #tpu.memory_space<semaphore_mem>>
        %dma_start3A_84 = arith.constant 0 : i32
        %dma_start3A_85 = tpu.memref_slice %arg8[%add3A_63, %dma_start3A_84] : memref<125x80xi32, #tpu.memory_space<vmem>> -> memref<1x80xi32, #tpu.memory_space<vmem>>
        %dma_start3A_86 = tpu.memref_squeeze %dma_start3A_85 : memref<1x80xi32, #tpu.memory_space<vmem>> -> memref<80xi32, #tpu.memory_space<vmem>>
        %dma_start3A_87 = arith.constant 0 : i32
        %dma_start3A_88 = arith.constant 0 : i32
        %dma_start3A_89 = tpu.memref_slice %arg11[%dma_start3A_87, %dma_start3A_88] : memref<10000x128xf32, #tpu.memory_space<vmem_shared>> -> memref<10000x128xf32, #tpu.memory_space<vmem_shared>>
        tpu.enqueue_indirect_dma source(%arg9 : memref<80x128xf32, #tpu.memory_space<vmem>>) target(%dma_start3A_89 : memref<10000x128xf32, #tpu.memory_space<vmem_shared>>) offsets(%dma_start3A_86 : memref<80xi32, #tpu.memory_space<vmem>>) semaphore(%run_scoped3A : memref<!tpu.dma_semaphore, #tpu.memory_space<semaphore_mem>>) {add = true}
        %dma_wait3A_90 = arith.constant 0 : i32
        %dma_wait3A_91 = tpu.memref_slice %arg8[%add3A_63, %dma_wait3A_90] : memref<125x80xi32, #tpu.memory_space<vmem>> -> memref<1x80xi32, #tpu.memory_space<vmem>>
        %dma_wait3A_92 = tpu.memref_squeeze %dma_wait3A_91 : memref<1x80xi32, #tpu.memory_space<vmem>> -> memref<80xi32, #tpu.memory_space<vmem>>
        %dma_wait3A_93 = arith.constant 0 : i32
        %dma_wait3A_94 = arith.constant 0 : i32
        %dma_wait3A_95 = tpu.memref_slice %arg11[%dma_wait3A_93, %dma_wait3A_94] : memref<10000x128xf32, #tpu.memory_space<vmem_shared>> -> memref<10000x128xf32, #tpu.memory_space<vmem_shared>>
        tpu.wait_indirect_dma semaphore(%run_scoped3A : memref<!tpu.dma_semaphore, #tpu.memory_space<semaphore_mem>>) src(%arg9 : memref<80x128xf32, #tpu.memory_space<vmem>>) dst(%dma_wait3A_95 : memref<10000x128xf32, #tpu.memory_space<vmem_shared>>)
        tpu.yield
      }) : () -> ()
      %add3A_64 = arith.constant 4 : i32
      %add3A_65 = arith.addi %mul3A_19, %add3A_64 : i32
      %mul3A_66 = arith.constant 80 : i32
      %mul3A_67 = arith.muli %add3A_65, %mul3A_66 : i32
      %dma_start3A_68 = tpu.memref_slice %arg7[%mul3A_67] : memref<10000xi32, #tpu.memory_space<vmem>> -> memref<80xi32, #tpu.memory_space<vmem>>
      %dma_start3A_69 = arith.constant 0 : i32
      %dma_start3A_70 = arith.constant 0 : i32
      %dma_start3A_71 = tpu.memref_slice %arg2[%dma_start3A_69, %dma_start3A_70] : memref<10000x128xf32, #tpu.memory_space<hbm>> -> memref<10000x128xf32, #tpu.memory_space<hbm>>
      tpu.enqueue_indirect_dma source(%dma_start3A_71 : memref<10000x128xf32, #tpu.memory_space<hbm>>) target(%arg9 : memref<80x128xf32, #tpu.memory_space<vmem>>) offsets(%dma_start3A_68 : memref<80xi32, #tpu.memory_space<vmem>>) semaphore(%arg12 : memref<!tpu.dma_semaphore, #tpu.memory_space<semaphore_mem>>)
      %dma_wait3A_72 = tpu.memref_slice %arg7[%mul3A_53] : memref<10000xi32, #tpu.memory_space<vmem>> -> memref<80xi32, #tpu.memory_space<vmem>>
      %dma_wait3A_73 = arith.constant 0 : i32
      %dma_wait3A_74 = arith.constant 0 : i32
      %dma_wait3A_75 = tpu.memref_slice %arg2[%dma_wait3A_73, %dma_wait3A_74] : memref<10000x128xf32, #tpu.memory_space<hbm>> -> memref<10000x128xf32, #tpu.memory_space<hbm>>
      tpu.wait_indirect_dma semaphore(%arg13 : memref<!tpu.dma_semaphore, #tpu.memory_space<semaphore_mem>>) src(%dma_wait3A_75 : memref<10000x128xf32, #tpu.memory_space<hbm>>) dst(%arg10 : memref<80x128xf32, #tpu.memory_space<vmem>>)
      %add3A_76 = arith.constant 3 : i32
      %add3A_77 = arith.addi %mul3A_19, %add3A_76 : i32
      "tpu.region"() ({
        %run_scoped3A = tpu.sem_alloc : memref<!tpu.dma_semaphore, #tpu.memory_space<semaphore_mem>>
        %dma_start3A_84 = arith.constant 0 : i32
        %dma_start3A_85 = tpu.memref_slice %arg8[%add3A_77, %dma_start3A_84] : memref<125x80xi32, #tpu.memory_space<vmem>> -> memref<1x80xi32, #tpu.memory_space<vmem>>
        %dma_start3A_86 = tpu.memref_squeeze %dma_start3A_85 : memref<1x80xi32, #tpu.memory_space<vmem>> -> memref<80xi32, #tpu.memory_space<vmem>>
        %dma_start3A_87 = arith.constant 0 : i32
        %dma_start3A_88 = arith.constant 0 : i32
        %dma_start3A_89 = tpu.memref_slice %arg11[%dma_start3A_87, %dma_start3A_88] : memref<10000x128xf32, #tpu.memory_space<vmem_shared>> -> memref<10000x128xf32, #tpu.memory_space<vmem_shared>>
        tpu.enqueue_indirect_dma source(%arg10 : memref<80x128xf32, #tpu.memory_space<vmem>>) target(%dma_start3A_89 : memref<10000x128xf32, #tpu.memory_space<vmem_shared>>) offsets(%dma_start3A_86 : memref<80xi32, #tpu.memory_space<vmem>>) semaphore(%run_scoped3A : memref<!tpu.dma_semaphore, #tpu.memory_space<semaphore_mem>>) {add = true}
        %dma_wait3A_90 = arith.constant 0 : i32
        %dma_wait3A_91 = tpu.memref_slice %arg8[%add3A_77, %dma_wait3A_90] : memref<125x80xi32, #tpu.memory_space<vmem>> -> memref<1x80xi32, #tpu.memory_space<vmem>>
        %dma_wait3A_92 = tpu.memref_squeeze %dma_wait3A_91 : memref<1x80xi32, #tpu.memory_space<vmem>> -> memref<80xi32, #tpu.memory_space<vmem>>
        %dma_wait3A_93 = arith.constant 0 : i32
        %dma_wait3A_94 = arith.constant 0 : i32
        %dma_wait3A_95 = tpu.memref_slice %arg11[%dma_wait3A_93, %dma_wait3A_94] : memref<10000x128xf32, #tpu.memory_space<vmem_shared>> -> memref<10000x128xf32, #tpu.memory_space<vmem_shared>>
        tpu.wait_indirect_dma semaphore(%run_scoped3A : memref<!tpu.dma_semaphore, #tpu.memory_space<semaphore_mem>>) src(%arg10 : memref<80x128xf32, #tpu.memory_space<vmem>>) dst(%dma_wait3A_95 : memref<10000x128xf32, #tpu.memory_space<vmem_shared>>)
        tpu.yield
      }) : () -> ()
      %dma_wait3A_78 = tpu.memref_slice %arg7[%mul3A_67] : memref<10000xi32, #tpu.memory_space<vmem>> -> memref<80xi32, #tpu.memory_space<vmem>>
      %dma_wait3A_79 = arith.constant 0 : i32
      %dma_wait3A_80 = arith.constant 0 : i32
      %dma_wait3A_81 = tpu.memref_slice %arg2[%dma_wait3A_79, %dma_wait3A_80] : memref<10000x128xf32, #tpu.memory_space<hbm>> -> memref<10000x128xf32, #tpu.memory_space<hbm>>
      tpu.wait_indirect_dma semaphore(%arg12 : memref<!tpu.dma_semaphore, #tpu.memory_space<semaphore_mem>>) src(%dma_wait3A_81 : memref<10000x128xf32, #tpu.memory_space<hbm>>) dst(%arg9 : memref<80x128xf32, #tpu.memory_space<vmem>>)
      %add3A_82 = arith.constant 4 : i32
      %add3A_83 = arith.addi %mul3A_19, %add3A_82 : i32
      "tpu.region"() ({
        %run_scoped3A = tpu.sem_alloc : memref<!tpu.dma_semaphore, #tpu.memory_space<semaphore_mem>>
        %dma_start3A_84 = arith.constant 0 : i32
        %dma_start3A_85 = tpu.memref_slice %arg8[%add3A_83, %dma_start3A_84] : memref<125x80xi32, #tpu.memory_space<vmem>> -> memref<1x80xi32, #tpu.memory_space<vmem>>
        %dma_start3A_86 = tpu.memref_squeeze %dma_start3A_85 : memref<1x80xi32, #tpu.memory_space<vmem>> -> memref<80xi32, #tpu.memory_space<vmem>>
        %dma_start3A_87 = arith.constant 0 : i32
        %dma_start3A_88 = arith.constant 0 : i32
        %dma_start3A_89 = tpu.memref_slice %arg11[%dma_start3A_87, %dma_start3A_88] : memref<10000x128xf32, #tpu.memory_space<vmem_shared>> -> memref<10000x128xf32, #tpu.memory_space<vmem_shared>>
        tpu.enqueue_indirect_dma source(%arg9 : memref<80x128xf32, #tpu.memory_space<vmem>>) target(%dma_start3A_89 : memref<10000x128xf32, #tpu.memory_space<vmem_shared>>) offsets(%dma_start3A_86 : memref<80xi32, #tpu.memory_space<vmem>>) semaphore(%run_scoped3A : memref<!tpu.dma_semaphore, #tpu.memory_space<semaphore_mem>>) {add = true}
        %dma_wait3A_90 = arith.constant 0 : i32
        %dma_wait3A_91 = tpu.memref_slice %arg8[%add3A_83, %dma_wait3A_90] : memref<125x80xi32, #tpu.memory_space<vmem>> -> memref<1x80xi32, #tpu.memory_space<vmem>>
        %dma_wait3A_92 = tpu.memref_squeeze %dma_wait3A_91 : memref<1x80xi32, #tpu.memory_space<vmem>> -> memref<80xi32, #tpu.memory_space<vmem>>
        %dma_wait3A_93 = arith.constant 0 : i32
        %dma_wait3A_94 = arith.constant 0 : i32
        %dma_wait3A_95 = tpu.memref_slice %arg11[%dma_wait3A_93, %dma_wait3A_94] : memref<10000x128xf32, #tpu.memory_space<vmem_shared>> -> memref<10000x128xf32, #tpu.memory_space<vmem_shared>>
        tpu.wait_indirect_dma semaphore(%run_scoped3A : memref<!tpu.dma_semaphore, #tpu.memory_space<semaphore_mem>>) src(%arg9 : memref<80x128xf32, #tpu.memory_space<vmem>>) dst(%dma_wait3A_95 : memref<10000x128xf32, #tpu.memory_space<vmem_shared>>)
        tpu.yield
      }) : () -> ()
    }
    %scan3A_11 = arith.constant 25 : i32
    %barrier3A_12 = arith.constant 0 : index
    tpu.barrier barrier_id(%barrier3A_12)
    %mul3A_13 = arith.constant 624 : i32
    %mul3A_14 = arith.muli %arg1, %mul3A_13 : i32
    %mul3A_15 = arith.constant 624 : i32
    %mul3A_16 = arith.muli %arg1, %mul3A_15 : i32
    "tpu.region"() ({
      %run_scoped3A = tpu.sem_alloc : memref<!tpu.dma_semaphore, #tpu.memory_space<semaphore_mem>>
      %dma_start3A = arith.constant 0 : i32
      %dma_start3A_17 = tpu.memref_slice %arg6[%arg0, %mul3A_16, %dma_start3A] : memref<2x10000x128xf32, #tpu.memory_space<hbm>> -> memref<1x640x128xf32, #tpu.memory_space<hbm>>
      %dma_start3A_18 = tpu.memref_squeeze %dma_start3A_17 : memref<1x640x128xf32, #tpu.memory_space<hbm>> -> memref<640x128xf32, #tpu.memory_space<hbm>>
      %dma_start3A_19 = arith.constant 0 : i32
      %dma_start3A_20 = tpu.memref_slice %arg11[%mul3A_14, %dma_start3A_19] : memref<10000x128xf32, #tpu.memory_space<vmem_shared>> -> memref<640x128xf32, #tpu.memory_space<vmem_shared>>
      tpu.enqueue_dma source(%dma_start3A_20 : memref<640x128xf32, #tpu.memory_space<vmem_shared>>) target(%dma_start3A_18 : memref<640x128xf32, #tpu.memory_space<hbm>>) target_semaphore(%run_scoped3A : memref<!tpu.dma_semaphore, #tpu.memory_space<semaphore_mem>>)
      %dma_wait3A = arith.constant 0 : i32
      %dma_wait3A_21 = tpu.memref_slice %arg6[%arg0, %mul3A_16, %dma_wait3A] : memref<2x10000x128xf32, #tpu.memory_space<hbm>> -> memref<1x640x128xf32, #tpu.memory_space<hbm>>
      %dma_wait3A_22 = tpu.memref_squeeze %dma_wait3A_21 : memref<1x640x128xf32, #tpu.memory_space<hbm>> -> memref<640x128xf32, #tpu.memory_space<hbm>>
      %dma_wait3A_23 = arith.constant 0 : i32
      %dma_wait3A_24 = tpu.memref_slice %arg11[%mul3A_14, %dma_wait3A_23] : memref<10000x128xf32, #tpu.memory_space<vmem_shared>> -> memref<640x128xf32, #tpu.memory_space<vmem_shared>>
      tpu.wait_dma2 semaphore(%run_scoped3A : memref<!tpu.dma_semaphore, #tpu.memory_space<semaphore_mem>>) src(%dma_wait3A_24 : memref<640x128xf32, #tpu.memory_space<vmem_shared>>) dst(%dma_wait3A_22 : memref<640x128xf32, #tpu.memory_space<hbm>>)
      tpu.yield
    }) : () -> ()
    return
  }
}

#map = affine_map<(d0, d1) -> (0, 0)>
#map1 = affine_map<(d0, d1) -> (0)>
#map2 = affine_map<(d0, d1) -> (0, 0, 0)>
module attributes {stable_mosaic.version = 14 : i64} {
  func.func @_agg_body(%arg0: i32, %arg1: i32, %arg2: memref<10000x128xf32, #tpu.memory_space<hbm>>, %arg3: memref<320000xi32, #tpu.memory_space<hbm>>, %arg4: memref<32x125x80xi32, #tpu.memory_space<hbm>>, %arg5: memref<10000x128xf32, #tpu.memory_space<hbm>>, %arg6: memref<2x10000x128xf32, #tpu.memory_space<hbm>>, %arg7: memref<10000xi32, #tpu.memory_space<vmem>>, %arg8: memref<125x80xi32, #tpu.memory_space<vmem>>, %arg9: memref<80x128xf32, #tpu.memory_space<vmem>>, %arg10: memref<80x128xf32, #tpu.memory_space<vmem>>, %arg11: memref<10000x128xf32, #tpu.memory_space<vmem_shared>>, %arg12: memref<!tpu.dma_semaphore, #tpu.memory_space<semaphore_mem>>, %arg13: memref<!tpu.dma_semaphore, #tpu.memory_space<semaphore_mem>>) attributes {dimension_semantics = [#tpu.dimension_semantics<core_parallel>, #tpu.dimension_semantics<subcore_parallel>], iteration_bounds = array<i64: 2, 16>, scalar_prefetch = 0 : i64, scratch_operands = 7 : i64, tpu.core_type = #tpu.core_type<sc_vector_subcore>, window_params = [{transform_indices = #map}, {transform_indices = #map1}, {transform_indices = #map2}, {transform_indices = #map}, {transform_indices = #map2}]} {
    %mul3A = arith.constant 16 : i32
    %mul3A_0 = arith.muli %arg0, %mul3A : i32
    %add3A = arith.addi %mul3A_0, %arg1 : i32
    %mul3A_1 = arith.constant 624 : i32
    %mul3A_2 = arith.muli %arg1, %mul3A_1 : i32
    %mul3A_3 = arith.constant 624 : i32
    %mul3A_4 = arith.muli %arg1, %mul3A_3 : i32
    "tpu.region"() ({
      %run_scoped3A = tpu.sem_alloc : memref<!tpu.dma_semaphore, #tpu.memory_space<semaphore_mem>>
      %dma_start3A = arith.constant 0 : i32
      %dma_start3A_17 = tpu.memref_slice %arg11[%mul3A_4, %dma_start3A] : memref<10000x128xf32, #tpu.memory_space<vmem_shared>> -> memref<640x128xf32, #tpu.memory_space<vmem_shared>>
      %dma_start3A_18 = arith.constant 0 : i32
      %dma_start3A_19 = tpu.memref_slice %arg5[%mul3A_2, %dma_start3A_18] : memref<10000x128xf32, #tpu.memory_space<hbm>> -> memref<640x128xf32, #tpu.memory_space<hbm>>
      tpu.enqueue_dma source(%dma_start3A_19 : memref<640x128xf32, #tpu.memory_space<hbm>>) target(%dma_start3A_17 : memref<640x128xf32, #tpu.memory_space<vmem_shared>>) target_semaphore(%run_scoped3A : memref<!tpu.dma_semaphore, #tpu.memory_space<semaphore_mem>>)
      %dma_wait3A = arith.constant 0 : i32
      %dma_wait3A_20 = tpu.memref_slice %arg11[%mul3A_4, %dma_wait3A] : memref<10000x128xf32, #tpu.memory_space<vmem_shared>> -> memref<640x128xf32, #tpu.memory_space<vmem_shared>>
      %dma_wait3A_21 = arith.constant 0 : i32
      %dma_wait3A_22 = tpu.memref_slice %arg5[%mul3A_2, %dma_wait3A_21] : memref<10000x128xf32, #tpu.memory_space<hbm>> -> memref<640x128xf32, #tpu.memory_space<hbm>>
      tpu.wait_dma2 semaphore(%run_scoped3A : memref<!tpu.dma_semaphore, #tpu.memory_space<semaphore_mem>>) src(%dma_wait3A_22 : memref<640x128xf32, #tpu.memory_space<hbm>>) dst(%dma_wait3A_20 : memref<640x128xf32, #tpu.memory_space<vmem_shared>>)
      tpu.yield
    }) : () -> ()
    %mul3A_5 = arith.constant 10000 : i32
    %mul3A_6 = arith.muli %add3A, %mul3A_5 : i32
    "tpu.region"() ({
      %run_scoped3A = tpu.sem_alloc : memref<!tpu.dma_semaphore, #tpu.memory_space<semaphore_mem>>
      %dma_start3A = tpu.memref_slice %arg3[%mul3A_6] : memref<320000xi32, #tpu.memory_space<hbm>> -> memref<10000xi32, #tpu.memory_space<hbm>>
      %dma_start3A_17 = tpu.memref_slice %arg3[%mul3A_6] : memref<320000xi32, #tpu.memory_space<hbm>> -> memref<10000xi32, #tpu.memory_space<hbm>>
      tpu.enqueue_dma source(%dma_start3A_17 : memref<10000xi32, #tpu.memory_space<hbm>>) target(%arg7 : memref<10000xi32, #tpu.memory_space<vmem>>) target_semaphore(%run_scoped3A : memref<!tpu.dma_semaphore, #tpu.memory_space<semaphore_mem>>)
      %dma_wait3A = tpu.memref_slice %arg3[%mul3A_6] : memref<320000xi32, #tpu.memory_space<hbm>> -> memref<10000xi32, #tpu.memory_space<hbm>>
      %dma_wait3A_18 = tpu.memref_slice %arg3[%mul3A_6] : memref<320000xi32, #tpu.memory_space<hbm>> -> memref<10000xi32, #tpu.memory_space<hbm>>
      tpu.wait_dma2 semaphore(%run_scoped3A : memref<!tpu.dma_semaphore, #tpu.memory_space<semaphore_mem>>) src(%dma_wait3A_18 : memref<10000xi32, #tpu.memory_space<hbm>>) dst(%arg7 : memref<10000xi32, #tpu.memory_space<vmem>>)
      tpu.yield
    }) : () -> ()
    "tpu.region"() ({
      %run_scoped3A = tpu.sem_alloc : memref<!tpu.dma_semaphore, #tpu.memory_space<semaphore_mem>>
      %dma_start3A = arith.constant 0 : i32
      %dma_start3A_17 = arith.constant 0 : i32
      %dma_start3A_18 = tpu.memref_slice %arg4[%add3A, %dma_start3A, %dma_start3A_17] : memref<32x125x80xi32, #tpu.memory_space<hbm>> -> memref<1x125x80xi32, #tpu.memory_space<hbm>>
      %dma_start3A_19 = tpu.memref_squeeze %dma_start3A_18 : memref<1x125x80xi32, #tpu.memory_space<hbm>> -> memref<125x80xi32, #tpu.memory_space<hbm>>
      %dma_start3A_20 = arith.constant 0 : i32
      %dma_start3A_21 = arith.constant 0 : i32
      %dma_start3A_22 = tpu.memref_slice %arg4[%add3A, %dma_start3A_20, %dma_start3A_21] : memref<32x125x80xi32, #tpu.memory_space<hbm>> -> memref<1x125x80xi32, #tpu.memory_space<hbm>>
      %dma_start3A_23 = tpu.memref_squeeze %dma_start3A_22 : memref<1x125x80xi32, #tpu.memory_space<hbm>> -> memref<125x80xi32, #tpu.memory_space<hbm>>
      tpu.enqueue_dma source(%dma_start3A_23 : memref<125x80xi32, #tpu.memory_space<hbm>>) target(%arg8 : memref<125x80xi32, #tpu.memory_space<vmem>>) target_semaphore(%run_scoped3A : memref<!tpu.dma_semaphore, #tpu.memory_space<semaphore_mem>>)
      %dma_wait3A = arith.constant 0 : i32
      %dma_wait3A_24 = arith.constant 0 : i32
      %dma_wait3A_25 = tpu.memref_slice %arg4[%add3A, %dma_wait3A, %dma_wait3A_24] : memref<32x125x80xi32, #tpu.memory_space<hbm>> -> memref<1x125x80xi32, #tpu.memory_space<hbm>>
      %dma_wait3A_26 = tpu.memref_squeeze %dma_wait3A_25 : memref<1x125x80xi32, #tpu.memory_space<hbm>> -> memref<125x80xi32, #tpu.memory_space<hbm>>
      %dma_wait3A_27 = arith.constant 0 : i32
      %dma_wait3A_28 = arith.constant 0 : i32
      %dma_wait3A_29 = tpu.memref_slice %arg4[%add3A, %dma_wait3A_27, %dma_wait3A_28] : memref<32x125x80xi32, #tpu.memory_space<hbm>> -> memref<1x125x80xi32, #tpu.memory_space<hbm>>
      %dma_wait3A_30 = tpu.memref_squeeze %dma_wait3A_29 : memref<1x125x80xi32, #tpu.memory_space<hbm>> -> memref<125x80xi32, #tpu.memory_space<hbm>>
      tpu.wait_dma2 semaphore(%run_scoped3A : memref<!tpu.dma_semaphore, #tpu.memory_space<semaphore_mem>>) src(%dma_wait3A_30 : memref<125x80xi32, #tpu.memory_space<hbm>>) dst(%arg8 : memref<125x80xi32, #tpu.memory_space<vmem>>)
      tpu.yield
    }) : () -> ()
    %barrier3A = arith.constant 0 : index
    tpu.barrier barrier_id(%barrier3A)
    %scan3A = arith.constant 0 : i32
    %scan3A_7 = arith.constant 0 : i32
    %scan3A_8 = arith.constant 25 : i32
    %scan3A_9 = arith.addi %scan3A_7, %scan3A_8 : i32
    %scan3A_10 = arith.constant 1 : i32
    scf.for %scan3A_17 = %scan3A_7 to %scan3A_9 step %scan3A_10  : i32 {
      %mul3A_18 = arith.constant 5 : i32
      %mul3A_19 = arith.muli %scan3A_17, %mul3A_18 : i32
      %mul3A_20 = arith.constant 80 : i32
      %mul3A_21 = arith.muli %mul3A_19, %mul3A_20 : i32
      %dma_start3A = tpu.memref_slice %arg7[%mul3A_21] : memref<10000xi32, #tpu.memory_space<vmem>> -> memref<80xi32, #tpu.memory_space<vmem>>
      %dma_start3A_22 = arith.constant 0 : i32
      %dma_start3A_23 = arith.constant 0 : i32
      %dma_start3A_24 = tpu.memref_slice %arg2[%dma_start3A_22, %dma_start3A_23] : memref<10000x128xf32, #tpu.memory_space<hbm>> -> memref<10000x128xf32, #tpu.memory_space<hbm>>
      tpu.enqueue_indirect_dma source(%dma_start3A_24 : memref<10000x128xf32, #tpu.memory_space<hbm>>) target(%arg9 : memref<80x128xf32, #tpu.memory_space<vmem>>) offsets(%dma_start3A : memref<80xi32, #tpu.memory_space<vmem>>) semaphore(%arg12 : memref<!tpu.dma_semaphore, #tpu.memory_space<semaphore_mem>>)
      %add3A_25 = arith.constant 1 : i32
      %add3A_26 = arith.addi %mul3A_19, %add3A_25 : i32
      %mul3A_27 = arith.constant 80 : i32
      %mul3A_28 = arith.muli %add3A_26, %mul3A_27 : i32
      %dma_start3A_29 = tpu.memref_slice %arg7[%mul3A_28] : memref<10000xi32, #tpu.memory_space<vmem>> -> memref<80xi32, #tpu.memory_space<vmem>>
      %dma_start3A_30 = arith.constant 0 : i32
      %dma_start3A_31 = arith.constant 0 : i32
      %dma_start3A_32 = tpu.memref_slice %arg2[%dma_start3A_30, %dma_start3A_31] : memref<10000x128xf32, #tpu.memory_space<hbm>> -> memref<10000x128xf32, #tpu.memory_space<hbm>>
      tpu.enqueue_indirect_dma source(%dma_start3A_32 : memref<10000x128xf32, #tpu.memory_space<hbm>>) target(%arg10 : memref<80x128xf32, #tpu.memory_space<vmem>>) offsets(%dma_start3A_29 : memref<80xi32, #tpu.memory_space<vmem>>) semaphore(%arg13 : memref<!tpu.dma_semaphore, #tpu.memory_space<semaphore_mem>>)
      %dma_wait3A = tpu.memref_slice %arg7[%mul3A_21] : memref<10000xi32, #tpu.memory_space<vmem>> -> memref<80xi32, #tpu.memory_space<vmem>>
      %dma_wait3A_33 = arith.constant 0 : i32
      %dma_wait3A_34 = arith.constant 0 : i32
      %dma_wait3A_35 = tpu.memref_slice %arg2[%dma_wait3A_33, %dma_wait3A_34] : memref<10000x128xf32, #tpu.memory_space<hbm>> -> memref<10000x128xf32, #tpu.memory_space<hbm>>
      tpu.wait_indirect_dma semaphore(%arg12 : memref<!tpu.dma_semaphore, #tpu.memory_space<semaphore_mem>>) src(%dma_wait3A_35 : memref<10000x128xf32, #tpu.memory_space<hbm>>) dst(%arg9 : memref<80x128xf32, #tpu.memory_space<vmem>>)
      "tpu.region"() ({
        %run_scoped3A = tpu.sem_alloc : memref<!tpu.dma_semaphore, #tpu.memory_space<semaphore_mem>>
        %dma_start3A_84 = arith.constant 0 : i32
        %dma_start3A_85 = tpu.memref_slice %arg8[%mul3A_19, %dma_start3A_84] : memref<125x80xi32, #tpu.memory_space<vmem>> -> memref<1x80xi32, #tpu.memory_space<vmem>>
        %dma_start3A_86 = tpu.memref_squeeze %dma_start3A_85 : memref<1x80xi32, #tpu.memory_space<vmem>> -> memref<80xi32, #tpu.memory_space<vmem>>
        %dma_start3A_87 = arith.constant 0 : i32
        %dma_start3A_88 = arith.constant 0 : i32
        %dma_start3A_89 = tpu.memref_slice %arg11[%dma_start3A_87, %dma_start3A_88] : memref<10000x128xf32, #tpu.memory_space<vmem_shared>> -> memref<10000x128xf32, #tpu.memory_space<vmem_shared>>
        tpu.enqueue_indirect_dma source(%arg9 : memref<80x128xf32, #tpu.memory_space<vmem>>) target(%dma_start3A_89 : memref<10000x128xf32, #tpu.memory_space<vmem_shared>>) offsets(%dma_start3A_86 : memref<80xi32, #tpu.memory_space<vmem>>) semaphore(%run_scoped3A : memref<!tpu.dma_semaphore, #tpu.memory_space<semaphore_mem>>) {add = true}
        %dma_wait3A_90 = arith.constant 0 : i32
        %dma_wait3A_91 = tpu.memref_slice %arg8[%mul3A_19, %dma_wait3A_90] : memref<125x80xi32, #tpu.memory_space<vmem>> -> memref<1x80xi32, #tpu.memory_space<vmem>>
        %dma_wait3A_92 = tpu.memref_squeeze %dma_wait3A_91 : memref<1x80xi32, #tpu.memory_space<vmem>> -> memref<80xi32, #tpu.memory_space<vmem>>
        %dma_wait3A_93 = arith.constant 0 : i32
        %dma_wait3A_94 = arith.constant 0 : i32
        %dma_wait3A_95 = tpu.memref_slice %arg11[%dma_wait3A_93, %dma_wait3A_94] : memref<10000x128xf32, #tpu.memory_space<vmem_shared>> -> memref<10000x128xf32, #tpu.memory_space<vmem_shared>>
        tpu.wait_indirect_dma semaphore(%run_scoped3A : memref<!tpu.dma_semaphore, #tpu.memory_space<semaphore_mem>>) src(%arg9 : memref<80x128xf32, #tpu.memory_space<vmem>>) dst(%dma_wait3A_95 : memref<10000x128xf32, #tpu.memory_space<vmem_shared>>)
        tpu.yield
      }) : () -> ()
      %add3A_36 = arith.constant 2 : i32
      %add3A_37 = arith.addi %mul3A_19, %add3A_36 : i32
      %mul3A_38 = arith.constant 80 : i32
      %mul3A_39 = arith.muli %add3A_37, %mul3A_38 : i32
      %dma_start3A_40 = tpu.memref_slice %arg7[%mul3A_39] : memref<10000xi32, #tpu.memory_space<vmem>> -> memref<80xi32, #tpu.memory_space<vmem>>
      %dma_start3A_41 = arith.constant 0 : i32
      %dma_start3A_42 = arith.constant 0 : i32
      %dma_start3A_43 = tpu.memref_slice %arg2[%dma_start3A_41, %dma_start3A_42] : memref<10000x128xf32, #tpu.memory_space<hbm>> -> memref<10000x128xf32, #tpu.memory_space<hbm>>
      tpu.enqueue_indirect_dma source(%dma_start3A_43 : memref<10000x128xf32, #tpu.memory_space<hbm>>) target(%arg9 : memref<80x128xf32, #tpu.memory_space<vmem>>) offsets(%dma_start3A_40 : memref<80xi32, #tpu.memory_space<vmem>>) semaphore(%arg12 : memref<!tpu.dma_semaphore, #tpu.memory_space<semaphore_mem>>)
      %dma_wait3A_44 = tpu.memref_slice %arg7[%mul3A_28] : memref<10000xi32, #tpu.memory_space<vmem>> -> memref<80xi32, #tpu.memory_space<vmem>>
      %dma_wait3A_45 = arith.constant 0 : i32
      %dma_wait3A_46 = arith.constant 0 : i32
      %dma_wait3A_47 = tpu.memref_slice %arg2[%dma_wait3A_45, %dma_wait3A_46] : memref<10000x128xf32, #tpu.memory_space<hbm>> -> memref<10000x128xf32, #tpu.memory_space<hbm>>
      tpu.wait_indirect_dma semaphore(%arg13 : memref<!tpu.dma_semaphore, #tpu.memory_space<semaphore_mem>>) src(%dma_wait3A_47 : memref<10000x128xf32, #tpu.memory_space<hbm>>) dst(%arg10 : memref<80x128xf32, #tpu.memory_space<vmem>>)
      %add3A_48 = arith.constant 1 : i32
      %add3A_49 = arith.addi %mul3A_19, %add3A_48 : i32
      "tpu.region"() ({
        %run_scoped3A = tpu.sem_alloc : memref<!tpu.dma_semaphore, #tpu.memory_space<semaphore_mem>>
        %dma_start3A_84 = arith.constant 0 : i32
        %dma_start3A_85 = tpu.memref_slice %arg8[%add3A_49, %dma_start3A_84] : memref<125x80xi32, #tpu.memory_space<vmem>> -> memref<1x80xi32, #tpu.memory_space<vmem>>
        %dma_start3A_86 = tpu.memref_squeeze %dma_start3A_85 : memref<1x80xi32, #tpu.memory_space<vmem>> -> memref<80xi32, #tpu.memory_space<vmem>>
        %dma_start3A_87 = arith.constant 0 : i32
        %dma_start3A_88 = arith.constant 0 : i32
        %dma_start3A_89 = tpu.memref_slice %arg11[%dma_start3A_87, %dma_start3A_88] : memref<10000x128xf32, #tpu.memory_space<vmem_shared>> -> memref<10000x128xf32, #tpu.memory_space<vmem_shared>>
        tpu.enqueue_indirect_dma source(%arg10 : memref<80x128xf32, #tpu.memory_space<vmem>>) target(%dma_start3A_89 : memref<10000x128xf32, #tpu.memory_space<vmem_shared>>) offsets(%dma_start3A_86 : memref<80xi32, #tpu.memory_space<vmem>>) semaphore(%run_scoped3A : memref<!tpu.dma_semaphore, #tpu.memory_space<semaphore_mem>>) {add = true}
        %dma_wait3A_90 = arith.constant 0 : i32
        %dma_wait3A_91 = tpu.memref_slice %arg8[%add3A_49, %dma_wait3A_90] : memref<125x80xi32, #tpu.memory_space<vmem>> -> memref<1x80xi32, #tpu.memory_space<vmem>>
        %dma_wait3A_92 = tpu.memref_squeeze %dma_wait3A_91 : memref<1x80xi32, #tpu.memory_space<vmem>> -> memref<80xi32, #tpu.memory_space<vmem>>
        %dma_wait3A_93 = arith.constant 0 : i32
        %dma_wait3A_94 = arith.constant 0 : i32
        %dma_wait3A_95 = tpu.memref_slice %arg11[%dma_wait3A_93, %dma_wait3A_94] : memref<10000x128xf32, #tpu.memory_space<vmem_shared>> -> memref<10000x128xf32, #tpu.memory_space<vmem_shared>>
        tpu.wait_indirect_dma semaphore(%run_scoped3A : memref<!tpu.dma_semaphore, #tpu.memory_space<semaphore_mem>>) src(%arg10 : memref<80x128xf32, #tpu.memory_space<vmem>>) dst(%dma_wait3A_95 : memref<10000x128xf32, #tpu.memory_space<vmem_shared>>)
        tpu.yield
      }) : () -> ()
      %add3A_50 = arith.constant 3 : i32
      %add3A_51 = arith.addi %mul3A_19, %add3A_50 : i32
      %mul3A_52 = arith.constant 80 : i32
      %mul3A_53 = arith.muli %add3A_51, %mul3A_52 : i32
      %dma_start3A_54 = tpu.memref_slice %arg7[%mul3A_53] : memref<10000xi32, #tpu.memory_space<vmem>> -> memref<80xi32, #tpu.memory_space<vmem>>
      %dma_start3A_55 = arith.constant 0 : i32
      %dma_start3A_56 = arith.constant 0 : i32
      %dma_start3A_57 = tpu.memref_slice %arg2[%dma_start3A_55, %dma_start3A_56] : memref<10000x128xf32, #tpu.memory_space<hbm>> -> memref<10000x128xf32, #tpu.memory_space<hbm>>
      tpu.enqueue_indirect_dma source(%dma_start3A_57 : memref<10000x128xf32, #tpu.memory_space<hbm>>) target(%arg10 : memref<80x128xf32, #tpu.memory_space<vmem>>) offsets(%dma_start3A_54 : memref<80xi32, #tpu.memory_space<vmem>>) semaphore(%arg13 : memref<!tpu.dma_semaphore, #tpu.memory_space<semaphore_mem>>)
      %dma_wait3A_58 = tpu.memref_slice %arg7[%mul3A_39] : memref<10000xi32, #tpu.memory_space<vmem>> -> memref<80xi32, #tpu.memory_space<vmem>>
      %dma_wait3A_59 = arith.constant 0 : i32
      %dma_wait3A_60 = arith.constant 0 : i32
      %dma_wait3A_61 = tpu.memref_slice %arg2[%dma_wait3A_59, %dma_wait3A_60] : memref<10000x128xf32, #tpu.memory_space<hbm>> -> memref<10000x128xf32, #tpu.memory_space<hbm>>
      tpu.wait_indirect_dma semaphore(%arg12 : memref<!tpu.dma_semaphore, #tpu.memory_space<semaphore_mem>>) src(%dma_wait3A_61 : memref<10000x128xf32, #tpu.memory_space<hbm>>) dst(%arg9 : memref<80x128xf32, #tpu.memory_space<vmem>>)
      %add3A_62 = arith.constant 2 : i32
      %add3A_63 = arith.addi %mul3A_19, %add3A_62 : i32
      "tpu.region"() ({
        %run_scoped3A = tpu.sem_alloc : memref<!tpu.dma_semaphore, #tpu.memory_space<semaphore_mem>>
        %dma_start3A_84 = arith.constant 0 : i32
        %dma_start3A_85 = tpu.memref_slice %arg8[%add3A_63, %dma_start3A_84] : memref<125x80xi32, #tpu.memory_space<vmem>> -> memref<1x80xi32, #tpu.memory_space<vmem>>
        %dma_start3A_86 = tpu.memref_squeeze %dma_start3A_85 : memref<1x80xi32, #tpu.memory_space<vmem>> -> memref<80xi32, #tpu.memory_space<vmem>>
        %dma_start3A_87 = arith.constant 0 : i32
        %dma_start3A_88 = arith.constant 0 : i32
        %dma_start3A_89 = tpu.memref_slice %arg11[%dma_start3A_87, %dma_start3A_88] : memref<10000x128xf32, #tpu.memory_space<vmem_shared>> -> memref<10000x128xf32, #tpu.memory_space<vmem_shared>>
        tpu.enqueue_indirect_dma source(%arg9 : memref<80x128xf32, #tpu.memory_space<vmem>>) target(%dma_start3A_89 : memref<10000x128xf32, #tpu.memory_space<vmem_shared>>) offsets(%dma_start3A_86 : memref<80xi32, #tpu.memory_space<vmem>>) semaphore(%run_scoped3A : memref<!tpu.dma_semaphore, #tpu.memory_space<semaphore_mem>>) {add = true}
        %dma_wait3A_90 = arith.constant 0 : i32
        %dma_wait3A_91 = tpu.memref_slice %arg8[%add3A_63, %dma_wait3A_90] : memref<125x80xi32, #tpu.memory_space<vmem>> -> memref<1x80xi32, #tpu.memory_space<vmem>>
        %dma_wait3A_92 = tpu.memref_squeeze %dma_wait3A_91 : memref<1x80xi32, #tpu.memory_space<vmem>> -> memref<80xi32, #tpu.memory_space<vmem>>
        %dma_wait3A_93 = arith.constant 0 : i32
        %dma_wait3A_94 = arith.constant 0 : i32
        %dma_wait3A_95 = tpu.memref_slice %arg11[%dma_wait3A_93, %dma_wait3A_94] : memref<10000x128xf32, #tpu.memory_space<vmem_shared>> -> memref<10000x128xf32, #tpu.memory_space<vmem_shared>>
        tpu.wait_indirect_dma semaphore(%run_scoped3A : memref<!tpu.dma_semaphore, #tpu.memory_space<semaphore_mem>>) src(%arg9 : memref<80x128xf32, #tpu.memory_space<vmem>>) dst(%dma_wait3A_95 : memref<10000x128xf32, #tpu.memory_space<vmem_shared>>)
        tpu.yield
      }) : () -> ()
      %add3A_64 = arith.constant 4 : i32
      %add3A_65 = arith.addi %mul3A_19, %add3A_64 : i32
      %mul3A_66 = arith.constant 80 : i32
      %mul3A_67 = arith.muli %add3A_65, %mul3A_66 : i32
      %dma_start3A_68 = tpu.memref_slice %arg7[%mul3A_67] : memref<10000xi32, #tpu.memory_space<vmem>> -> memref<80xi32, #tpu.memory_space<vmem>>
      %dma_start3A_69 = arith.constant 0 : i32
      %dma_start3A_70 = arith.constant 0 : i32
      %dma_start3A_71 = tpu.memref_slice %arg2[%dma_start3A_69, %dma_start3A_70] : memref<10000x128xf32, #tpu.memory_space<hbm>> -> memref<10000x128xf32, #tpu.memory_space<hbm>>
      tpu.enqueue_indirect_dma source(%dma_start3A_71 : memref<10000x128xf32, #tpu.memory_space<hbm>>) target(%arg9 : memref<80x128xf32, #tpu.memory_space<vmem>>) offsets(%dma_start3A_68 : memref<80xi32, #tpu.memory_space<vmem>>) semaphore(%arg12 : memref<!tpu.dma_semaphore, #tpu.memory_space<semaphore_mem>>)
      %dma_wait3A_72 = tpu.memref_slice %arg7[%mul3A_53] : memref<10000xi32, #tpu.memory_space<vmem>> -> memref<80xi32, #tpu.memory_space<vmem>>
      %dma_wait3A_73 = arith.constant 0 : i32
      %dma_wait3A_74 = arith.constant 0 : i32
      %dma_wait3A_75 = tpu.memref_slice %arg2[%dma_wait3A_73, %dma_wait3A_74] : memref<10000x128xf32, #tpu.memory_space<hbm>> -> memref<10000x128xf32, #tpu.memory_space<hbm>>
      tpu.wait_indirect_dma semaphore(%arg13 : memref<!tpu.dma_semaphore, #tpu.memory_space<semaphore_mem>>) src(%dma_wait3A_75 : memref<10000x128xf32, #tpu.memory_space<hbm>>) dst(%arg10 : memref<80x128xf32, #tpu.memory_space<vmem>>)
      %add3A_76 = arith.constant 3 : i32
      %add3A_77 = arith.addi %mul3A_19, %add3A_76 : i32
      "tpu.region"() ({
        %run_scoped3A = tpu.sem_alloc : memref<!tpu.dma_semaphore, #tpu.memory_space<semaphore_mem>>
        %dma_start3A_84 = arith.constant 0 : i32
        %dma_start3A_85 = tpu.memref_slice %arg8[%add3A_77, %dma_start3A_84] : memref<125x80xi32, #tpu.memory_space<vmem>> -> memref<1x80xi32, #tpu.memory_space<vmem>>
        %dma_start3A_86 = tpu.memref_squeeze %dma_start3A_85 : memref<1x80xi32, #tpu.memory_space<vmem>> -> memref<80xi32, #tpu.memory_space<vmem>>
        %dma_start3A_87 = arith.constant 0 : i32
        %dma_start3A_88 = arith.constant 0 : i32
        %dma_start3A_89 = tpu.memref_slice %arg11[%dma_start3A_87, %dma_start3A_88] : memref<10000x128xf32, #tpu.memory_space<vmem_shared>> -> memref<10000x128xf32, #tpu.memory_space<vmem_shared>>
        tpu.enqueue_indirect_dma source(%arg10 : memref<80x128xf32, #tpu.memory_space<vmem>>) target(%dma_start3A_89 : memref<10000x128xf32, #tpu.memory_space<vmem_shared>>) offsets(%dma_start3A_86 : memref<80xi32, #tpu.memory_space<vmem>>) semaphore(%run_scoped3A : memref<!tpu.dma_semaphore, #tpu.memory_space<semaphore_mem>>) {add = true}
        %dma_wait3A_90 = arith.constant 0 : i32
        %dma_wait3A_91 = tpu.memref_slice %arg8[%add3A_77, %dma_wait3A_90] : memref<125x80xi32, #tpu.memory_space<vmem>> -> memref<1x80xi32, #tpu.memory_space<vmem>>
        %dma_wait3A_92 = tpu.memref_squeeze %dma_wait3A_91 : memref<1x80xi32, #tpu.memory_space<vmem>> -> memref<80xi32, #tpu.memory_space<vmem>>
        %dma_wait3A_93 = arith.constant 0 : i32
        %dma_wait3A_94 = arith.constant 0 : i32
        %dma_wait3A_95 = tpu.memref_slice %arg11[%dma_wait3A_93, %dma_wait3A_94] : memref<10000x128xf32, #tpu.memory_space<vmem_shared>> -> memref<10000x128xf32, #tpu.memory_space<vmem_shared>>
        tpu.wait_indirect_dma semaphore(%run_scoped3A : memref<!tpu.dma_semaphore, #tpu.memory_space<semaphore_mem>>) src(%arg10 : memref<80x128xf32, #tpu.memory_space<vmem>>) dst(%dma_wait3A_95 : memref<10000x128xf32, #tpu.memory_space<vmem_shared>>)
        tpu.yield
      }) : () -> ()
      %dma_wait3A_78 = tpu.memref_slice %arg7[%mul3A_67] : memref<10000xi32, #tpu.memory_space<vmem>> -> memref<80xi32, #tpu.memory_space<vmem>>
      %dma_wait3A_79 = arith.constant 0 : i32
      %dma_wait3A_80 = arith.constant 0 : i32
      %dma_wait3A_81 = tpu.memref_slice %arg2[%dma_wait3A_79, %dma_wait3A_80] : memref<10000x128xf32, #tpu.memory_space<hbm>> -> memref<10000x128xf32, #tpu.memory_space<hbm>>
      tpu.wait_indirect_dma semaphore(%arg12 : memref<!tpu.dma_semaphore, #tpu.memory_space<semaphore_mem>>) src(%dma_wait3A_81 : memref<10000x128xf32, #tpu.memory_space<hbm>>) dst(%arg9 : memref<80x128xf32, #tpu.memory_space<vmem>>)
      %add3A_82 = arith.constant 4 : i32
      %add3A_83 = arith.addi %mul3A_19, %add3A_82 : i32
      "tpu.region"() ({
        %run_scoped3A = tpu.sem_alloc : memref<!tpu.dma_semaphore, #tpu.memory_space<semaphore_mem>>
        %dma_start3A_84 = arith.constant 0 : i32
        %dma_start3A_85 = tpu.memref_slice %arg8[%add3A_83, %dma_start3A_84] : memref<125x80xi32, #tpu.memory_space<vmem>> -> memref<1x80xi32, #tpu.memory_space<vmem>>
        %dma_start3A_86 = tpu.memref_squeeze %dma_start3A_85 : memref<1x80xi32, #tpu.memory_space<vmem>> -> memref<80xi32, #tpu.memory_space<vmem>>
        %dma_start3A_87 = arith.constant 0 : i32
        %dma_start3A_88 = arith.constant 0 : i32
        %dma_start3A_89 = tpu.memref_slice %arg11[%dma_start3A_87, %dma_start3A_88] : memref<10000x128xf32, #tpu.memory_space<vmem_shared>> -> memref<10000x128xf32, #tpu.memory_space<vmem_shared>>
        tpu.enqueue_indirect_dma source(%arg9 : memref<80x128xf32, #tpu.memory_space<vmem>>) target(%dma_start3A_89 : memref<10000x128xf32, #tpu.memory_space<vmem_shared>>) offsets(%dma_start3A_86 : memref<80xi32, #tpu.memory_space<vmem>>) semaphore(%run_scoped3A : memref<!tpu.dma_semaphore, #tpu.memory_space<semaphore_mem>>) {add = true}
        %dma_wait3A_90 = arith.constant 0 : i32
        %dma_wait3A_91 = tpu.memref_slice %arg8[%add3A_83, %dma_wait3A_90] : memref<125x80xi32, #tpu.memory_space<vmem>> -> memref<1x80xi32, #tpu.memory_space<vmem>>
        %dma_wait3A_92 = tpu.memref_squeeze %dma_wait3A_91 : memref<1x80xi32, #tpu.memory_space<vmem>> -> memref<80xi32, #tpu.memory_space<vmem>>
        %dma_wait3A_93 = arith.constant 0 : i32
        %dma_wait3A_94 = arith.constant 0 : i32
        %dma_wait3A_95 = tpu.memref_slice %arg11[%dma_wait3A_93, %dma_wait3A_94] : memref<10000x128xf32, #tpu.memory_space<vmem_shared>> -> memref<10000x128xf32, #tpu.memory_space<vmem_shared>>
        tpu.wait_indirect_dma semaphore(%run_scoped3A : memref<!tpu.dma_semaphore, #tpu.memory_space<semaphore_mem>>) src(%arg9 : memref<80x128xf32, #tpu.memory_space<vmem>>) dst(%dma_wait3A_95 : memref<10000x128xf32, #tpu.memory_space<vmem_shared>>)
        tpu.yield
      }) : () -> ()
    }
    %scan3A_11 = arith.constant 25 : i32
    %barrier3A_12 = arith.constant 0 : index
    tpu.barrier barrier_id(%barrier3A_12)
    %mul3A_13 = arith.constant 624 : i32
    %mul3A_14 = arith.muli %arg1, %mul3A_13 : i32
    %mul3A_15 = arith.constant 624 : i32
    %mul3A_16 = arith.muli %arg1, %mul3A_15 : i32
    "tpu.region"() ({
      %run_scoped3A = tpu.sem_alloc : memref<!tpu.dma_semaphore, #tpu.memory_space<semaphore_mem>>
      %dma_start3A = arith.constant 0 : i32
      %dma_start3A_17 = tpu.memref_slice %arg6[%arg0, %mul3A_16, %dma_start3A] : memref<2x10000x128xf32, #tpu.memory_space<hbm>> -> memref<1x640x128xf32, #tpu.memory_space<hbm>>
      %dma_start3A_18 = tpu.memref_squeeze %dma_start3A_17 : memref<1x640x128xf32, #tpu.memory_space<hbm>> -> memref<640x128xf32, #tpu.memory_space<hbm>>
      %dma_start3A_19 = arith.constant 0 : i32
      %dma_start3A_20 = tpu.memref_slice %arg11[%mul3A_14, %dma_start3A_19] : memref<10000x128xf32, #tpu.memory_space<vmem_shared>> -> memref<640x128xf32, #tpu.memory_space<vmem_shared>>
      tpu.enqueue_dma source(%dma_start3A_20 : memref<640x128xf32, #tpu.memory_space<vmem_shared>>) target(%dma_start3A_18 : memref<640x128xf32, #tpu.memory_space<hbm>>) target_semaphore(%run_scoped3A : memref<!tpu.dma_semaphore, #tpu.memory_space<semaphore_mem>>)
      %dma_wait3A = arith.constant 0 : i32
      %dma_wait3A_21 = tpu.memref_slice %arg6[%arg0, %mul3A_16, %dma_wait3A] : memref<2x10000x128xf32, #tpu.memory_space<hbm>> -> memref<1x640x128xf32, #tpu.memory_space<hbm>>
      %dma_wait3A_22 = tpu.memref_squeeze %dma_wait3A_21 : memref<1x640x128xf32, #tpu.memory_space<hbm>> -> memref<640x128xf32, #tpu.memory_space<hbm>>
      %dma_wait3A_23 = arith.constant 0 : i32
      %dma_wait3A_24 = tpu.memref_slice %arg11[%mul3A_14, %dma_wait3A_23] : memref<10000x128xf32, #tpu.memory_space<vmem_shared>> -> memref<640x128xf32, #tpu.memory_space<vmem_shared>>
      tpu.wait_dma2 semaphore(%run_scoped3A : memref<!tpu.dma_semaphore, #tpu.memory_space<semaphore_mem>>) src(%dma_wait3A_24 : memref<640x128xf32, #tpu.memory_space<vmem_shared>>) dst(%dma_wait3A_22 : memref<640x128xf32, #tpu.memory_space<hbm>>)
      tpu.yield
    }) : () -> ()
    return
  }
}

module attributes {stable_mosaic.version = 14 : i64} {
  func.func @_tc1_body(%arg0: i32, %arg1: memref<2x200x16xf32, #tpu.memory_space<vmem>>, %arg2: memref<200x128xf32, #tpu.memory_space<vmem>>, %arg3: memref<200x128xf32, #tpu.memory_space<vmem>>) attributes {dimension_semantics = [#tpu.dimension_semantics<arbitrary>], iteration_bounds = array<i64: 50>, scalar_prefetch = 0 : i64, scratch_operands = 0 : i64, tpu.core_type = #tpu.core_type<tc>, window_params = [{transform_indices = @transform_0, window_bounds = array<i64: 2, 200, 16>}, {transform_indices = @transform_1, window_bounds = array<i64: 200, 128>}, {transform_indices = @transform_2, window_bounds = array<i64: 200, 128>}]} {
    %get3A = arith.constant 0 : index
    %get3A_0 = arith.constant 0 : index
    %get3A_1 = arith.constant 0 : index
    %get3A_2 = vector.load %arg1[%get3A, %get3A_0, %get3A_1] : memref<2x200x16xf32, #tpu.memory_space<vmem>>, vector<2x200x16xf32>
    %slice3A = vector.extract_strided_slice %get3A_2 {offsets = [0, 0, 0], sizes = [1, 200, 1], strides = [1, 1, 1]} : vector<2x200x16xf32> to vector<1x200x1xf32>
    %squeeze3A = vector.shape_cast %slice3A : vector<1x200x1xf32> to vector<200xf32>
    %slice3A_3 = vector.extract_strided_slice %get3A_2 {offsets = [1, 0, 0], sizes = [1, 200, 1], strides = [1, 1, 1]} : vector<2x200x16xf32> to vector<1x200x1xf32>
    %squeeze3A_4 = vector.shape_cast %slice3A_3 : vector<1x200x1xf32> to vector<200xf32>
    %add3A = arith.addf %squeeze3A, %squeeze3A_4 : vector<200xf32>
    %add3A_5 = arith.constant 1.000000e+00 : f32
    %add3A_6 = vector.broadcast %add3A_5 : f32 to vector<200xf32>
    %add3A_7 = arith.addf %add3A, %add3A_6 : vector<200xf32>
    %rsqrt3A = math.rsqrt %add3A_7 : vector<200xf32>
    %get3A_8 = arith.constant 0 : index
    %get3A_9 = arith.constant 0 : index
    %get3A_10 = vector.load %arg2[%get3A_8, %get3A_9] : memref<200x128xf32, #tpu.memory_space<vmem>>, vector<200x128xf32>
    %broadcast_in_dim3A = vector.shape_cast %rsqrt3A : vector<200xf32> to vector<200x1xf32>
    %mul3A = vector.broadcast %broadcast_in_dim3A : vector<200x1xf32> to vector<200x128xf32>
    %mul3A_11 = arith.mulf %get3A_10, %mul3A : vector<200x128xf32>
    %swap3A = arith.constant 0 : index
    %swap3A_12 = arith.constant 0 : index
    %swap3A_13 = vector.load %arg3[%swap3A, %swap3A_12] : memref<200x128xf32, #tpu.memory_space<vmem>>, vector<200x128xf32>
    tpu.vector_store %arg3[%swap3A, %swap3A_12], %mul3A_11 {strides = array<i32>} : memref<200x128xf32, #tpu.memory_space<vmem>>, vector<200x128xf32>,
    return
  }
  func.func @transform_0(%arg0: i32) -> (i32, i32, i32) {
    %c0_i32 = arith.constant 0 : i32
    %c0_i32_0 = arith.constant 0 : i32
    %c0_i32_1 = arith.constant 0 : i32
    return %c0_i32, %arg0, %c0_i32_0 : i32, i32, i32
  }
  func.func @transform_1(%arg0: i32) -> (i32, i32) {
    %c0_i32 = arith.constant 0 : i32
    %c0_i32_0 = arith.constant 0 : i32
    return %arg0, %c0_i32 : i32, i32
  }
  func.func @transform_2(%arg0: i32) -> (i32, i32) {
    %c0_i32 = arith.constant 0 : i32
    %c0_i32_0 = arith.constant 0 : i32
    return %arg0, %c0_i32 : i32, i32
  }
}

module attributes {stable_mosaic.version = 14 : i64} {
  func.func @_tc2_body(%arg0: i32, %arg1: memref<2x200x16xf32, #tpu.memory_space<vmem>>, %arg2: memref<2x200x128xf32, #tpu.memory_space<vmem>>, %arg3: memref<200x128xf32, #tpu.memory_space<vmem>>, %arg4: memref<128x256xf32, #tpu.memory_space<vmem>>, %arg5: memref<1x256xf32, #tpu.memory_space<vmem>>, %arg6: memref<256x128xf32, #tpu.memory_space<vmem>>, %arg7: memref<200x128xf32, #tpu.memory_space<vmem>>) attributes {dimension_semantics = [#tpu.dimension_semantics<arbitrary>], iteration_bounds = array<i64: 50>, scalar_prefetch = 0 : i64, scratch_operands = 0 : i64, tpu.core_type = #tpu.core_type<tc>, window_params = [{transform_indices = @transform_0, window_bounds = array<i64: 2, 200, 16>}, {transform_indices = @transform_1, window_bounds = array<i64: 2, 200, 128>}, {transform_indices = @transform_2, window_bounds = array<i64: 200, 128>}, {pipeline_mode = #tpu.pipeline_mode<synchronous>, transform_indices = @transform_3, window_bounds = array<i64: 128, 256>}, {pipeline_mode = #tpu.pipeline_mode<synchronous>, transform_indices = @transform_4, window_bounds = array<i64: 1, 256>}, {pipeline_mode = #tpu.pipeline_mode<synchronous>, transform_indices = @transform_5, window_bounds = array<i64: 256, 128>}, {transform_indices = @transform_6, window_bounds = array<i64: 200, 128>}]} {
    %get3A = arith.constant 0 : index
    %get3A_0 = arith.constant 0 : index
    %get3A_1 = arith.constant 0 : index
    %get3A_2 = vector.load %arg1[%get3A, %get3A_0, %get3A_1] : memref<2x200x16xf32, #tpu.memory_space<vmem>>, vector<2x200x16xf32>
    %slice3A = vector.extract_strided_slice %get3A_2 {offsets = [0, 0, 0], sizes = [1, 200, 1], strides = [1, 1, 1]} : vector<2x200x16xf32> to vector<1x200x1xf32>
    %squeeze3A = vector.shape_cast %slice3A : vector<1x200x1xf32> to vector<200xf32>
    %slice3A_3 = vector.extract_strided_slice %get3A_2 {offsets = [1, 0, 0], sizes = [1, 200, 1], strides = [1, 1, 1]} : vector<2x200x16xf32> to vector<1x200x1xf32>
    %squeeze3A_4 = vector.shape_cast %slice3A_3 : vector<1x200x1xf32> to vector<200xf32>
    %add3A = arith.addf %squeeze3A, %squeeze3A_4 : vector<200xf32>
    %add3A_5 = arith.constant 1.000000e+00 : f32
    %add3A_6 = vector.broadcast %add3A_5 : f32 to vector<200xf32>
    %add3A_7 = arith.addf %add3A, %add3A_6 : vector<200xf32>
    %rsqrt3A = math.rsqrt %add3A_7 : vector<200xf32>
    %get3A_8 = arith.constant 0 : index
    %get3A_9 = arith.constant 0 : index
    %get3A_10 = arith.constant 0 : index
    %get3A_11 = vector.load %arg2[%get3A_8, %get3A_9, %get3A_10] : memref<2x200x128xf32, #tpu.memory_space<vmem>>, vector<2x200x128xf32>
    %slice3A_12 = vector.extract_strided_slice %get3A_11 {offsets = [0, 0, 0], sizes = [1, 200, 128], strides = [1, 1, 1]} : vector<2x200x128xf32> to vector<1x200x128xf32>
    %squeeze3A_13 = vector.shape_cast %slice3A_12 : vector<1x200x128xf32> to vector<200x128xf32>
    %slice3A_14 = vector.extract_strided_slice %get3A_11 {offsets = [1, 0, 0], sizes = [1, 200, 128], strides = [1, 1, 1]} : vector<2x200x128xf32> to vector<1x200x128xf32>
    %squeeze3A_15 = vector.shape_cast %slice3A_14 : vector<1x200x128xf32> to vector<200x128xf32>
    %add3A_16 = arith.addf %squeeze3A_13, %squeeze3A_15 : vector<200x128xf32>
    %get3A_17 = arith.constant 0 : index
    %get3A_18 = arith.constant 0 : index
    %get3A_19 = vector.load %arg3[%get3A_17, %get3A_18] : memref<200x128xf32, #tpu.memory_space<vmem>>, vector<200x128xf32>
    %add3A_20 = arith.addf %add3A_16, %get3A_19 : vector<200x128xf32>
    %broadcast_in_dim3A = vector.shape_cast %rsqrt3A : vector<200xf32> to vector<200x1xf32>
    %mul3A = vector.broadcast %broadcast_in_dim3A : vector<200x1xf32> to vector<200x128xf32>
    %mul3A_21 = arith.mulf %add3A_20, %mul3A : vector<200x128xf32>
    %get3A_22 = arith.constant 0 : index
    %get3A_23 = arith.constant 0 : index
    %get3A_24 = vector.load %arg4[%get3A_22, %get3A_23] : memref<128x256xf32, #tpu.memory_space<vmem>>, vector<128x256xf32>
    %dot_general3A = arith.constant dense<0.000000e+00> : vector<200x256xf32>
    %dot_general3A_25 = tpu.matmul %mul3A_21, %get3A_24, %dot_general3A {dimension_numbers = #tpu.dot_dimension_numbers<[1], [0], [0], [1], [0, 0, 1, 1], [], []>, transpose_lhs_hint = false} : vector<200x128xf32>, vector<128x256xf32>, vector<200x256xf32> -> vector<200x256xf32>
    %get3A_26 = arith.constant 0 : index
    %get3A_27 = arith.constant 0 : index
    %get3A_28 = vector.load %arg5[%get3A_26, %get3A_27] : memref<1x256xf32, #tpu.memory_space<vmem>>, vector<1x256xf32>
    %add3A_29 = vector.broadcast %get3A_28 : vector<1x256xf32> to vector<200x256xf32>
    %add3A_30 = arith.addf %dot_general3A_25, %add3A_29 : vector<200x256xf32>
    %max3A = arith.constant 0.000000e+00 : f32
    %max3A_31 = vector.broadcast %max3A : f32 to vector<200x256xf32>
    %max3A_32 = arith.maximumf %add3A_30, %max3A_31 : vector<200x256xf32>
    %get3A_33 = arith.constant 0 : index
    %get3A_34 = arith.constant 0 : index
    %get3A_35 = vector.load %arg6[%get3A_33, %get3A_34] : memref<256x128xf32, #tpu.memory_space<vmem>>, vector<256x128xf32>
    %dot_general3A_36 = arith.constant dense<0.000000e+00> : vector<200x128xf32>
    %dot_general3A_37 = tpu.matmul %max3A_32, %get3A_35, %dot_general3A_36 {dimension_numbers = #tpu.dot_dimension_numbers<[1], [0], [0], [1], [0, 0, 1, 1], [], []>, transpose_lhs_hint = false} : vector<200x256xf32>, vector<256x128xf32>, vector<200x128xf32> -> vector<200x128xf32>
    %broadcast_in_dim3A_38 = vector.shape_cast %rsqrt3A : vector<200xf32> to vector<200x1xf32>
    %mul3A_39 = vector.broadcast %broadcast_in_dim3A_38 : vector<200x1xf32> to vector<200x128xf32>
    %mul3A_40 = arith.mulf %dot_general3A_37, %mul3A_39 : vector<200x128xf32>
    %swap3A = arith.constant 0 : index
    %swap3A_41 = arith.constant 0 : index
    %swap3A_42 = vector.load %arg7[%swap3A, %swap3A_41] : memref<200x128xf32, #tpu.memory_space<vmem>>, vector<200x128xf32>
    tpu.vector_store %arg7[%swap3A, %swap3A_41], %mul3A_40 {strides = array<i32>} : memref<200x128xf32, #tpu.memory_space<vmem>>, vector<200x128xf32>,
    return
  }
  func.func @transform_0(%arg0: i32) -> (i32, i32, i32) {
    %c0_i32 = arith.constant 0 : i32
    %c0_i32_0 = arith.constant 0 : i32
    %c0_i32_1 = arith.constant 0 : i32
    return %c0_i32, %arg0, %c0_i32_0 : i32, i32, i32
  }
  func.func @transform_1(%arg0: i32) -> (i32, i32, i32) {
    %c0_i32 = arith.constant 0 : i32
    %c0_i32_0 = arith.constant 0 : i32
    %c0_i32_1 = arith.constant 0 : i32
    return %c0_i32, %arg0, %c0_i32_0 : i32, i32, i32
  }
  func.func @transform_2(%arg0: i32) -> (i32, i32) {
    %c0_i32 = arith.constant 0 : i32
    %c0_i32_0 = arith.constant 0 : i32
    return %arg0, %c0_i32 : i32, i32
  }
  func.func @transform_3(%arg0: i32) -> (i32, i32) {
    %c0_i32 = arith.constant 0 : i32
    %c0_i32_0 = arith.constant 0 : i32
    %c0_i32_1 = arith.constant 0 : i32
    return %c0_i32, %c0_i32_0 : i32, i32
  }
  func.func @transform_4(%arg0: i32) -> (i32, i32) {
    %c0_i32 = arith.constant 0 : i32
    %c0_i32_0 = arith.constant 0 : i32
    %c0_i32_1 = arith.constant 0 : i32
    return %c0_i32, %c0_i32_0 : i32, i32
  }
  func.func @transform_5(%arg0: i32) -> (i32, i32) {
    %c0_i32 = arith.constant 0 : i32
    %c0_i32_0 = arith.constant 0 : i32
    %c0_i32_1 = arith.constant 0 : i32
    return %c0_i32, %c0_i32_0 : i32, i32
  }
  func.func @transform_6(%arg0: i32) -> (i32, i32) {
    %c0_i32 = arith.constant 0 : i32
    %c0_i32_0 = arith.constant 0 : i32
    return %arg0, %c0_i32 : i32, i32
  }
}

module attributes {stable_mosaic.version = 14 : i64} {
  func.func @_tc3_body(%arg0: i32, %arg1: memref<2x200x16xf32, #tpu.memory_space<vmem>>, %arg2: memref<2x200x128xf32, #tpu.memory_space<vmem>>, %arg3: memref<200x128xf32, #tpu.memory_space<vmem>>, %arg4: memref<1x128xf32, #tpu.memory_space<vmem>>, %arg5: memref<200x128xf32, #tpu.memory_space<vmem>>) attributes {dimension_semantics = [#tpu.dimension_semantics<arbitrary>], iteration_bounds = array<i64: 50>, scalar_prefetch = 0 : i64, scratch_operands = 0 : i64, tpu.core_type = #tpu.core_type<tc>, window_params = [{transform_indices = @transform_0, window_bounds = array<i64: 2, 200, 16>}, {transform_indices = @transform_1, window_bounds = array<i64: 2, 200, 128>}, {transform_indices = @transform_2, window_bounds = array<i64: 200, 128>}, {pipeline_mode = #tpu.pipeline_mode<synchronous>, transform_indices = @transform_3, window_bounds = array<i64: 1, 128>}, {transform_indices = @transform_4, window_bounds = array<i64: 200, 128>}]} {
    %get3A = arith.constant 0 : index
    %get3A_0 = arith.constant 0 : index
    %get3A_1 = arith.constant 0 : index
    %get3A_2 = vector.load %arg1[%get3A, %get3A_0, %get3A_1] : memref<2x200x16xf32, #tpu.memory_space<vmem>>, vector<2x200x16xf32>
    %slice3A = vector.extract_strided_slice %get3A_2 {offsets = [0, 0, 0], sizes = [1, 200, 1], strides = [1, 1, 1]} : vector<2x200x16xf32> to vector<1x200x1xf32>
    %squeeze3A = vector.shape_cast %slice3A : vector<1x200x1xf32> to vector<200xf32>
    %slice3A_3 = vector.extract_strided_slice %get3A_2 {offsets = [1, 0, 0], sizes = [1, 200, 1], strides = [1, 1, 1]} : vector<2x200x16xf32> to vector<1x200x1xf32>
    %squeeze3A_4 = vector.shape_cast %slice3A_3 : vector<1x200x1xf32> to vector<200xf32>
    %add3A = arith.addf %squeeze3A, %squeeze3A_4 : vector<200xf32>
    %add3A_5 = arith.constant 1.000000e+00 : f32
    %add3A_6 = vector.broadcast %add3A_5 : f32 to vector<200xf32>
    %add3A_7 = arith.addf %add3A, %add3A_6 : vector<200xf32>
    %rsqrt3A = math.rsqrt %add3A_7 : vector<200xf32>
    %get3A_8 = arith.constant 0 : index
    %get3A_9 = arith.constant 0 : index
    %get3A_10 = arith.constant 0 : index
    %get3A_11 = vector.load %arg2[%get3A_8, %get3A_9, %get3A_10] : memref<2x200x128xf32, #tpu.memory_space<vmem>>, vector<2x200x128xf32>
    %slice3A_12 = vector.extract_strided_slice %get3A_11 {offsets = [0, 0, 0], sizes = [1, 200, 128], strides = [1, 1, 1]} : vector<2x200x128xf32> to vector<1x200x128xf32>
    %squeeze3A_13 = vector.shape_cast %slice3A_12 : vector<1x200x128xf32> to vector<200x128xf32>
    %slice3A_14 = vector.extract_strided_slice %get3A_11 {offsets = [1, 0, 0], sizes = [1, 200, 128], strides = [1, 1, 1]} : vector<2x200x128xf32> to vector<1x200x128xf32>
    %squeeze3A_15 = vector.shape_cast %slice3A_14 : vector<1x200x128xf32> to vector<200x128xf32>
    %add3A_16 = arith.addf %squeeze3A_13, %squeeze3A_15 : vector<200x128xf32>
    %get3A_17 = arith.constant 0 : index
    %get3A_18 = arith.constant 0 : index
    %get3A_19 = vector.load %arg3[%get3A_17, %get3A_18] : memref<200x128xf32, #tpu.memory_space<vmem>>, vector<200x128xf32>
    %add3A_20 = arith.addf %add3A_16, %get3A_19 : vector<200x128xf32>
    %broadcast_in_dim3A = vector.shape_cast %rsqrt3A : vector<200xf32> to vector<200x1xf32>
    %mul3A = vector.broadcast %broadcast_in_dim3A : vector<200x1xf32> to vector<200x128xf32>
    %mul3A_21 = arith.mulf %add3A_20, %mul3A : vector<200x128xf32>
    %get3A_22 = arith.constant 0 : index
    %get3A_23 = arith.constant 0 : index
    %get3A_24 = vector.load %arg4[%get3A_22, %get3A_23] : memref<1x128xf32, #tpu.memory_space<vmem>>, vector<1x128xf32>
    %add3A_25 = vector.broadcast %get3A_24 : vector<1x128xf32> to vector<200x128xf32>
    %add3A_26 = arith.addf %mul3A_21, %add3A_25 : vector<200x128xf32>
    %swap3A = arith.constant 0 : index
    %swap3A_27 = arith.constant 0 : index
    %swap3A_28 = vector.load %arg5[%swap3A, %swap3A_27] : memref<200x128xf32, #tpu.memory_space<vmem>>, vector<200x128xf32>
    tpu.vector_store %arg5[%swap3A, %swap3A_27], %add3A_26 {strides = array<i32>} : memref<200x128xf32, #tpu.memory_space<vmem>>, vector<200x128xf32>,
    return
  }
  func.func @transform_0(%arg0: i32) -> (i32, i32, i32) {
    %c0_i32 = arith.constant 0 : i32
    %c0_i32_0 = arith.constant 0 : i32
    %c0_i32_1 = arith.constant 0 : i32
    return %c0_i32, %arg0, %c0_i32_0 : i32, i32, i32
  }
  func.func @transform_1(%arg0: i32) -> (i32, i32, i32) {
    %c0_i32 = arith.constant 0 : i32
    %c0_i32_0 = arith.constant 0 : i32
    %c0_i32_1 = arith.constant 0 : i32
    return %c0_i32, %arg0, %c0_i32_0 : i32, i32, i32
  }
  func.func @transform_2(%arg0: i32) -> (i32, i32) {
    %c0_i32 = arith.constant 0 : i32
    %c0_i32_0 = arith.constant 0 : i32
    return %arg0, %c0_i32 : i32, i32
  }
  func.func @transform_3(%arg0: i32) -> (i32, i32) {
    %c0_i32 = arith.constant 0 : i32
    %c0_i32_0 = arith.constant 0 : i32
    %c0_i32_1 = arith.constant 0 : i32
    return %c0_i32, %c0_i32_0 : i32, i32
  }
  func.func @transform_4(%arg0: i32) -> (i32, i32) {
    %c0_i32 = arith.constant 0 : i32
    %c0_i32_0 = arith.constant 0 : i32
    return %arg0, %c0_i32 : i32, i32
  }
}

</mosaic_0001>

<sc_bundles>
// kernel: kernel.11.cloned.1.call-start
scs
__scs_entry_jumppad:
0x0: {  	(pc) =	sbr.rel $0x88, $3  }
0x1: {  	(tag) =	ssettag $0x0;
	lr =	simm.s32 $0x1  }
0x2: {  	[smem:$0x3F9B] =	sst lr;
	_ =	strace $0xD0000000  }
0x3: {  	_ = 	snop  }
0x4: {  	_ = 	snop  }
0x5: {  	_ = 	snop  }
0x6: {  	_ = 	snop  }
0x7: {  	_ = 	snop  }
__scs_overlays_trampoline_lowered:
0x8: {  	[smem:$0x3FAA] =	sst s0  }
0x9: {  	[smem:$0x3FAB] =	sst s1  }
0xa: {  	[smem:$0x3FAC] =	sst s2  }
0xb: {  	[smem:$0x3FAD] =	sst s3  }
0xc: {  	[smem:$0x3FAE] =	sst s4  }
0xd: {  	[smem:$0x3FAF] =	sst s5  }
0xe: {  	[smem:$0x3FB0] =	sst s6  }
0xf: {  	[smem:$0x3FB1] =	sst s7  }
0x10: {  	[smem:$0x3FB2] =	sst s8  }
0x11: {  	[smem:$0x3FB3] =	sst s9;
	s0 =	simm.s32 @!p0 $0x0  }
0x12: {  	s1 =	sld [smem:$0x3F99];
	s0 =	simm.s32 @p0 $0x1  }
0x13: {  	[smem:$0x3FB4] =	sst s0;
	s0 =	simm.s32 @!p1 $0x0  }
0x14: {  	s2 =	sld [smem:$0x3F98];
	s0 =	simm.s32 @p1 $0x1  }
0x15: {  	[smem:$0x3FB5] =	sst s0;
	s0 =	simm.s32 @!p2 $0x0  }
0x16: {  	s3 =	sld [smem:$0x3FDB];
	s0 =	simm.s32 @p2 $0x1  }
0x17: {  	s4 =	simm.s32 $0x1BF5;
	[smem:$0x3FB7] =	sst s0  }
0x18: {  	s0 =	sld [smem:$0x3F9A];
	_ =	swait.ge [sflag:s4], $0x0  }
0x19: {  	s7 =	sld [smem:$0x3F9B]  }
0x1a: {  	s8 =	sadd.s32 $0xFFFFE003, lr  }
0x1b: {  	s9 =	sadd.s32 $0xFFFFFEF7, lr;
	s5 =	simm.s32 $0xFFFFFFFF;
	p2 =	slt.u32 s8, $0xFFFFF086  }
0x1c: {  	p1 =	slt.u32 s9, $0xF7A;
	s5 =	simm.s32 @!p2 $0x0  }
0x1d: {  	s5 =	simm.s32 @p1 $0x1;
	p0 =	seq.s32 s7, s2  }
0x1e: {  	s7 =	smul.u32 @!p0 $0xF7A, s2;
	p2 =	seq.s32 @!p0 s5, $0x0  }
0x1f: {  	s9 =	smul.u32 $0xF7A, s1;
	s8 =	simm.s32 @!p0 $0x1BF5;
	p2 =	por !p2, p0  }
0x20: {  	[sflag:s8] =	ssyncset.s32 @!p0 $0xFFFFF086;
	s6 =	sadd.s32 @!p0 s3, s7;
	s7 =	simm.s32 @!p0 $0x108  }
0x21: {  	s3 =	sadd.s32 s3, s9;
	s6 =	sadd.s32 @!p0 $0x88, s6;
	s7 =	simm.s32 @p2 $0x1082  }
0x22: {  	[simem:s7], [sflag:s8] =	dma.local @!p0 [hbm:s6], $0xF7A  }
0x23: {  	s9 =	sor.u32 $0xD0000000, s2;
	s6 =	simm.s32 $0x108;
	_ =	swait.ge @!p0 [sflag:s8], $0x0  }
0x24: {  	s3 =	sadd.s32 $0x88, s3;
	s6 =	simm.s32 @!p1 $0x1082;
	[sflag:s4] =	ssyncset.s32 $0xFFFFF086  }
0x25: {  	[simem:s6], [sflag:s4] =	dma.local [hbm:s3], $0xF7A  }
0x26: {  	[smem:$0x3F9B] =	sst s1;
	(tag) =	ssettag s2;
	_ =	strace s9  }
0x27: {  	s1 =	sld [smem:$0x3FAB]  }
0x28: {  	s2 =	sld [smem:$0x3FAC]  }
0x29: {  	s4 =	sld [smem:$0x3FAE]  }
0x2a: {  	p0 =	seq.s32 s5, $0x0;
	s5 =	sld [smem:$0x3FAF]  }
0x2b: {  	s6 =	sld [smem:$0x3FB0]  }
0x2c: {  	s7 =	sld [smem:$0x3FB1]  }
0x2d: {  	s3 =	simm.s32 $0x108;
	s8 =	sld [smem:$0x3FB2]  }
0x2e: {  	s3 =	simm.s32 @!p0 $0x1082;
	s9 =	sld [smem:$0x3FB3]  }
0x2f: {  	lr =	sadd.s32 s0, s3;
	s0 =	sld [smem:$0x3FAA]  }
0x30: {  	s3 =	sld [smem:$0x3FAD]  }
0x31: {  	[smem:$0x3FB6] =	sst s10  }
0x32: {  	s10 =	sld [smem:$0x3FB4];
	_ =	sdelay $0x3  }
0x33: {  	p0 =	seq.s32 s10, $0x1;
	s10 =	sld [smem:$0x3FB6];
	_ =	sdelay $0x3  }
0x34: {  	[smem:$0x3FB6] =	sst s10  }
0x35: {  	s10 =	sld [smem:$0x3FB5];
	_ =	sdelay $0x3  }
0x36: {  	p1 =	seq.s32 s10, $0x1;
	s10 =	sld [smem:$0x3FB6];
	_ =	sdelay $0x3  }
0x37: {  	[smem:$0x3FB6] =	sst s10  }
0x38: {  	s10 =	sld [smem:$0x3FB7]  }
0x39: {  	_ = 	snop;
	(pc) =	sbr.ind lr, $3  }
0x3a: {  	_ = 	snop  }
0x3b: {  	_ = 	snop  }
0x3c: {  	p2 =	seq.s32 s10, $0x1;
	s10 =	sld [smem:$0x3FB6]  }
0x3d: {  	_ =	shalt  }
0x3e: {  	_ =	shalt  }
0x3f: {  	_ =	shalt  }
0x40: {  	_ =	shalt  }
0x41: {  	_ =	shalt  }
0x42: {  	_ =	shalt  }
0x43: {  	_ =	shalt  }
0x44: {  	_ =	shalt  }
0x45: {  	_ =	shalt  }
0x46: {  	_ =	shalt  }
0x47: {  	_ =	shalt  }
0x48: {  	_ =	shalt  }
0x49: {  	_ =	shalt  }
0x4a: {  	_ =	shalt  }
0x4b: {  	_ =	shalt  }
0x4c: {  	_ =	shalt  }
0x4d: {  	_ =	shalt  }
0x4e: {  	_ =	shalt  }
0x4f: {  	_ =	shalt  }
0x50: {  	_ =	shalt  }
0x51: {  	_ =	shalt  }
0x52: {  	_ =	shalt  }
0x53: {  	_ =	shalt  }
0x54: {  	_ =	shalt  }
0x55: {  	_ =	shalt  }
0x56: {  	_ =	shalt  }
0x57: {  	_ =	shalt  }
0x58: {  	_ =	shalt  }
0x59: {  	_ =	shalt  }
0x5a: {  	_ =	shalt  }
0x5b: {  	_ =	shalt  }
0x5c: {  	_ =	shalt  }
0x5d: {  	_ =	shalt  }
0x5e: {  	_ =	shalt  }
0x5f: {  	_ =	shalt  }
0x60: {  	_ =	shalt  }
0x61: {  	_ =	shalt  }
0x62: {  	_ =	shalt  }
0x63: {  	_ =	shalt  }
0x64: {  	_ =	shalt  }
0x65: {  	_ =	shalt  }
0x66: {  	_ =	shalt  }
0x67: {  	_ =	shalt  }
0x68: {  	_ =	shalt  }
0x69: {  	_ =	shalt  }
0x6a: {  	_ =	shalt  }
0x6b: {  	_ =	shalt  }
0x6c: {  	_ =	shalt  }
0x6d: {  	_ =	shalt  }
0x6e: {  	_ =	shalt  }
0x6f: {  	_ =	shalt  }
0x70: {  	_ =	shalt  }
0x71: {  	_ =	shalt  }
0x72: {  	_ =	shalt  }
0x73: {  	_ =	shalt  }
0x74: {  	_ =	shalt  }
0x75: {  	_ =	shalt  }
0x76: {  	_ =	shalt  }
0x77: {  	_ =	shalt  }
0x78: {  	_ =	shalt  }
0x79: {  	_ =	shalt  }
0x7a: {  	_ =	shalt  }
0x7b: {  	_ =	shalt  }
0x7c: {  	_ =	shalt  }
0x7d: {  	_ =	shalt  }
0x7e: {  	_ =	shalt  }
0x7f: {  	_ =	shalt  }
0x80: {  	_ =	shalt  }
0x81: {  	_ =	shalt  }
0x82: {  	_ =	shalt  }
0x83: {  	_ =	shalt  }
0x84: {  	_ =	shalt  }
0x85: {  	_ =	shalt  }
0x86: {  	_ =	shalt  }
0x87: {  	_ =	shalt  }
.Lfunc_end0:
.L_simem_size_0:
called_computation.1_lowered:
.L_overlay_start_0:
0x88: {  	s2 =	sld [smem:$0x3FD9]  }
0x89: {  	s3 =	sld [smem:$0x3FFE];
	_ =	sdelay $0x1  }
0x8a: {  	s1 =	srdreg.scid  }
0x8b: {  	s0 =	sand.u32 $0x1, s1  }
0x8c: {  	s17 =	sshll.u32 s0, $0xA;
	s2 =	sadd.s32 s3, s2  }
0x8d: {  	s2 =	sadd.s32 s2, s17  }
0x8e: {  	[smem:$0x3FC2] =	sst s2  }
0x8f: {  	_ = 	snop  }
0x90: {  	s2 =	sld [smem:$0x3FD0];
	(tm) =	ssettm $0x1  }
0x91: {  	s18 =	sld [smem:$0x3FFB];
	_ =	sdelay $0x3  }
0x92: {  	_ =	strace s18  }
0x93: {  	s3 =	sld [smem:$0x3FFC];
	_ =	sdelay $0x3  }
0x94: {  	_ =	strace s3  }
0x95: {  	s3 =	sld [smem:$0x3FFD];
	_ =	sdelay $0x3  }
0x96: {  	_ =	strace s3  }
0x97: {  	_ =	strace $0x8FFFFFFF  }
0x98: {  	s19 =	sld [smem:$0x3FDB];
	_ =	sdelay $0x1  }
0x99: {  	s4 =	simm.s32 $_scs_section_size  }
0x9a: {  	s5 =	simm.s32 $_size__tile_overlayer_lowered;
	s6 =	simm.s32 $_tile_overlayer_lowered  }
0x9b: {  	s22 =	simm.s32 $0x1BFF;
	s21 =	sshll.u32 s6, $0x1;
	s3 =	sadd.s32 s4, s19  }
0x9c: {  	s7 =	simm.s32 $0x0;
	s20 =	sshll.u32 s5, $0x1;
	s5 =	sadd.s32 s21, s3  }
0x9d: {  	[timem:s7], [sflag:s22] =	dma.local [hbm:s5], s20  }
0x9e: {  	_ =	swait.ge [sflag:s22], s20  }
0x9f: {  	s4 =	ssub.s32 $0x0, s20;
	[sflag:s22] =	ssyncset.done $0x0  }
0xa0: {  	[sflag:s22] =	ssyncadd.s32 s4;
	_ =	sdelay $0x1  }
0xa1: {  	s23 =	simm.s32 $0x1B8B  }
0xa2: {  	_ =	swait.ge [sflag:s23], $0x1  }
0xa3: {  	[sflag:s23] =	ssyncset.done $0x0  }
0xa4: {  	s25 =	simm.s32 $0x1B8E;
	s24 =	sld [smem:$0x3FFE];
	[sflag:s23] =	ssyncadd.s32 $0xFFFFFFFF  }
0xa5: {  	s26 =	simm.s32 $execute0_lowered;
	[smem:$0x3FD2] =	sst s25  }
0xa6: {  	s5 =	sshll.u32 s26, $0x1;
	_ =	strace $0x80000049;
	[dreg:$0x1] =	wrdreg $0xFFFFFFFF  }
0xa7: {  	s28 =	simm.s32 $_size_execute0_lowered;
	s3 =	sadd.s32 s3, s5;
	[dreg:$0x0] =	wrdreg $0x0  }
0xa8: {  	s5 =	sshll.u32 s28, $0x1;
	[dreg:$0x2] =	wrdreg s3  }
0xa9: {  	[dreg:$0x3] =	wrdreg s5  }
0xaa: {  	[dreg:$0x4] =	wrdreg $0xC0  }
0xab: {  	_ =	task [dreg:s7], $0x5FFFF  }
0xac: {  	[dreg:$0x1] =	wrdreg $0xFFFFFFFF  }
0xad: {  	[dreg:$0x0] =	wrdreg $0x60  }
0xae: {  	[dreg:$0x2] =	wrdreg s2  }
0xaf: {  	[dreg:$0x3] =	wrdreg s24  }
0xb0: {  	[dreg:$0x4] =	wrdreg $0xB7800  }
0xb1: {  	[dreg:$0x5] =	wrdreg $0x9  }
0xb2: {  	_ =	task.clear_ibuf [dreg:s7], $0x6FFFF;
	_ =	strace $0x90000049  }
0xb3: {  	s29 =	simm.s32 $0x9;
	_ =	strace $0x8000004B  }
0xb4: {  	_ =	swait.ge [sflag:s29], $0x1  }
0xb5: {  	[sflag:s29] =	ssyncadd.s32 $0xFFFFFFFF  }
0xb6: {  	_ =	strace $0x9000004B  }
0xb7: {  	_ =	sfence  }
0xb8: {  	s30 =	sld [smem:$0x0];
	_ =	sdelay $0x2  }
0xb9: {  	s31 =	sshll.u32 s1, $0xD;
	s1 =	sshrl.u32 s1, $0x2  }
0xba: {  	s3 =	sand.u32 $0x4000, s31;
	s1 =	sadd.s32 s1, s30  }
0xbb: {  	s0 =	sor.u32 s3, s0;
	s1 =	sshll.u32 s1, $0x11  }
0xbc: {  	s0 =	sor.u32 s1, s0  }
0xbd: {  	s0 =	sadd.s32 $0x8F2B, s0  }
0xbe: {  	[sflag:s0] =	ssyncadd.remote.s32 $0x1  }
0xbf: {  	_ =	sfence.sel $0xFFFF  }
0xc0: {  	[dreg:$0x0] =	wrdreg $0xFFFFFFFF;
	(pc) =	sbr.abs _section_cstart, $3  }
0xc1: {  	[dreg:$0x1] =	wrdreg $0xFFFFFFFF  }
0xc2: {  	_ =	task.clear_ibuf [dreg:s7], $0x2FFFF;
	_ =	strace $0x9FFFFFFF  }
0xc3: {  	(tm) =	ssettm $0x7FFFFFFF  }
tec
execute0_lowered:
.L_overlay_start_1:
0x0: {  	(tag) =	ssettag $0x1  }
0x1: {  	s1 =	rddreg [dreg:$0x0]  }
0x2: {  	s0 =	srdreg.scid;
	s6 =	rddreg [dreg:$0x1]  }
0x3: {  	s3 =	rddreg [dreg:$0x2];
	s4 =	simm.s32 $0x0;
	s14 =	simm.s32 $0x50  }
0x4: {  	s15 =	simm.s32 $0x6780;
	s5 =	sand.u32 $0x1, s0;
	s0 =	stileid.u32  }
0x5: {  	s16 =	simm.s32 $0x8F80;
	s17 =	simm.s32 $0x1;
	s9 =	smul.u32 $0x13800, s0  }
0x6: {  	s18 =	simm.s32 $0x2;
	s19 =	simm.s32 $0x0;
	s10 =	smul.u32 $0x138800, s5  }
0x7: {  	[smem:$0x7FF] =	sst s4;
	s2 =	sshll.u32 s5, $0x4;
	s29 =	smul.u32 $0x4E000, s0  }
0x8: {  	s5 =	ssub.s32 $0x2, s5;
	s31 =	sshll.u32 s0, $0x6;
	s7 =	sor.u32 s0, s2  }
0x9: {  	s2 =	rddreg [dreg:$0x3];
	_ =	strace $0x8000004A;
	s30 =	sshrl.u32 s5, $0x1  }
0xa: {  	s8 =	smul.u32 $0x4E2, s7;
	s7 =	sshll.u32 s7, $0xB;
	s28 =	sshrl.u32 s9, $0x3  }
0xb: {  	s9 =	sadd.s32 s9, s10;
	s10 =	sshrl.u32 s29, $0x2;
	s12 =	ssub.s32 s5, s30  }
0xc: {  	s11 =	sadd.s32 s7, s6;
	s7 =	sadd.s32 s28, s6;
	s9 =	sshrl.u32 s9, $0x3  }
0xd: {  	s13 =	sadd.s32 s10, s3;
	s10 =	smax.u32 s12, $0x1;
	s12 =	simm.s32 $0x3  }
0xe: {  	s8 =	sadd.s32 s8, s6;
	s9 =	sadd.s32 s9, s6;
	s5 =	sadd.s32 $0x1BC00, s7  }
0xf: {  	s6 =	sor.u32 $0x1C03, s31;
	s7 =	sadd.s32 $0x1E00, s8;
	s8 =	sadd.s32 $0xBC00, s11  }
0x10: {  	s9 =	sadd.s32 $0x42E00, s9;
	s11 =	sshrl.u32 s13, $0x3;
	s13 =	simm.s32 $0x2780  }
.LBB2_1:
0x11: {  	[spmem:s11], [sflag:s6] =	dma.local [hbm:s5], $0x2800  }
0x12: {  	_ =	swait.ge [sflag:s12], $0x2800  }
0x13: {  	[sflag:s12] =	ssyncset.done $0x0  }
0x14: {  	[sflag:s12] =	ssyncadd.s32 $0xFFFFD800  }
0x15: {  	[tilespmem:s4], [sflag:$0x3] =	stream.linear.gather [hbm4b:s7+s4], $0x2710, $0x38;
	[tilespmem:$0x1F000] =	vst v63  }
0x16: {  	_ =	swait.ge [sflag:s12], $0x2710  }
0x17: {  	[sflag:s12] =	ssyncset.done $0x0  }
0x18: {  	[sflag:s12] =	ssyncadd.s32 $0xFFFFD8F0  }
0x19: {  	[tilespmem:s13], [sflag:$0x3] =	stream.linear.gather [hbm4b:s8+s4], $0x3E80, $0x38;
	[tilespmem:$0x1F000] =	vst v63  }
0x1a: {  	_ =	swait.ge [sflag:s12], $0x3E80  }
0x1b: {  	[sflag:s12] =	ssyncset.done $0x0  }
0x1c: {  	[sflag:s12] =	ssyncadd.s32 $0xFFFFC180  }
0x1d: {  	[bflag:$0x0] =	sbarrier.arrive $0xFFFF  }
0x1e: {  	[tilespmem:s15], [sflag:$0x1] =	stream.indirect.gather [hbm4b:s1+s14], $0x80, s4, s14, $0xb8;
	[tilespmem:$0x1F000] =	vst v63  }
0x1f: {  	s20 =	simm.s32 $0x50  }
0x20: {  	[tilespmem:s16], [sflag:$0x2] =	stream.indirect.gather [hbm4b:s1+s14], $0x80, s20, s14, $0xb8;
	[tilespmem:$0x1F000] =	vst v63  }
0x21: {  	_ =	swait.ge [sflag:s17], $0x2800  }
0x22: {  	[sflag:s17] =	ssyncset.done $0x0  }
0x23: {  	s23 =	simm.s32 $0x2780;
	[sflag:s17] =	ssyncadd.s32 $0xFFFFD800  }
0x24: {  	[spmem:s3] =	stream.indirect.scatter.add.f32 [tilespmem:s15], [sflag:$0x3], $0x80, s23, s14, $0xb8;
	[tilespmem:$0x1F000] =	vst v63  }
0x25: {  	_ =	swait.ge [sflag:s12], $0x2800  }
0x26: {  	[sflag:s12] =	ssyncset.done $0x0  }
0x27: {  	s24 =	simm.s32 $0xA0;
	[sflag:s12] =	ssyncadd.s32 $0xFFFFD800  }
0x28: {  	[tilespmem:s15], [sflag:$0x1] =	stream.indirect.gather [hbm4b:s1+s14], $0x80, s24, s14, $0xb8;
	[tilespmem:$0x1F000] =	vst v63  }
0x29: {  	_ =	swait.ge [sflag:s18], $0x2800  }
0x2a: {  	[sflag:s18] =	ssyncset.done $0x0  }
0x2b: {  	s25 =	simm.s32 $0x2800;
	[sflag:s18] =	ssyncadd.s32 $0xFFFFD800  }
0x2c: {  	[spmem:s3] =	stream.indirect.scatter.add.f32 [tilespmem:s16], [sflag:$0x3], $0x80, s25, s14, $0xb8;
	[tilespmem:$0x1F000] =	vst v63  }
0x2d: {  	_ =	swait.ge [sflag:s12], $0x2800  }
0x2e: {  	[sflag:s12] =	ssyncset.done $0x0  }
0x2f: {  	s26 =	simm.s32 $0xF0;
	[sflag:s12] =	ssyncadd.s32 $0xFFFFD800  }
0x30: {  	[tilespmem:s16], [sflag:$0x2] =	stream.indirect.gather [hbm4b:s1+s14], $0x80, s26, s14, $0xb8;
	[tilespmem:$0x1F000] =	vst v63  }
0x31: {  	_ =	swait.ge [sflag:s17], $0x2800  }
0x32: {  	[sflag:s17] =	ssyncset.done $0x0  }
0x33: {  	s28 =	simm.s32 $0x2880;
	[sflag:s17] =	ssyncadd.s32 $0xFFFFD800  }
0x34: {  	[spmem:s3] =	stream.indirect.scatter.add.f32 [tilespmem:s15], [sflag:$0x3], $0x80, s28, s14, $0xb8;
	[tilespmem:$0x1F000] =	vst v63  }
0x35: {  	_ =	swait.ge [sflag:s12], $0x2800  }
0x36: {  	[sflag:s12] =	ssyncset.done $0x0  }
0x37: {  	s29 =	simm.s32 $0x140;
	[sflag:s12] =	ssyncadd.s32 $0xFFFFD800  }
0x38: {  	[tilespmem:s15], [sflag:$0x1] =	stream.indirect.gather [hbm4b:s1+s14], $0x80, s29, s14, $0xb8;
	[tilespmem:$0x1F000] =	vst v63  }
0x39: {  	_ =	swait.ge [sflag:s18], $0x2800  }
0x3a: {  	[sflag:s18] =	ssyncset.done $0x0  }
0x3b: {  	s30 =	simm.s32 $0x2900;
	[sflag:s18] =	ssyncadd.s32 $0xFFFFD800  }
0x3c: {  	[spmem:s3] =	stream.indirect.scatter.add.f32 [tilespmem:s16], [sflag:$0x3], $0x80, s30, s14, $0xb8;
	[tilespmem:$0x1F000] =	vst v63  }
0x3d: {  	_ =	swait.ge [sflag:s12], $0x2800  }
0x3e: {  	[sflag:s12] =	ssyncset.done $0x0  }
0x3f: {  	[sflag:s12] =	ssyncadd.s32 $0xFFFFD800  }
0x40: {  	_ =	swait.ge [sflag:s17], $0x2800  }
0x41: {  	[sflag:s17] =	ssyncset.done $0x0  }
0x42: {  	s31 =	simm.s32 $0x2980;
	[sflag:s17] =	ssyncadd.s32 $0xFFFFD800  }
0x43: {  	[spmem:s3] =	stream.indirect.scatter.add.f32 [tilespmem:s15], [sflag:$0x3], $0x80, s31, s14, $0xb8;
	[tilespmem:$0x1F000] =	vst v63  }
0x44: {  	_ =	swait.ge [sflag:s12], $0x2800  }
0x45: {  	s21 =	simm.s32 $0x0;
	s20 =	simm.s32 $0xA00;
	[sflag:s12] =	ssyncset.done $0x0  }
.LBB2_2:
0x46: {  	p0 =	sne.s32 s20, $0xF000;
	[sflag:s12] =	ssyncadd.s32 $0xFFFFD800;
	s21 =	sadd.s32 $0x190, s21  }
0x47: {  	[tilespmem:s15], [sflag:$0x1] =	stream.indirect.gather [hbm4b:s1+s14], $0x80, s21, s14, $0xb8;
	[tilespmem:$0x1F000] =	vst v63  }
0x48: {  	s23 =	smov.u32 s20;
	s20 =	sadd.s32 $0xA00, s20;
	s22 =	sadd.s32 $0x50, s21  }
0x49: {  	[tilespmem:s16], [sflag:$0x2] =	stream.indirect.gather [hbm4b:s1+s14], $0x80, s22, s14, $0xb8;
	[tilespmem:$0x1F000] =	vst v63  }
0x4a: {  	_ =	swait.ge [sflag:s17], $0x2800  }
0x4b: {  	s22 =	sshra.s32 s23, $0x2;
	[sflag:s17] =	ssyncset.done $0x0  }
0x4c: {  	s23 =	sadd.s32 $0x2780, s22;
	[sflag:s17] =	ssyncadd.s32 $0xFFFFD800  }
0x4d: {  	[spmem:s3] =	stream.indirect.scatter.add.f32 [tilespmem:s15], [sflag:$0x3], $0x80, s23, s14, $0xb8;
	[tilespmem:$0x1F000] =	vst v63  }
0x4e: {  	_ =	swait.ge [sflag:s12], $0x2800  }
0x4f: {  	[sflag:s12] =	ssyncset.done $0x0  }
0x50: {  	s23 =	sadd.s32 $0xA0, s21;
	[sflag:s12] =	ssyncadd.s32 $0xFFFFD800  }
0x51: {  	[tilespmem:s15], [sflag:$0x1] =	stream.indirect.gather [hbm4b:s1+s14], $0x80, s23, s14, $0xb8;
	[tilespmem:$0x1F000] =	vst v63  }
0x52: {  	_ =	swait.ge [sflag:s18], $0x2800  }
0x53: {  	[sflag:s18] =	ssyncset.done $0x0  }
0x54: {  	s23 =	sadd.s32 $0x2800, s22;
	[sflag:s18] =	ssyncadd.s32 $0xFFFFD800  }
0x55: {  	[spmem:s3] =	stream.indirect.scatter.add.f32 [tilespmem:s16], [sflag:$0x3], $0x80, s23, s14, $0xb8;
	[tilespmem:$0x1F000] =	vst v63  }
0x56: {  	_ =	swait.ge [sflag:s12], $0x2800  }
0x57: {  	[sflag:s12] =	ssyncset.done $0x0  }
0x58: {  	s23 =	sadd.s32 $0xF0, s21;
	[sflag:s12] =	ssyncadd.s32 $0xFFFFD800  }
0x59: {  	[tilespmem:s16], [sflag:$0x2] =	stream.indirect.gather [hbm4b:s1+s14], $0x80, s23, s14, $0xb8;
	[tilespmem:$0x1F000] =	vst v63  }
0x5a: {  	_ =	swait.ge [sflag:s17], $0x2800  }
0x5b: {  	[sflag:s17] =	ssyncset.done $0x0  }
0x5c: {  	s23 =	sadd.s32 $0x2880, s22;
	[sflag:s17] =	ssyncadd.s32 $0xFFFFD800  }
0x5d: {  	[spmem:s3] =	stream.indirect.scatter.add.f32 [tilespmem:s15], [sflag:$0x3], $0x80, s23, s14, $0xb8;
	[tilespmem:$0x1F000] =	vst v63  }
0x5e: {  	_ =	swait.ge [sflag:s12], $0x2800  }
0x5f: {  	[sflag:s12] =	ssyncset.done $0x0  }
0x60: {  	s23 =	sadd.s32 $0x140, s21;
	[sflag:s12] =	ssyncadd.s32 $0xFFFFD800  }
0x61: {  	[tilespmem:s15], [sflag:$0x1] =	stream.indirect.gather [hbm4b:s1+s14], $0x80, s23, s14, $0xb8;
	[tilespmem:$0x1F000] =	vst v63  }
0x62: {  	_ =	swait.ge [sflag:s18], $0x2800  }
0x63: {  	[sflag:s18] =	ssyncset.done $0x0  }
0x64: {  	s23 =	sadd.s32 $0x2900, s22;
	[sflag:s18] =	ssyncadd.s32 $0xFFFFD800  }
0x65: {  	[spmem:s3] =	stream.indirect.scatter.add.f32 [tilespmem:s16], [sflag:$0x3], $0x80, s23, s14, $0xb8;
	[tilespmem:$0x1F000] =	vst v63  }
0x66: {  	_ =	swait.ge [sflag:s12], $0x2800  }
0x67: {  	[sflag:s12] =	ssyncset.done $0x0  }
0x68: {  	[sflag:s12] =	ssyncadd.s32 $0xFFFFD800  }
0x69: {  	_ =	swait.ge [sflag:s17], $0x2800  }
.Ltmp0:
0x6a: {  	[sflag:s17] =	ssyncset.done $0x0;
	(pc) =	sbr.rel @p0 .LBB2_2-.Ltmp0, $4  }
0x6b: {  	s22 =	sadd.s32 $0x2980, s22;
	[sflag:s17] =	ssyncadd.s32 $0xFFFFD800  }
0x6c: {  	[spmem:s3] =	stream.indirect.scatter.add.f32 [tilespmem:s15], [sflag:$0x3], $0x80, s22, s14, $0xb8;
	[tilespmem:$0x1F000] =	vst v63  }
0x6d: {  	_ =	swait.ge [sflag:s12], $0x2800  }
0x6e: {  	[sflag:s12] =	ssyncset.done $0x0  }
0x6f: {  	s19 =	sadd.s32 $0x1, s19  }
0x70: {  	[sflag:s12] =	ssyncadd.s32 $0xFFFFD800;
	p0 =	sne.s32 s19, s10  }
.Ltmp1:
0x71: {  	[bflag:$0x0] =	sbarrier.arrive $0xFFFF;
	(pc) =	sbr.rel @p0 .LBB2_1-.Ltmp1, $4  }
0x72: {  	[hbm:s9], [sflag:s6] =	dma.local [spmem:s11], $0x2800  }
0x73: {  	_ =	swait.ge [sflag:s12], $0x2800  }
0x74: {  	[sflag:s12] =	ssyncset.done $0x0  }
0x75: {  	[sflag:s12] =	ssyncadd.s32 $0xFFFFD800  }
0x76: {  	_ =	sfence.sel $0x180000  }
0x77: {  	[bflag:$0x0] =	sbarrier.arrive $0xFFFF  }
0x78: {  	p0 =	sne.s32 s0, $0x0;
	_ =	strace $0x9000004A  }
0x79: {  	s0 =	sadd.s32 @!p0 $0x100000, s2;
	[bflag:$0x2] =	sbarrier.arrive $0xFFFF  }
0x7a: {  	[sflag:s0] =	ssyncadd.tile.s32 @!p0 $0x1;
	_ =	shalt  }
.Lfunc_end2:
_tile_overlayer_lowered:
.L_overlay_start_2:
0x7b: {  	(tag) =	ssettag $0x2  }
0x7c: {  	s0 =	rddreg [dreg:$0x0];
	s2 =	stileid.u32  }
0x7d: {  	s1 =	rddreg [dreg:$0x1];
	p0 =	sne.s32 s2, $0x0  }
0x7e: {  	s3 =	rddreg [dreg:$0x2];
	[bflag:$0x3] =	sbarrier.arrive $0xFFFF;
	s2 =	simm.s32 @!p0 $0x1C03  }
0x7f: {  	[timem:s3], [sflag:s2] =	dma.local @!p0 [hbm:s0], s1  }
0x80: {  	s0 =	simm.s32 @!p0 $0x3  }
0x81: {  	_ =	swait.ge @!p0 [sflag:s0], s1  }
0x82: {  	s1 =	ssub.s32 @!p0 $0x0, s1;
	[sflag:s0] =	ssyncset.done @!p0 $0x0  }
0x83: {  	[sflag:s0] =	ssyncadd.s32 @!p0 s1  }
0x84: {  	[bflag:$0x3] =	sbarrier.arrive $0xFFFF  }
0x85: {  	_ =	shalt  }

// kernel: kernel.14.cloned.1.call-start
scs
__scs_entry_jumppad:
0x0: {  	(pc) =	sbr.rel $0x88, $3  }
0x1: {  	(tag) =	ssettag $0x0;
	lr =	simm.s32 $0x1  }
0x2: {  	[smem:$0x3F9B] =	sst lr;
	_ =	strace $0xD0000000  }
0x3: {  	_ = 	snop  }
0x4: {  	_ = 	snop  }
0x5: {  	_ = 	snop  }
0x6: {  	_ = 	snop  }
0x7: {  	_ = 	snop  }
__scs_overlays_trampoline_lowered:
0x8: {  	[smem:$0x3FAA] =	sst s0  }
0x9: {  	[smem:$0x3FAB] =	sst s1  }
0xa: {  	[smem:$0x3FAC] =	sst s2  }
0xb: {  	[smem:$0x3FAD] =	sst s3  }
0xc: {  	[smem:$0x3FAE] =	sst s4  }
0xd: {  	[smem:$0x3FAF] =	sst s5  }
0xe: {  	[smem:$0x3FB0] =	sst s6  }
0xf: {  	[smem:$0x3FB1] =	sst s7  }
0x10: {  	[smem:$0x3FB2] =	sst s8  }
0x11: {  	[smem:$0x3FB3] =	sst s9;
	s0 =	simm.s32 @!p0 $0x0  }
0x12: {  	s1 =	sld [smem:$0x3F99];
	s0 =	simm.s32 @p0 $0x1  }
0x13: {  	[smem:$0x3FB4] =	sst s0;
	s0 =	simm.s32 @!p1 $0x0  }
0x14: {  	s2 =	sld [smem:$0x3F98];
	s0 =	simm.s32 @p1 $0x1  }
0x15: {  	[smem:$0x3FB5] =	sst s0;
	s0 =	simm.s32 @!p2 $0x0  }
0x16: {  	s3 =	sld [smem:$0x3FDB];
	s0 =	simm.s32 @p2 $0x1  }
0x17: {  	s4 =	simm.s32 $0x1BF5;
	[smem:$0x3FB7] =	sst s0  }
0x18: {  	s0 =	sld [smem:$0x3F9A];
	_ =	swait.ge [sflag:s4], $0x0  }
0x19: {  	s7 =	sld [smem:$0x3F9B]  }
0x1a: {  	s8 =	sadd.s32 $0xFFFFE003, lr  }
0x1b: {  	s9 =	sadd.s32 $0xFFFFFEF7, lr;
	s5 =	simm.s32 $0xFFFFFFFF;
	p2 =	slt.u32 s8, $0xFFFFF086  }
0x1c: {  	p1 =	slt.u32 s9, $0xF7A;
	s5 =	simm.s32 @!p2 $0x0  }
0x1d: {  	s5 =	simm.s32 @p1 $0x1;
	p0 =	seq.s32 s7, s2  }
0x1e: {  	s7 =	smul.u32 @!p0 $0xF7A, s2;
	p2 =	seq.s32 @!p0 s5, $0x0  }
0x1f: {  	s9 =	smul.u32 $0xF7A, s1;
	s8 =	simm.s32 @!p0 $0x1BF5;
	p2 =	por !p2, p0  }
0x20: {  	[sflag:s8] =	ssyncset.s32 @!p0 $0xFFFFF086;
	s6 =	sadd.s32 @!p0 s3, s7;
	s7 =	simm.s32 @!p0 $0x108  }
0x21: {  	s3 =	sadd.s32 s3, s9;
	s6 =	sadd.s32 @!p0 $0x88, s6;
	s7 =	simm.s32 @p2 $0x1082  }
0x22: {  	[simem:s7], [sflag:s8] =	dma.local @!p0 [hbm:s6], $0xF7A  }
0x23: {  	s9 =	sor.u32 $0xD0000000, s2;
	s6 =	simm.s32 $0x108;
	_ =	swait.ge @!p0 [sflag:s8], $0x0  }
0x24: {  	s3 =	sadd.s32 $0x88, s3;
	s6 =	simm.s32 @!p1 $0x1082;
	[sflag:s4] =	ssyncset.s32 $0xFFFFF086  }
0x25: {  	[simem:s6], [sflag:s4] =	dma.local [hbm:s3], $0xF7A  }
0x26: {  	[smem:$0x3F9B] =	sst s1;
	(tag) =	ssettag s2;
	_ =	strace s9  }
0x27: {  	s1 =	sld [smem:$0x3FAB]  }
0x28: {  	s2 =	sld [smem:$0x3FAC]  }
0x29: {  	s4 =	sld [smem:$0x3FAE]  }
0x2a: {  	p0 =	seq.s32 s5, $0x0;
	s5 =	sld [smem:$0x3FAF]  }
0x2b: {  	s6 =	sld [smem:$0x3FB0]  }
0x2c: {  	s7 =	sld [smem:$0x3FB1]  }
0x2d: {  	s3 =	simm.s32 $0x108;
	s8 =	sld [smem:$0x3FB2]  }
0x2e: {  	s3 =	simm.s32 @!p0 $0x1082;
	s9 =	sld [smem:$0x3FB3]  }
0x2f: {  	lr =	sadd.s32 s0, s3;
	s0 =	sld [smem:$0x3FAA]  }
0x30: {  	s3 =	sld [smem:$0x3FAD]  }
0x31: {  	[smem:$0x3FB6] =	sst s10  }
0x32: {  	s10 =	sld [smem:$0x3FB4];
	_ =	sdelay $0x3  }
0x33: {  	p0 =	seq.s32 s10, $0x1;
	s10 =	sld [smem:$0x3FB6];
	_ =	sdelay $0x3  }
0x34: {  	[smem:$0x3FB6] =	sst s10  }
0x35: {  	s10 =	sld [smem:$0x3FB5];
	_ =	sdelay $0x3  }
0x36: {  	p1 =	seq.s32 s10, $0x1;
	s10 =	sld [smem:$0x3FB6];
	_ =	sdelay $0x3  }
0x37: {  	[smem:$0x3FB6] =	sst s10  }
0x38: {  	s10 =	sld [smem:$0x3FB7]  }
0x39: {  	_ = 	snop;
	(pc) =	sbr.ind lr, $3  }
0x3a: {  	_ = 	snop  }
0x3b: {  	_ = 	snop  }
0x3c: {  	p2 =	seq.s32 s10, $0x1;
	s10 =	sld [smem:$0x3FB6]  }
0x3d: {  	_ =	shalt  }
0x3e: {  	_ =	shalt  }
0x3f: {  	_ =	shalt  }
0x40: {  	_ =	shalt  }
0x41: {  	_ =	shalt  }
0x42: {  	_ =	shalt  }
0x43: {  	_ =	shalt  }
0x44: {  	_ =	shalt  }
0x45: {  	_ =	shalt  }
0x46: {  	_ =	shalt  }
0x47: {  	_ =	shalt  }
0x48: {  	_ =	shalt  }
0x49: {  	_ =	shalt  }
0x4a: {  	_ =	shalt  }
0x4b: {  	_ =	shalt  }
0x4c: {  	_ =	shalt  }
0x4d: {  	_ =	shalt  }
0x4e: {  	_ =	shalt  }
0x4f: {  	_ =	shalt  }
0x50: {  	_ =	shalt  }
0x51: {  	_ =	shalt  }
0x52: {  	_ =	shalt  }
0x53: {  	_ =	shalt  }
0x54: {  	_ =	shalt  }
0x55: {  	_ =	shalt  }
0x56: {  	_ =	shalt  }
0x57: {  	_ =	shalt  }
0x58: {  	_ =	shalt  }
0x59: {  	_ =	shalt  }
0x5a: {  	_ =	shalt  }
0x5b: {  	_ =	shalt  }
0x5c: {  	_ =	shalt  }
0x5d: {  	_ =	shalt  }
0x5e: {  	_ =	shalt  }
0x5f: {  	_ =	shalt  }
0x60: {  	_ =	shalt  }
0x61: {  	_ =	shalt  }
0x62: {  	_ =	shalt  }
0x63: {  	_ =	shalt  }
0x64: {  	_ =	shalt  }
0x65: {  	_ =	shalt  }
0x66: {  	_ =	shalt  }
0x67: {  	_ =	shalt  }
0x68: {  	_ =	shalt  }
0x69: {  	_ =	shalt  }
0x6a: {  	_ =	shalt  }
0x6b: {  	_ =	shalt  }
0x6c: {  	_ =	shalt  }
0x6d: {  	_ =	shalt  }
0x6e: {  	_ =	shalt  }
0x6f: {  	_ =	shalt  }
0x70: {  	_ =	shalt  }
0x71: {  	_ =	shalt  }
0x72: {  	_ =	shalt  }
0x73: {  	_ =	shalt  }
0x74: {  	_ =	shalt  }
0x75: {  	_ =	shalt  }
0x76: {  	_ =	shalt  }
0x77: {  	_ =	shalt  }
0x78: {  	_ =	shalt  }
0x79: {  	_ =	shalt  }
0x7a: {  	_ =	shalt  }
0x7b: {  	_ =	shalt  }
0x7c: {  	_ =	shalt  }
0x7d: {  	_ =	shalt  }
0x7e: {  	_ =	shalt  }
0x7f: {  	_ =	shalt  }
0x80: {  	_ =	shalt  }
0x81: {  	_ =	shalt  }
0x82: {  	_ =	shalt  }
0x83: {  	_ =	shalt  }
0x84: {  	_ =	shalt  }
0x85: {  	_ =	shalt  }
0x86: {  	_ =	shalt  }
0x87: {  	_ =	shalt  }
.Lfunc_end0:
.L_simem_size_0:
called_computation.2_lowered:
.L_overlay_start_0:
0x88: {  	s2 =	sld [smem:$0x3FD9]  }
0x89: {  	s3 =	sld [smem:$0x3FFE];
	_ =	sdelay $0x1  }
0x8a: {  	s1 =	srdreg.scid  }
0x8b: {  	s0 =	sand.u32 $0x1, s1  }
0x8c: {  	s17 =	sshll.u32 s0, $0xA;
	s2 =	sadd.s32 s3, s2  }
0x8d: {  	s2 =	sadd.s32 s2, s17  }
0x8e: {  	[smem:$0x3FC2] =	sst s2  }
0x8f: {  	_ = 	snop  }
0x90: {  	s2 =	sld [smem:$0x3FD0];
	(tm) =	ssettm $0x1  }
0x91: {  	s18 =	sld [smem:$0x3FFB];
	_ =	sdelay $0x3  }
0x92: {  	_ =	strace s18  }
0x93: {  	s3 =	sld [smem:$0x3FFC];
	_ =	sdelay $0x3  }
0x94: {  	_ =	strace s3  }
0x95: {  	s3 =	sld [smem:$0x3FFD];
	_ =	sdelay $0x3  }
0x96: {  	_ =	strace s3  }
0x97: {  	_ =	strace $0x8FFFFFFF  }
0x98: {  	s19 =	sld [smem:$0x3FDB];
	_ =	sdelay $0x1  }
0x99: {  	s4 =	simm.s32 $_scs_section_size  }
0x9a: {  	s5 =	simm.s32 $_size__tile_overlayer_lowered;
	s6 =	simm.s32 $_tile_overlayer_lowered  }
0x9b: {  	s22 =	simm.s32 $0x1BFF;
	s21 =	sshll.u32 s6, $0x1;
	s3 =	sadd.s32 s4, s19  }
0x9c: {  	s7 =	simm.s32 $0x0;
	s20 =	sshll.u32 s5, $0x1;
	s5 =	sadd.s32 s21, s3  }
0x9d: {  	[timem:s7], [sflag:s22] =	dma.local [hbm:s5], s20  }
0x9e: {  	_ =	swait.ge [sflag:s22], s20  }
0x9f: {  	s4 =	ssub.s32 $0x0, s20;
	[sflag:s22] =	ssyncset.done $0x0  }
0xa0: {  	[sflag:s22] =	ssyncadd.s32 s4;
	_ =	sdelay $0x1  }
0xa1: {  	s23 =	simm.s32 $0x1B8B  }
0xa2: {  	_ =	swait.ge [sflag:s23], $0x1  }
0xa3: {  	[sflag:s23] =	ssyncset.done $0x0  }
0xa4: {  	s25 =	simm.s32 $0x1B8E;
	s24 =	sld [smem:$0x3FFE];
	[sflag:s23] =	ssyncadd.s32 $0xFFFFFFFF  }
0xa5: {  	s26 =	simm.s32 $execute0_lowered;
	[smem:$0x3FD2] =	sst s25  }
0xa6: {  	s5 =	sshll.u32 s26, $0x1;
	_ =	strace $0x8000004C;
	[dreg:$0x1] =	wrdreg $0xFFFFFFFF  }
0xa7: {  	s28 =	simm.s32 $_size_execute0_lowered;
	s3 =	sadd.s32 s3, s5;
	[dreg:$0x0] =	wrdreg $0x0  }
0xa8: {  	s5 =	sshll.u32 s28, $0x1;
	[dreg:$0x2] =	wrdreg s3  }
0xa9: {  	[dreg:$0x3] =	wrdreg s5  }
0xaa: {  	[dreg:$0x4] =	wrdreg $0xC0  }
0xab: {  	_ =	task [dreg:s7], $0x5FFFF  }
0xac: {  	[dreg:$0x1] =	wrdreg $0xFFFFFFFF  }
0xad: {  	[dreg:$0x0] =	wrdreg $0x60  }
0xae: {  	[dreg:$0x2] =	wrdreg s2  }
0xaf: {  	[dreg:$0x3] =	wrdreg s24  }
0xb0: {  	[dreg:$0x4] =	wrdreg $0xB7800  }
0xb1: {  	[dreg:$0x5] =	wrdreg $0x9  }
0xb2: {  	_ =	task.clear_ibuf [dreg:s7], $0x6FFFF;
	_ =	strace $0x9000004C  }
0xb3: {  	s29 =	simm.s32 $0x9;
	_ =	strace $0x8000004E  }
0xb4: {  	_ =	swait.ge [sflag:s29], $0x1  }
0xb5: {  	[sflag:s29] =	ssyncadd.s32 $0xFFFFFFFF  }
0xb6: {  	_ =	strace $0x9000004E  }
0xb7: {  	_ =	sfence  }
0xb8: {  	s30 =	sld [smem:$0x0];
	_ =	sdelay $0x2  }
0xb9: {  	s31 =	sshll.u32 s1, $0xD;
	s1 =	sshrl.u32 s1, $0x2  }
0xba: {  	s3 =	sand.u32 $0x4000, s31;
	s1 =	sadd.s32 s1, s30  }
0xbb: {  	s0 =	sor.u32 s3, s0;
	s1 =	sshll.u32 s1, $0x11  }
0xbc: {  	s0 =	sor.u32 s1, s0  }
0xbd: {  	s0 =	sadd.s32 $0x8F2B, s0  }
0xbe: {  	[sflag:s0] =	ssyncadd.remote.s32 $0x1  }
0xbf: {  	_ =	sfence.sel $0xFFFF  }
0xc0: {  	[dreg:$0x0] =	wrdreg $0xFFFFFFFF;
	(pc) =	sbr.abs _section_cstart, $3  }
0xc1: {  	[dreg:$0x1] =	wrdreg $0xFFFFFFFF  }
0xc2: {  	_ =	task.clear_ibuf [dreg:s7], $0x2FFFF;
	_ =	strace $0x9FFFFFFF  }
0xc3: {  	(tm) =	ssettm $0x7FFFFFFF  }
tec
execute0_lowered:
.L_overlay_start_1:
0x0: {  	(tag) =	ssettag $0x1  }
0x1: {  	s1 =	rddreg [dreg:$0x0]  }
0x2: {  	s0 =	srdreg.scid;
	s6 =	rddreg [dreg:$0x1]  }
0x3: {  	s3 =	rddreg [dreg:$0x2];
	s4 =	simm.s32 $0x0;
	s14 =	simm.s32 $0x50  }
0x4: {  	s15 =	simm.s32 $0x6780;
	s5 =	sand.u32 $0x1, s0;
	s0 =	stileid.u32  }
0x5: {  	s16 =	simm.s32 $0x8F80;
	s17 =	simm.s32 $0x1;
	s9 =	smul.u32 $0x13800, s0  }
0x6: {  	s18 =	simm.s32 $0x2;
	s19 =	simm.s32 $0x0;
	s10 =	smul.u32 $0x138800, s5  }
0x7: {  	[smem:$0x7FF] =	sst s4;
	s2 =	sshll.u32 s5, $0x4;
	s29 =	smul.u32 $0x4E000, s0  }
0x8: {  	s5 =	ssub.s32 $0x2, s5;
	s31 =	sshll.u32 s0, $0x6;
	s7 =	sor.u32 s0, s2  }
0x9: {  	s2 =	rddreg [dreg:$0x3];
	_ =	strace $0x8000004D;
	s30 =	sshrl.u32 s5, $0x1  }
0xa: {  	s8 =	smul.u32 $0x4E2, s7;
	s7 =	sshll.u32 s7, $0xB;
	s28 =	sshrl.u32 s9, $0x3  }
0xb: {  	s9 =	sadd.s32 s9, s10;
	s10 =	sshrl.u32 s29, $0x2;
	s12 =	ssub.s32 s5, s30  }
0xc: {  	s11 =	sadd.s32 s7, s6;
	s7 =	sadd.s32 s28, s6;
	s9 =	sshrl.u32 s9, $0x3  }
0xd: {  	s13 =	sadd.s32 s10, s3;
	s10 =	smax.u32 s12, $0x1;
	s12 =	simm.s32 $0x3  }
0xe: {  	s8 =	sadd.s32 s8, s6;
	s9 =	sadd.s32 s9, s6;
	s5 =	sadd.s32 $0x1BC00, s7  }
0xf: {  	s6 =	sor.u32 $0x1C03, s31;
	s7 =	sadd.s32 $0x1E00, s8;
	s8 =	sadd.s32 $0xBC00, s11  }
0x10: {  	s9 =	sadd.s32 $0x42E00, s9;
	s11 =	sshrl.u32 s13, $0x3;
	s13 =	simm.s32 $0x2780  }
.LBB2_1:
0x11: {  	[spmem:s11], [sflag:s6] =	dma.local [hbm:s5], $0x2800  }
0x12: {  	_ =	swait.ge [sflag:s12], $0x2800  }
0x13: {  	[sflag:s12] =	ssyncset.done $0x0  }
0x14: {  	[sflag:s12] =	ssyncadd.s32 $0xFFFFD800  }
0x15: {  	[tilespmem:s4], [sflag:$0x3] =	stream.linear.gather [hbm4b:s7+s4], $0x2710, $0x38;
	[tilespmem:$0x1F000] =	vst v63  }
0x16: {  	_ =	swait.ge [sflag:s12], $0x2710  }
0x17: {  	[sflag:s12] =	ssyncset.done $0x0  }
0x18: {  	[sflag:s12] =	ssyncadd.s32 $0xFFFFD8F0  }
0x19: {  	[tilespmem:s13], [sflag:$0x3] =	stream.linear.gather [hbm4b:s8+s4], $0x3E80, $0x38;
	[tilespmem:$0x1F000] =	vst v63  }
0x1a: {  	_ =	swait.ge [sflag:s12], $0x3E80  }
0x1b: {  	[sflag:s12] =	ssyncset.done $0x0  }
0x1c: {  	[sflag:s12] =	ssyncadd.s32 $0xFFFFC180  }
0x1d: {  	[bflag:$0x0] =	sbarrier.arrive $0xFFFF  }
0x1e: {  	[tilespmem:s15], [sflag:$0x1] =	stream.indirect.gather [hbm4b:s1+s14], $0x80, s4, s14, $0xb8;
	[tilespmem:$0x1F000] =	vst v63  }
0x1f: {  	s20 =	simm.s32 $0x50  }
0x20: {  	[tilespmem:s16], [sflag:$0x2] =	stream.indirect.gather [hbm4b:s1+s14], $0x80, s20, s14, $0xb8;
	[tilespmem:$0x1F000] =	vst v63  }
0x21: {  	_ =	swait.ge [sflag:s17], $0x2800  }
0x22: {  	[sflag:s17] =	ssyncset.done $0x0  }
0x23: {  	s23 =	simm.s32 $0x2780;
	[sflag:s17] =	ssyncadd.s32 $0xFFFFD800  }
0x24: {  	[spmem:s3] =	stream.indirect.scatter.add.f32 [tilespmem:s15], [sflag:$0x3], $0x80, s23, s14, $0xb8;
	[tilespmem:$0x1F000] =	vst v63  }
0x25: {  	_ =	swait.ge [sflag:s12], $0x2800  }
0x26: {  	[sflag:s12] =	ssyncset.done $0x0  }
0x27: {  	s24 =	simm.s32 $0xA0;
	[sflag:s12] =	ssyncadd.s32 $0xFFFFD800  }
0x28: {  	[tilespmem:s15], [sflag:$0x1] =	stream.indirect.gather [hbm4b:s1+s14], $0x80, s24, s14, $0xb8;
	[tilespmem:$0x1F000] =	vst v63  }
0x29: {  	_ =	swait.ge [sflag:s18], $0x2800  }
0x2a: {  	[sflag:s18] =	ssyncset.done $0x0  }
0x2b: {  	s25 =	simm.s32 $0x2800;
	[sflag:s18] =	ssyncadd.s32 $0xFFFFD800  }
0x2c: {  	[spmem:s3] =	stream.indirect.scatter.add.f32 [tilespmem:s16], [sflag:$0x3], $0x80, s25, s14, $0xb8;
	[tilespmem:$0x1F000] =	vst v63  }
0x2d: {  	_ =	swait.ge [sflag:s12], $0x2800  }
0x2e: {  	[sflag:s12] =	ssyncset.done $0x0  }
0x2f: {  	s26 =	simm.s32 $0xF0;
	[sflag:s12] =	ssyncadd.s32 $0xFFFFD800  }
0x30: {  	[tilespmem:s16], [sflag:$0x2] =	stream.indirect.gather [hbm4b:s1+s14], $0x80, s26, s14, $0xb8;
	[tilespmem:$0x1F000] =	vst v63  }
0x31: {  	_ =	swait.ge [sflag:s17], $0x2800  }
0x32: {  	[sflag:s17] =	ssyncset.done $0x0  }
0x33: {  	s28 =	simm.s32 $0x2880;
	[sflag:s17] =	ssyncadd.s32 $0xFFFFD800  }
0x34: {  	[spmem:s3] =	stream.indirect.scatter.add.f32 [tilespmem:s15], [sflag:$0x3], $0x80, s28, s14, $0xb8;
	[tilespmem:$0x1F000] =	vst v63  }
0x35: {  	_ =	swait.ge [sflag:s12], $0x2800  }
0x36: {  	[sflag:s12] =	ssyncset.done $0x0  }
0x37: {  	s29 =	simm.s32 $0x140;
	[sflag:s12] =	ssyncadd.s32 $0xFFFFD800  }
0x38: {  	[tilespmem:s15], [sflag:$0x1] =	stream.indirect.gather [hbm4b:s1+s14], $0x80, s29, s14, $0xb8;
	[tilespmem:$0x1F000] =	vst v63  }
0x39: {  	_ =	swait.ge [sflag:s18], $0x2800  }
0x3a: {  	[sflag:s18] =	ssyncset.done $0x0  }
0x3b: {  	s30 =	simm.s32 $0x2900;
	[sflag:s18] =	ssyncadd.s32 $0xFFFFD800  }
0x3c: {  	[spmem:s3] =	stream.indirect.scatter.add.f32 [tilespmem:s16], [sflag:$0x3], $0x80, s30, s14, $0xb8;
	[tilespmem:$0x1F000] =	vst v63  }
0x3d: {  	_ =	swait.ge [sflag:s12], $0x2800  }
0x3e: {  	[sflag:s12] =	ssyncset.done $0x0  }
0x3f: {  	[sflag:s12] =	ssyncadd.s32 $0xFFFFD800  }
0x40: {  	_ =	swait.ge [sflag:s17], $0x2800  }
0x41: {  	[sflag:s17] =	ssyncset.done $0x0  }
0x42: {  	s31 =	simm.s32 $0x2980;
	[sflag:s17] =	ssyncadd.s32 $0xFFFFD800  }
0x43: {  	[spmem:s3] =	stream.indirect.scatter.add.f32 [tilespmem:s15], [sflag:$0x3], $0x80, s31, s14, $0xb8;
	[tilespmem:$0x1F000] =	vst v63  }
0x44: {  	_ =	swait.ge [sflag:s12], $0x2800  }
0x45: {  	s21 =	simm.s32 $0x0;
	s20 =	simm.s32 $0xA00;
	[sflag:s12] =	ssyncset.done $0x0  }
.LBB2_2:
0x46: {  	p0 =	sne.s32 s20, $0xF000;
	[sflag:s12] =	ssyncadd.s32 $0xFFFFD800;
	s21 =	sadd.s32 $0x190, s21  }
0x47: {  	[tilespmem:s15], [sflag:$0x1] =	stream.indirect.gather [hbm4b:s1+s14], $0x80, s21, s14, $0xb8;
	[tilespmem:$0x1F000] =	vst v63  }
0x48: {  	s23 =	smov.u32 s20;
	s20 =	sadd.s32 $0xA00, s20;
	s22 =	sadd.s32 $0x50, s21  }
0x49: {  	[tilespmem:s16], [sflag:$0x2] =	stream.indirect.gather [hbm4b:s1+s14], $0x80, s22, s14, $0xb8;
	[tilespmem:$0x1F000] =	vst v63  }
0x4a: {  	_ =	swait.ge [sflag:s17], $0x2800  }
0x4b: {  	s22 =	sshra.s32 s23, $0x2;
	[sflag:s17] =	ssyncset.done $0x0  }
0x4c: {  	s23 =	sadd.s32 $0x2780, s22;
	[sflag:s17] =	ssyncadd.s32 $0xFFFFD800  }
0x4d: {  	[spmem:s3] =	stream.indirect.scatter.add.f32 [tilespmem:s15], [sflag:$0x3], $0x80, s23, s14, $0xb8;
	[tilespmem:$0x1F000] =	vst v63  }
0x4e: {  	_ =	swait.ge [sflag:s12], $0x2800  }
0x4f: {  	[sflag:s12] =	ssyncset.done $0x0  }
0x50: {  	s23 =	sadd.s32 $0xA0, s21;
	[sflag:s12] =	ssyncadd.s32 $0xFFFFD800  }
0x51: {  	[tilespmem:s15], [sflag:$0x1] =	stream.indirect.gather [hbm4b:s1+s14], $0x80, s23, s14, $0xb8;
	[tilespmem:$0x1F000] =	vst v63  }
0x52: {  	_ =	swait.ge [sflag:s18], $0x2800  }
0x53: {  	[sflag:s18] =	ssyncset.done $0x0  }
0x54: {  	s23 =	sadd.s32 $0x2800, s22;
	[sflag:s18] =	ssyncadd.s32 $0xFFFFD800  }
0x55: {  	[spmem:s3] =	stream.indirect.scatter.add.f32 [tilespmem:s16], [sflag:$0x3], $0x80, s23, s14, $0xb8;
	[tilespmem:$0x1F000] =	vst v63  }
0x56: {  	_ =	swait.ge [sflag:s12], $0x2800  }
0x57: {  	[sflag:s12] =	ssyncset.done $0x0  }
0x58: {  	s23 =	sadd.s32 $0xF0, s21;
	[sflag:s12] =	ssyncadd.s32 $0xFFFFD800  }
0x59: {  	[tilespmem:s16], [sflag:$0x2] =	stream.indirect.gather [hbm4b:s1+s14], $0x80, s23, s14, $0xb8;
	[tilespmem:$0x1F000] =	vst v63  }
0x5a: {  	_ =	swait.ge [sflag:s17], $0x2800  }
0x5b: {  	[sflag:s17] =	ssyncset.done $0x0  }
0x5c: {  	s23 =	sadd.s32 $0x2880, s22;
	[sflag:s17] =	ssyncadd.s32 $0xFFFFD800  }
0x5d: {  	[spmem:s3] =	stream.indirect.scatter.add.f32 [tilespmem:s15], [sflag:$0x3], $0x80, s23, s14, $0xb8;
	[tilespmem:$0x1F000] =	vst v63  }
0x5e: {  	_ =	swait.ge [sflag:s12], $0x2800  }
0x5f: {  	[sflag:s12] =	ssyncset.done $0x0  }
0x60: {  	s23 =	sadd.s32 $0x140, s21;
	[sflag:s12] =	ssyncadd.s32 $0xFFFFD800  }
0x61: {  	[tilespmem:s15], [sflag:$0x1] =	stream.indirect.gather [hbm4b:s1+s14], $0x80, s23, s14, $0xb8;
	[tilespmem:$0x1F000] =	vst v63  }
0x62: {  	_ =	swait.ge [sflag:s18], $0x2800  }
0x63: {  	[sflag:s18] =	ssyncset.done $0x0  }
0x64: {  	s23 =	sadd.s32 $0x2900, s22;
	[sflag:s18] =	ssyncadd.s32 $0xFFFFD800  }
0x65: {  	[spmem:s3] =	stream.indirect.scatter.add.f32 [tilespmem:s16], [sflag:$0x3], $0x80, s23, s14, $0xb8;
	[tilespmem:$0x1F000] =	vst v63  }
0x66: {  	_ =	swait.ge [sflag:s12], $0x2800  }
0x67: {  	[sflag:s12] =	ssyncset.done $0x0  }
0x68: {  	[sflag:s12] =	ssyncadd.s32 $0xFFFFD800  }
0x69: {  	_ =	swait.ge [sflag:s17], $0x2800  }
.Ltmp0:
0x6a: {  	[sflag:s17] =	ssyncset.done $0x0;
	(pc) =	sbr.rel @p0 .LBB2_2-.Ltmp0, $4  }
0x6b: {  	s22 =	sadd.s32 $0x2980, s22;
	[sflag:s17] =	ssyncadd.s32 $0xFFFFD800  }
0x6c: {  	[spmem:s3] =	stream.indirect.scatter.add.f32 [tilespmem:s15], [sflag:$0x3], $0x80, s22, s14, $0xb8;
	[tilespmem:$0x1F000] =	vst v63  }
0x6d: {  	_ =	swait.ge [sflag:s12], $0x2800  }
0x6e: {  	[sflag:s12] =	ssyncset.done $0x0  }
0x6f: {  	s19 =	sadd.s32 $0x1, s19  }
0x70: {  	[sflag:s12] =	ssyncadd.s32 $0xFFFFD800;
	p0 =	sne.s32 s19, s10  }
.Ltmp1:
0x71: {  	[bflag:$0x0] =	sbarrier.arrive $0xFFFF;
	(pc) =	sbr.rel @p0 .LBB2_1-.Ltmp1, $4  }
0x72: {  	[hbm:s9], [sflag:s6] =	dma.local [spmem:s11], $0x2800  }
0x73: {  	_ =	swait.ge [sflag:s12], $0x2800  }
0x74: {  	[sflag:s12] =	ssyncset.done $0x0  }
0x75: {  	[sflag:s12] =	ssyncadd.s32 $0xFFFFD800  }
0x76: {  	_ =	sfence.sel $0x180000  }
0x77: {  	[bflag:$0x0] =	sbarrier.arrive $0xFFFF  }
0x78: {  	p0 =	sne.s32 s0, $0x0;
	_ =	strace $0x9000004D  }
0x79: {  	s0 =	sadd.s32 @!p0 $0x100000, s2;
	[bflag:$0x2] =	sbarrier.arrive $0xFFFF  }
0x7a: {  	[sflag:s0] =	ssyncadd.tile.s32 @!p0 $0x1;
	_ =	shalt  }
.Lfunc_end2:
_tile_overlayer_lowered:
.L_overlay_start_2:
0x7b: {  	(tag) =	ssettag $0x2  }
0x7c: {  	s0 =	rddreg [dreg:$0x0];
	s2 =	stileid.u32  }
0x7d: {  	s1 =	rddreg [dreg:$0x1];
	p0 =	sne.s32 s2, $0x0  }
0x7e: {  	s3 =	rddreg [dreg:$0x2];
	[bflag:$0x3] =	sbarrier.arrive $0xFFFF;
	s2 =	simm.s32 @!p0 $0x1C03  }
0x7f: {  	[timem:s3], [sflag:s2] =	dma.local @!p0 [hbm:s0], s1  }
0x80: {  	s0 =	simm.s32 @!p0 $0x3  }
0x81: {  	_ =	swait.ge @!p0 [sflag:s0], s1  }
0x82: {  	s1 =	ssub.s32 @!p0 $0x0, s1;
	[sflag:s0] =	ssyncset.done @!p0 $0x0  }
0x83: {  	[sflag:s0] =	ssyncadd.s32 @!p0 s1  }
0x84: {  	[bflag:$0x3] =	sbarrier.arrive $0xFFFF  }
0x85: {  	_ =	shalt  }

// kernel: kernel.8.cloned.1.call-start
scs
__scs_entry_jumppad:
0x0: {  	(pc) =	sbr.rel $0x88, $3  }
0x1: {  	(tag) =	ssettag $0x0;
	lr =	simm.s32 $0x1  }
0x2: {  	[smem:$0x3F9B] =	sst lr;
	_ =	strace $0xD0000000  }
0x3: {  	_ = 	snop  }
0x4: {  	_ = 	snop  }
0x5: {  	_ = 	snop  }
0x6: {  	_ = 	snop  }
0x7: {  	_ = 	snop  }
__scs_overlays_trampoline_lowered:
0x8: {  	[smem:$0x3FAA] =	sst s0  }
0x9: {  	[smem:$0x3FAB] =	sst s1  }
0xa: {  	[smem:$0x3FAC] =	sst s2  }
0xb: {  	[smem:$0x3FAD] =	sst s3  }
0xc: {  	[smem:$0x3FAE] =	sst s4  }
0xd: {  	[smem:$0x3FAF] =	sst s5  }
0xe: {  	[smem:$0x3FB0] =	sst s6  }
0xf: {  	[smem:$0x3FB1] =	sst s7  }
0x10: {  	[smem:$0x3FB2] =	sst s8  }
0x11: {  	[smem:$0x3FB3] =	sst s9;
	s0 =	simm.s32 @!p0 $0x0  }
0x12: {  	s1 =	sld [smem:$0x3F99];
	s0 =	simm.s32 @p0 $0x1  }
0x13: {  	[smem:$0x3FB4] =	sst s0;
	s0 =	simm.s32 @!p1 $0x0  }
0x14: {  	s2 =	sld [smem:$0x3F98];
	s0 =	simm.s32 @p1 $0x1  }
0x15: {  	[smem:$0x3FB5] =	sst s0;
	s0 =	simm.s32 @!p2 $0x0  }
0x16: {  	s3 =	sld [smem:$0x3FDB];
	s0 =	simm.s32 @p2 $0x1  }
0x17: {  	s4 =	simm.s32 $0x1BF5;
	[smem:$0x3FB7] =	sst s0  }
0x18: {  	s0 =	sld [smem:$0x3F9A];
	_ =	swait.ge [sflag:s4], $0x0  }
0x19: {  	s7 =	sld [smem:$0x3F9B]  }
0x1a: {  	s8 =	sadd.s32 $0xFFFFE003, lr  }
0x1b: {  	s9 =	sadd.s32 $0xFFFFFEF7, lr;
	s5 =	simm.s32 $0xFFFFFFFF;
	p2 =	slt.u32 s8, $0xFFFFF086  }
0x1c: {  	p1 =	slt.u32 s9, $0xF7A;
	s5 =	simm.s32 @!p2 $0x0  }
0x1d: {  	s5 =	simm.s32 @p1 $0x1;
	p0 =	seq.s32 s7, s2  }
0x1e: {  	s7 =	smul.u32 @!p0 $0xF7A, s2;
	p2 =	seq.s32 @!p0 s5, $0x0  }
0x1f: {  	s9 =	smul.u32 $0xF7A, s1;
	s8 =	simm.s32 @!p0 $0x1BF5;
	p2 =	por !p2, p0  }
0x20: {  	[sflag:s8] =	ssyncset.s32 @!p0 $0xFFFFF086;
	s6 =	sadd.s32 @!p0 s3, s7;
	s7 =	simm.s32 @!p0 $0x108  }
0x21: {  	s3 =	sadd.s32 s3, s9;
	s6 =	sadd.s32 @!p0 $0x88, s6;
	s7 =	simm.s32 @p2 $0x1082  }
0x22: {  	[simem:s7], [sflag:s8] =	dma.local @!p0 [hbm:s6], $0xF7A  }
0x23: {  	s9 =	sor.u32 $0xD0000000, s2;
	s6 =	simm.s32 $0x108;
	_ =	swait.ge @!p0 [sflag:s8], $0x0  }
0x24: {  	s3 =	sadd.s32 $0x88, s3;
	s6 =	simm.s32 @!p1 $0x1082;
	[sflag:s4] =	ssyncset.s32 $0xFFFFF086  }
0x25: {  	[simem:s6], [sflag:s4] =	dma.local [hbm:s3], $0xF7A  }
0x26: {  	[smem:$0x3F9B] =	sst s1;
	(tag) =	ssettag s2;
	_ =	strace s9  }
0x27: {  	s1 =	sld [smem:$0x3FAB]  }
0x28: {  	s2 =	sld [smem:$0x3FAC]  }
0x29: {  	s4 =	sld [smem:$0x3FAE]  }
0x2a: {  	p0 =	seq.s32 s5, $0x0;
	s5 =	sld [smem:$0x3FAF]  }
0x2b: {  	s6 =	sld [smem:$0x3FB0]  }
0x2c: {  	s7 =	sld [smem:$0x3FB1]  }
0x2d: {  	s3 =	simm.s32 $0x108;
	s8 =	sld [smem:$0x3FB2]  }
0x2e: {  	s3 =	simm.s32 @!p0 $0x1082;
	s9 =	sld [smem:$0x3FB3]  }
0x2f: {  	lr =	sadd.s32 s0, s3;
	s0 =	sld [smem:$0x3FAA]  }
0x30: {  	s3 =	sld [smem:$0x3FAD]  }
0x31: {  	[smem:$0x3FB6] =	sst s10  }
0x32: {  	s10 =	sld [smem:$0x3FB4];
	_ =	sdelay $0x3  }
0x33: {  	p0 =	seq.s32 s10, $0x1;
	s10 =	sld [smem:$0x3FB6];
	_ =	sdelay $0x3  }
0x34: {  	[smem:$0x3FB6] =	sst s10  }
0x35: {  	s10 =	sld [smem:$0x3FB5];
	_ =	sdelay $0x3  }
0x36: {  	p1 =	seq.s32 s10, $0x1;
	s10 =	sld [smem:$0x3FB6];
	_ =	sdelay $0x3  }
0x37: {  	[smem:$0x3FB6] =	sst s10  }
0x38: {  	s10 =	sld [smem:$0x3FB7]  }
0x39: {  	_ = 	snop;
	(pc) =	sbr.ind lr, $3  }
0x3a: {  	_ = 	snop  }
0x3b: {  	_ = 	snop  }
0x3c: {  	p2 =	seq.s32 s10, $0x1;
	s10 =	sld [smem:$0x3FB6]  }
0x3d: {  	_ =	shalt  }
0x3e: {  	_ =	shalt  }
0x3f: {  	_ =	shalt  }
0x40: {  	_ =	shalt  }
0x41: {  	_ =	shalt  }
0x42: {  	_ =	shalt  }
0x43: {  	_ =	shalt  }
0x44: {  	_ =	shalt  }
0x45: {  	_ =	shalt  }
0x46: {  	_ =	shalt  }
0x47: {  	_ =	shalt  }
0x48: {  	_ =	shalt  }
0x49: {  	_ =	shalt  }
0x4a: {  	_ =	shalt  }
0x4b: {  	_ =	shalt  }
0x4c: {  	_ =	shalt  }
0x4d: {  	_ =	shalt  }
0x4e: {  	_ =	shalt  }
0x4f: {  	_ =	shalt  }
0x50: {  	_ =	shalt  }
0x51: {  	_ =	shalt  }
0x52: {  	_ =	shalt  }
0x53: {  	_ =	shalt  }
0x54: {  	_ =	shalt  }
0x55: {  	_ =	shalt  }
0x56: {  	_ =	shalt  }
0x57: {  	_ =	shalt  }
0x58: {  	_ =	shalt  }
0x59: {  	_ =	shalt  }
0x5a: {  	_ =	shalt  }
0x5b: {  	_ =	shalt  }
0x5c: {  	_ =	shalt  }
0x5d: {  	_ =	shalt  }
0x5e: {  	_ =	shalt  }
0x5f: {  	_ =	shalt  }
0x60: {  	_ =	shalt  }
0x61: {  	_ =	shalt  }
0x62: {  	_ =	shalt  }
0x63: {  	_ =	shalt  }
0x64: {  	_ =	shalt  }
0x65: {  	_ =	shalt  }
0x66: {  	_ =	shalt  }
0x67: {  	_ =	shalt  }
0x68: {  	_ =	shalt  }
0x69: {  	_ =	shalt  }
0x6a: {  	_ =	shalt  }
0x6b: {  	_ =	shalt  }
0x6c: {  	_ =	shalt  }
0x6d: {  	_ =	shalt  }
0x6e: {  	_ =	shalt  }
0x6f: {  	_ =	shalt  }
0x70: {  	_ =	shalt  }
0x71: {  	_ =	shalt  }
0x72: {  	_ =	shalt  }
0x73: {  	_ =	shalt  }
0x74: {  	_ =	shalt  }
0x75: {  	_ =	shalt  }
0x76: {  	_ =	shalt  }
0x77: {  	_ =	shalt  }
0x78: {  	_ =	shalt  }
0x79: {  	_ =	shalt  }
0x7a: {  	_ =	shalt  }
0x7b: {  	_ =	shalt  }
0x7c: {  	_ =	shalt  }
0x7d: {  	_ =	shalt  }
0x7e: {  	_ =	shalt  }
0x7f: {  	_ =	shalt  }
0x80: {  	_ =	shalt  }
0x81: {  	_ =	shalt  }
0x82: {  	_ =	shalt  }
0x83: {  	_ =	shalt  }
0x84: {  	_ =	shalt  }
0x85: {  	_ =	shalt  }
0x86: {  	_ =	shalt  }
0x87: {  	_ =	shalt  }
.Lfunc_end0:
.L_simem_size_0:
called_computation_lowered:
.L_overlay_start_0:
0x88: {  	s2 =	sld [smem:$0x3FD9]  }
0x89: {  	s3 =	sld [smem:$0x3FFE];
	_ =	sdelay $0x1  }
0x8a: {  	s1 =	srdreg.scid  }
0x8b: {  	s0 =	sand.u32 $0x1, s1  }
0x8c: {  	s17 =	sshll.u32 s0, $0xA;
	s2 =	sadd.s32 s3, s2  }
0x8d: {  	s2 =	sadd.s32 s2, s17  }
0x8e: {  	[smem:$0x3FC2] =	sst s2  }
0x8f: {  	_ = 	snop  }
0x90: {  	s2 =	sld [smem:$0x3FD0];
	(tm) =	ssettm $0x1  }
0x91: {  	s18 =	sld [smem:$0x3FFB];
	_ =	sdelay $0x3  }
0x92: {  	_ =	strace s18  }
0x93: {  	s3 =	sld [smem:$0x3FFC];
	_ =	sdelay $0x3  }
0x94: {  	_ =	strace s3  }
0x95: {  	s3 =	sld [smem:$0x3FFD];
	_ =	sdelay $0x3  }
0x96: {  	_ =	strace s3  }
0x97: {  	_ =	strace $0x8FFFFFFF  }
0x98: {  	s19 =	sld [smem:$0x3FDB];
	_ =	sdelay $0x1  }
0x99: {  	s4 =	simm.s32 $_scs_section_size  }
0x9a: {  	s5 =	simm.s32 $_size__tile_overlayer_lowered;
	s6 =	simm.s32 $_tile_overlayer_lowered  }
0x9b: {  	s22 =	simm.s32 $0x1BFF;
	s21 =	sshll.u32 s6, $0x1;
	s3 =	sadd.s32 s4, s19  }
0x9c: {  	s7 =	simm.s32 $0x0;
	s20 =	sshll.u32 s5, $0x1;
	s5 =	sadd.s32 s21, s3  }
0x9d: {  	[timem:s7], [sflag:s22] =	dma.local [hbm:s5], s20  }
0x9e: {  	_ =	swait.ge [sflag:s22], s20  }
0x9f: {  	s4 =	ssub.s32 $0x0, s20;
	[sflag:s22] =	ssyncset.done $0x0  }
0xa0: {  	[sflag:s22] =	ssyncadd.s32 s4;
	_ =	sdelay $0x1  }
0xa1: {  	s23 =	simm.s32 $0x1B8B  }
0xa2: {  	_ =	swait.ge [sflag:s23], $0x1  }
0xa3: {  	[sflag:s23] =	ssyncset.done $0x0  }
0xa4: {  	s25 =	simm.s32 $0x1B8E;
	s24 =	sld [smem:$0x3FFE];
	[sflag:s23] =	ssyncadd.s32 $0xFFFFFFFF  }
0xa5: {  	s26 =	simm.s32 $execute0_lowered;
	[smem:$0x3FD2] =	sst s25  }
0xa6: {  	s5 =	sshll.u32 s26, $0x1;
	_ =	strace $0x80000046;
	[dreg:$0x1] =	wrdreg $0xFFFFFFFF  }
0xa7: {  	s28 =	simm.s32 $_size_execute0_lowered;
	s3 =	sadd.s32 s3, s5;
	[dreg:$0x0] =	wrdreg $0x0  }
0xa8: {  	s5 =	sshll.u32 s28, $0x1;
	[dreg:$0x2] =	wrdreg s3  }
0xa9: {  	[dreg:$0x3] =	wrdreg s5  }
0xaa: {  	[dreg:$0x4] =	wrdreg $0xC0  }
0xab: {  	_ =	task [dreg:s7], $0x5FFFF  }
0xac: {  	[dreg:$0x1] =	wrdreg $0xFFFFFFFF  }
0xad: {  	[dreg:$0x0] =	wrdreg $0x60  }
0xae: {  	[dreg:$0x2] =	wrdreg s24  }
0xaf: {  	[dreg:$0x3] =	wrdreg s2  }
0xb0: {  	[dreg:$0x4] =	wrdreg $0x68000  }
0xb1: {  	[dreg:$0x5] =	wrdreg $0x9  }
0xb2: {  	_ =	task.clear_ibuf [dreg:s7], $0x6FFFF;
	_ =	strace $0x90000046  }
0xb3: {  	s29 =	simm.s32 $0x9;
	_ =	strace $0x80000048  }
0xb4: {  	_ =	swait.ge [sflag:s29], $0x1  }
0xb5: {  	[sflag:s29] =	ssyncadd.s32 $0xFFFFFFFF  }
0xb6: {  	_ =	strace $0x90000048  }
0xb7: {  	_ =	sfence  }
0xb8: {  	s30 =	sld [smem:$0x0];
	_ =	sdelay $0x2  }
0xb9: {  	s31 =	sshll.u32 s1, $0xD;
	s1 =	sshrl.u32 s1, $0x2  }
0xba: {  	s3 =	sand.u32 $0x4000, s31;
	s1 =	sadd.s32 s1, s30  }
0xbb: {  	s0 =	sor.u32 s3, s0;
	s1 =	sshll.u32 s1, $0x11  }
0xbc: {  	s0 =	sor.u32 s1, s0  }
0xbd: {  	s0 =	sadd.s32 $0x8F2B, s0  }
0xbe: {  	[sflag:s0] =	ssyncadd.remote.s32 $0x1  }
0xbf: {  	_ =	sfence.sel $0xFFFF  }
0xc0: {  	[dreg:$0x0] =	wrdreg $0xFFFFFFFF;
	(pc) =	sbr.abs _section_cstart, $3  }
0xc1: {  	[dreg:$0x1] =	wrdreg $0xFFFFFFFF  }
0xc2: {  	_ =	task.clear_ibuf [dreg:s7], $0x2FFFF;
	_ =	strace $0x9FFFFFFF  }
0xc3: {  	(tm) =	ssettm $0x7FFFFFFF  }
tec
execute0_lowered:
.L_overlay_start_1:
0x0: {  	(tag) =	ssettag $0x1  }
0x1: {  	s4 =	rddreg [dreg:$0x0]  }
0x2: {  	s5 =	rddreg [dreg:$0x1]  }
0x3: {  	s2 =	rddreg [dreg:$0x2]  }
0x4: {  	s0 =	rddreg [dreg:$0x3]  }
0x5: {  	s1 =	stileid.u32;
	s6 =	srdreg.scid;
	s3 =	simm.s32 $0x0  }
0x6: {  	s13 =	simm.s32 $0x0;
	s6 =	sand.u32 $0x1, s6;
	s7 =	smul.u32 $0x13800, s1  }
0x7: {  	[smem:$0x7FF] =	sst s3;
	s9 =	sshll.u32 s1, $0xB;
	s11 =	smul.u32 $0x4E000, s1  }
0x8: {  	s31 =	sshll.u32 s1, $0x6;
	s8 =	smul.u32 $0x138800, s6;
	_ =	strace $0x80000047  }
0x9: {  	s10 =	ssub.s32 $0x2, s6;
	s9 =	sadd.s32 s9, s4;
	s6 =	sshll.u32 s6, $0xF  }
0xa: {  	s12 =	sshrl.u32 s10, $0x1;
	s29 =	sshrl.u32 s11, $0x2;
	s30 =	sshrl.u32 s7, $0x3  }
0xb: {  	s6 =	sadd.s32 s6, s9;
	s8 =	sadd.s32 s7, s8;
	s10 =	ssub.s32 s10, s12  }
0xc: {  	s11 =	sadd.s32 s29, s2;
	s6 =	sadd.s32 $0xBC00, s6;
	s12 =	simm.s32 $0x50  }
0xd: {  	s8 =	sshrl.u32 s8, $0x3;
	s9 =	sshrl.u32 s11, $0x3;
	s11 =	simm.s32 $0x2800  }
0xe: {  	s8 =	sadd.s32 s8, s4;
	s4 =	sadd.s32 s5, s30;
	s5 =	sor.u32 $0x1C01, s31  }
0xf: {  	v0 =	vimm.f32 $1.000000000e+00;
	s7 =	sadd.s32 $0x1BC00, s8;
	s8 =	smax.u32 s10, $0x1;
	s10 =	simm.s32 $0x1  }
.LBB2_1:
0x10: {  	[tilespmem:$0x0] =	vst v0  }
0x11: {  	[tilespmem:$0x80] =	vst v0  }
0x12: {  	[tilespmem:$0x100] =	vst v0  }
0x13: {  	[tilespmem:$0x180] =	vst v0  }
0x14: {  	[tilespmem:$0x200] =	vst v0  }
0x15: {  	[tilespmem:$0x280] =	vst v0  }
0x16: {  	[tilespmem:$0x300] =	vst v0  }
0x17: {  	[tilespmem:$0x380] =	vst v0  }
0x18: {  	[tilespmem:$0x400] =	vst v0  }
0x19: {  	[tilespmem:$0x480] =	vst v0  }
0x1a: {  	[tilespmem:$0x500] =	vst v0  }
0x1b: {  	[tilespmem:$0x580] =	vst v0  }
0x1c: {  	[tilespmem:$0x600] =	vst v0  }
0x1d: {  	[tilespmem:$0x680] =	vst v0  }
0x1e: {  	[tilespmem:$0x700] =	vst v0  }
0x1f: {  	[tilespmem:$0x780] =	vst v0  }
0x20: {  	[tilespmem:$0x800] =	vst v0  }
0x21: {  	[tilespmem:$0x880] =	vst v0  }
0x22: {  	[tilespmem:$0x900] =	vst v0  }
0x23: {  	[tilespmem:$0x980] =	vst v0  }
0x24: {  	[tilespmem:$0xA00] =	vst v0  }
0x25: {  	[tilespmem:$0xA80] =	vst v0  }
0x26: {  	[tilespmem:$0xB00] =	vst v0  }
0x27: {  	[tilespmem:$0xB80] =	vst v0  }
0x28: {  	[tilespmem:$0xC00] =	vst v0  }
0x29: {  	[tilespmem:$0xC80] =	vst v0  }
0x2a: {  	[tilespmem:$0xD00] =	vst v0  }
0x2b: {  	[tilespmem:$0xD80] =	vst v0  }
0x2c: {  	[tilespmem:$0xE00] =	vst v0  }
0x2d: {  	[tilespmem:$0xE80] =	vst v0  }
0x2e: {  	[tilespmem:$0xF00] =	vst v0  }
0x2f: {  	[tilespmem:$0xF80] =	vst v0  }
0x30: {  	[tilespmem:$0x1000] =	vst v0  }
0x31: {  	[tilespmem:$0x1080] =	vst v0  }
0x32: {  	[tilespmem:$0x1100] =	vst v0  }
0x33: {  	[tilespmem:$0x1180] =	vst v0  }
0x34: {  	[tilespmem:$0x1200] =	vst v0  }
0x35: {  	[tilespmem:$0x1280] =	vst v0  }
0x36: {  	[tilespmem:$0x1300] =	vst v0  }
0x37: {  	[tilespmem:$0x1380] =	vst v0  }
0x38: {  	[tilespmem:$0x1400] =	vst v0  }
0x39: {  	[tilespmem:$0x1480] =	vst v0  }
0x3a: {  	[tilespmem:$0x1500] =	vst v0  }
0x3b: {  	[tilespmem:$0x1580] =	vst v0  }
0x3c: {  	[tilespmem:$0x1600] =	vst v0  }
0x3d: {  	[tilespmem:$0x1680] =	vst v0  }
0x3e: {  	[tilespmem:$0x1700] =	vst v0  }
0x3f: {  	[tilespmem:$0x1780] =	vst v0  }
0x40: {  	[tilespmem:$0x1800] =	vst v0  }
0x41: {  	[tilespmem:$0x1880] =	vst v0  }
0x42: {  	[tilespmem:$0x1900] =	vst v0  }
0x43: {  	[tilespmem:$0x1980] =	vst v0  }
0x44: {  	[tilespmem:$0x1A00] =	vst v0  }
0x45: {  	[tilespmem:$0x1A80] =	vst v0  }
0x46: {  	[tilespmem:$0x1B00] =	vst v0  }
0x47: {  	[tilespmem:$0x1B80] =	vst v0  }
0x48: {  	[tilespmem:$0x1C00] =	vst v0  }
0x49: {  	[tilespmem:$0x1C80] =	vst v0  }
0x4a: {  	[tilespmem:$0x1D00] =	vst v0  }
0x4b: {  	[tilespmem:$0x1D80] =	vst v0  }
0x4c: {  	[tilespmem:$0x1E00] =	vst v0  }
0x4d: {  	[tilespmem:$0x1E80] =	vst v0  }
0x4e: {  	[tilespmem:$0x1F00] =	vst v0  }
0x4f: {  	[tilespmem:$0x1F80] =	vst v0  }
0x50: {  	[tilespmem:$0x2000] =	vst v0  }
0x51: {  	[tilespmem:$0x2080] =	vst v0  }
0x52: {  	[tilespmem:$0x2100] =	vst v0  }
0x53: {  	[tilespmem:$0x2180] =	vst v0  }
0x54: {  	[tilespmem:$0x2200] =	vst v0  }
0x55: {  	[tilespmem:$0x2280] =	vst v0  }
0x56: {  	[tilespmem:$0x2300] =	vst v0  }
0x57: {  	[tilespmem:$0x2380] =	vst v0  }
0x58: {  	[tilespmem:$0x2400] =	vst v0  }
0x59: {  	[tilespmem:$0x2480] =	vst v0  }
0x5a: {  	[tilespmem:$0x2500] =	vst v0  }
0x5b: {  	[tilespmem:$0x2580] =	vst v0  }
0x5c: {  	[tilespmem:$0x2600] =	vst v0  }
0x5d: {  	[tilespmem:$0x2680] =	vst v0  }
0x5e: {  	[tilespmem:$0x2700] =	vst v0  }
0x5f: {  	[tilespmem:$0x2780] =	vst v0  }
0x60: {  	[spmem:s9], [sflag:s5] =	dma.local [hbm:s4], $0x2800  }
0x61: {  	_ =	swait.ge [sflag:s10], $0x2800  }
0x62: {  	[sflag:s10] =	ssyncset.done $0x0  }
0x63: {  	[sflag:s10] =	ssyncadd.s32 $0xFFFFD800  }
0x64: {  	[bflag:$0x0] =	sbarrier.arrive $0xFFFF  }
0x65: {  	[tilespmem:s11], [sflag:$0x1] =	stream.linear.gather [hbm4b:s6+s3], $0x3E80, $0x38;
	[tilespmem:$0x8F10] =	vst v63  }
0x66: {  	_ =	swait.ge [sflag:s10], $0x3E80  }
0x67: {  	[sflag:s10] =	ssyncset.done $0x0  }
0x68: {  	s14 =	simm.s32 $0x2800;
	[sflag:s10] =	ssyncadd.s32 $0xFFFFC180  }
0x69: {  	[spmem:s2] =	stream.indirect.scatter.add.f32 [tilespmem:s3], [sflag:$0x1], $0x10, s14, s12, $0xb8;
	[tilespmem:$0x8F10] =	vst v63  }
0x6a: {  	s14 =	simm.s32 $0x200;
	_ =	swait.ge [sflag:s10], $0x500  }
.LBB2_2:
0x6b: {  	s15 =	sshra.s32 s14, $0x2;
	[sflag:s10] =	ssyncset.done $0x0;
	p0 =	sne.s32 s14, $0xF800  }
.Ltmp0:
0x6c: {  	s15 =	sadd.s32 $0x2800, s15;
	[sflag:s10] =	ssyncadd.s32 $0xFFFFFB00;
	(pc) =	sbr.rel @p0 .LBB2_2-.Ltmp0, $3  }
0x6d: {  	[spmem:s2] =	stream.indirect.scatter.add.f32 [tilespmem:s3], [sflag:$0x1], $0x10, s15, s12, $0xb8;
	[tilespmem:$0x8F10] =	vst v63  }
0x6e: {  	s14 =	sadd.s32 $0x200, s14;
	_ =	sdelay $0x1  }
0x6f: {  	_ =	swait.ge [sflag:s10], $0x500  }
0x70: {  	[sflag:s10] =	ssyncset.done $0x0;
	s13 =	sadd.s32 $0x1, s13  }
0x71: {  	[sflag:s10] =	ssyncadd.s32 $0xFFFFFB00;
	p0 =	sne.s32 s13, s8  }
.Ltmp1:
0x72: {  	[bflag:$0x0] =	sbarrier.arrive $0xFFFF;
	(pc) =	sbr.rel @p0 .LBB2_1-.Ltmp1, $4  }
0x73: {  	[hbm:s7], [sflag:s5] =	dma.local [spmem:s9], $0x2800  }
0x74: {  	_ =	swait.ge [sflag:s10], $0x2800  }
0x75: {  	[sflag:s10] =	ssyncset.done $0x0  }
0x76: {  	[sflag:s10] =	ssyncadd.s32 $0xFFFFD800  }
0x77: {  	_ =	sfence.sel $0x180000  }
0x78: {  	[bflag:$0x0] =	sbarrier.arrive $0xFFFF  }
0x79: {  	p0 =	sne.s32 s1, $0x0;
	_ =	strace $0x90000047  }
0x7a: {  	s0 =	sadd.s32 @!p0 $0x100000, s0;
	[bflag:$0x2] =	sbarrier.arrive $0xFFFF  }
0x7b: {  	[sflag:s0] =	ssyncadd.tile.s32 @!p0 $0x1;
	_ =	shalt  }
.Lfunc_end2:
_tile_overlayer_lowered:
.L_overlay_start_2:
0x7c: {  	(tag) =	ssettag $0x2  }
0x7d: {  	s0 =	rddreg [dreg:$0x0];
	s2 =	stileid.u32  }
0x7e: {  	s1 =	rddreg [dreg:$0x1];
	p0 =	sne.s32 s2, $0x0  }
0x7f: {  	s3 =	rddreg [dreg:$0x2];
	[bflag:$0x3] =	sbarrier.arrive $0xFFFF;
	s2 =	simm.s32 @!p0 $0x1C01  }
0x80: {  	[timem:s3], [sflag:s2] =	dma.local @!p0 [hbm:s0], s1  }
0x81: {  	s0 =	simm.s32 @!p0 $0x1  }
0x82: {  	_ =	swait.ge @!p0 [sflag:s0], s1  }
0x83: {  	s1 =	ssub.s32 @!p0 $0x0, s1;
	[sflag:s0] =	ssyncset.done @!p0 $0x0  }
0x84: {  	[sflag:s0] =	ssyncadd.s32 @!p0 s1  }
0x85: {  	[bflag:$0x3] =	sbarrier.arrive $0xFFFF  }
0x86: {  	_ =	shalt  }

</sc_bundles>
